<compile_context>
chip_gen: v7x
topology: tpu7x:2x2x1
jax: 0.10.2.dev20260603
libtpu: 0.0.44.dev20260713+nightly
codegen_flags: <defaults>
</compile_context>

<pallas_src>
import functools

import jax
import jax.numpy as jnp
from jax import lax
from jax.experimental import pallas as pl
from jax.experimental.pallas import tpu as pltpu
from jax.experimental.pallas import tpu_sc as plsc

SEG_NUM_ALL = 16
NUM_FPS = 64
N = 4096
BS = 8
L = 16
NCHUNKS = N // L
SEG_PER_TILE = 4
NTILES = 32
NEG = -1e10
BIG_IDX = 1 << 30


def _lane_shuffle(v, idx):
    dnums = lax.GatherDimensionNumbers(
        offset_dims=(), collapsed_slice_dims=(0,), start_index_map=(0,)
    )
    return lax.gather(
        v, idx[:, None], dimension_numbers=dnums, slice_sizes=(1,),
        mode=lax.GatherScatterMode.PROMISE_IN_BOUNDS,
    )


def _allreduce(v, op):
    iota = lax.iota(jnp.int32, L)
    for sh in (8, 4, 2, 1):
        v = op(v, _lane_shuffle(v, iota ^ sh))
    return v


def kernel(x):
    pts = jnp.transpose(x[..., :3], (2, 0, 1)).reshape(-1)
    labels = x[..., 3].astype(jnp.int32).reshape(-1)

    mesh = plsc.VectorSubcoreMesh(core_axis_name="c", subcore_axis_name="s")

    @functools.partial(
        pl.kernel,
        out_type=(
            jax.ShapeDtypeStruct((3 * NTILES * SEG_PER_TILE * NUM_FPS,), jnp.float32),
            jax.ShapeDtypeStruct((NTILES * L,), jnp.int32),
        ),
        mesh=mesh,
        compiler_params=pltpu.CompilerParams(needs_layout_passes=False),
        scratch_types=[
            pltpu.VMEM((N,), jnp.float32),
            pltpu.VMEM((N,), jnp.float32),
            pltpu.VMEM((N,), jnp.float32),
            pltpu.VMEM((N,), jnp.int32),
            pltpu.VMEM((N,), jnp.float32), pltpu.VMEM((N,), jnp.float32),
            pltpu.VMEM((N,), jnp.float32), pltpu.VMEM((N,), jnp.float32),
            pltpu.VMEM((N,), jnp.float32), pltpu.VMEM((N,), jnp.float32),
            pltpu.VMEM((N,), jnp.float32), pltpu.VMEM((N,), jnp.float32),
            pltpu.VMEM((N,), jnp.float32), pltpu.VMEM((N,), jnp.float32),
            pltpu.VMEM((N,), jnp.float32), pltpu.VMEM((N,), jnp.float32),
            pltpu.VMEM((N,), jnp.float32), pltpu.VMEM((N,), jnp.float32),
            pltpu.VMEM((N,), jnp.float32), pltpu.VMEM((N,), jnp.float32),
            pltpu.VMEM((SEG_PER_TILE * NUM_FPS,), jnp.float32),
            pltpu.VMEM((SEG_PER_TILE * NUM_FPS,), jnp.float32),
            pltpu.VMEM((SEG_PER_TILE * NUM_FPS,), jnp.float32),
            pltpu.VMEM((L,), jnp.int32),
        ],
    )
    def run(pts_hbm, lab_hbm, gp_hbm, cnt_hbm,
            pxv, pyv, pzv, labv,
            cx0, cy0, cz0, cx1, cy1, cz1, cx2, cy2, cz2, cx3, cy3, cz3,
            d0, d1, d2, d3, ox, oy, oz, cntv):
        wid = lax.axis_index("s") * 2 + lax.axis_index("c")
        b = wid // 4
        g = wid % 4
        comp = ((cx0, cy0, cz0), (cx1, cy1, cz1),
                (cx2, cy2, cz2), (cx3, cy3, cz3))
        distv = (d0, d1, d2, d3)
        outv = (ox, oy, oz)
        planes = (pxv, pyv, pzv)

        for d in range(3):
            pltpu.sync_copy(pts_hbm.at[pl.ds((d * BS + b) * N, N)], planes[d])
        pltpu.sync_copy(lab_hbm.at[pl.ds(b * N, N)], labv)

        iota = lax.iota(jnp.int32, L)

        offs0 = tuple(jnp.zeros((L,), jnp.int32) for _ in range(SEG_PER_TILE))

        @plsc.parallel_loop(0, NCHUNKS, unroll=2, carry=offs0)
        def compact_chunk(j, offs):
            lab_c = labv[pl.ds(j * L, L)]
            px = pxv[pl.ds(j * L, L)]
            py = pyv[pl.ds(j * L, L)]
            pz = pzv[pl.ds(j * L, L)]
            new_offs = []
            for k in range(SEG_PER_TILE):
                s = g * SEG_PER_TILE + k
                m = lab_c == s
                mi = jnp.where(m, 1, 0).astype(jnp.int32)
                pos = offs[k] + jnp.cumsum(mi) - 1
                plsc.store_scatter(comp[k][0], [pos], px, mask=m)
                plsc.store_scatter(comp[k][1], [pos], py, mask=m)
                plsc.store_scatter(comp[k][2], [pos], pz, mask=m)
                new_offs.append(offs[k] + plsc.all_reduce_population_count(m))
            return tuple(new_offs)

        offs = compact_chunk

        cnt_vec = jnp.zeros((L,), jnp.int32)

        for k in range(SEG_PER_TILE):
            ckx, cky, ckz = comp[k]
            dk = distv[k]
            countv = offs[k]
            count = jnp.max(countv)
            nch = ((count + 4 * L - 1) // (4 * L)) * 4

            @plsc.parallel_loop(0, nch, unroll=4)
            def init_chunk(j, dk=dk, countv=countv):
                lin = j * L + iota
                dk[pl.ds(j * L, L)] = jnp.where(
                    lin < countv, jnp.float32(1e10), jnp.float32(NEG))

            def step(t, carry, ckx=ckx, cky=cky, ckz=ckz, dk=dk, nch=nch):
                curv, sel = carry
                lane = t % L
                w = t // L
                lanemask = iota == lane
                sel = tuple(
                    jnp.where((w == wi) & lanemask, curv, sel[wi])
                    for wi in range(4)
                )
                cx = plsc.load_gather(ckx, [curv])
                cy = plsc.load_gather(cky, [curv])
                cz = plsc.load_gather(ckz, [curv])

                bv0 = jnp.full((L,), jnp.float32(-3e38))
                bi0 = jnp.zeros((L,), jnp.int32)

                @plsc.parallel_loop(0, nch, unroll=4, carry=(bv0, bi0))
                def chunk(j, c2, ckx=ckx, cky=cky, ckz=ckz, dk=dk):
                    bv, bi = c2
                    px = ckx[pl.ds(j * L, L)]
                    py = cky[pl.ds(j * L, L)]
                    pz = ckz[pl.ds(j * L, L)]
                    dist = dk[pl.ds(j * L, L)]
                    dx = px - cx
                    dy = py - cy
                    dz = pz - cz
                    dd = dx * dx + dy * dy + dz * dz
                    nd = jnp.minimum(dist, dd)
                    dk[pl.ds(j * L, L)] = nd
                    pred = nd > bv
                    bv = jnp.where(pred, nd, bv)
                    bi = jnp.where(pred, j * L + iota, bi)
                    return bv, bi

                bv, bi = chunk
                maxv = _allreduce(bv, jnp.maximum)
                cand = jnp.where(bv == maxv, bi, BIG_IDX)
                nxtv = _allreduce(cand, jnp.minimum)
                nxtv = jnp.where(nxtv >= N, 0, nxtv)
                return nxtv, sel

            sel0 = tuple(jnp.zeros((L,), jnp.int32) for _ in range(4))
            _, sel = lax.fori_loop(
                0, NUM_FPS, step, (jnp.zeros((L,), jnp.int32), sel0))

            multv = jnp.where(countv >= NUM_FPS, jnp.float32(1.0),
                              jnp.float32(0.0))
            for wi in range(4):
                vx = plsc.load_gather(ckx, [sel[wi]]) * multv
                vy = plsc.load_gather(cky, [sel[wi]]) * multv
                vz = plsc.load_gather(ckz, [sel[wi]]) * multv
                ox[pl.ds(k * NUM_FPS + wi * L, L)] = vx
                oy[pl.ds(k * NUM_FPS + wi * L, L)] = vy
                oz[pl.ds(k * NUM_FPS + wi * L, L)] = vz

            cnt_vec = jnp.where(iota == k, countv, cnt_vec)

        blk = SEG_PER_TILE * NUM_FPS
        for d in range(3):
            pltpu.sync_copy(outv[d],
                            gp_hbm.at[pl.ds((d * NTILES + wid) * blk, blk)])
        cntv[...] = cnt_vec
        pltpu.sync_copy(cntv, cnt_hbm.at[pl.ds(wid * L, L)])

    gp_raw, cnt_raw = run(pts, labels)

    counts = cnt_raw.reshape(NTILES, L)[:, :SEG_PER_TILE].reshape(BS, SEG_NUM_ALL)
    masks = counts >= NUM_FPS
    gp = (
        gp_raw.reshape(3, BS, 4, SEG_PER_TILE, NUM_FPS)
        .transpose(1, 2, 3, 4, 0)
        .reshape(BS, SEG_NUM_ALL, NUM_FPS, 3)
    )
    return gp, masks

# --- scband reference (transcript-rebuilt; emitter-appended) ---
"""Pipeline reference for scband-part-based-decoomposition-30382598652046 (READ-ONLY COPY).

The authoritative reference and input builder live on the scoring server;
editing this copy changes nothing except your own understanding.
"""

import jax, jax.numpy as jnp
import numpy as np

SEG_NUM_ALL = 16
NUM_FPS = 64
CONF_THRES = 0.5


def setup_inputs(seed: int = 0) -> dict:
    key = jax.random.key(seed)
    k1, k2 = jax.random.split(key)
    bs, n = 8, 4096
    pts = jax.random.normal(k1, (bs, n, 3), dtype=jnp.float32)
    label = jax.random.randint(k2, (bs, n), 0, SEG_NUM_ALL).astype(jnp.float32)
    x = jnp.concatenate([pts, label[..., None]], axis=-1)
    return {"x": x}


def _masked_fps(points, mask):
    # Farthest point sampling restricted to points where mask is True.
    # Mirrors pointnet2 furthest_point_sample over the subset points[label==sidx]:
    # starts at the first in-segment point, iteratively picks the in-segment point
    # with max squared distance to the selected set.
    n = points.shape[0]
    neg = jnp.float32(-1e10)
    first = jnp.argmax(mask).astype(jnp.int32)  # first index of the subset
    dist0 = jnp.full((n,), 1e10, dtype=jnp.float32)

    def step(carry, _):
        dist, cur = carry
        d = jnp.sum((points - points[cur]) ** 2, axis=-1)
        dist = jnp.minimum(dist, d)
        nxt = jnp.argmax(jnp.where(mask, dist, neg)).astype(jnp.int32)
        return (dist, nxt), cur

    _, idxs = jax.lax.scan(step, (dist0, first), None, length=NUM_FPS)
    return points[idxs]  # [NUM_FPS, 3]


def reference(x):
    bs = x.shape[0]
    points = x[..., :3]
    label = x[..., 3]
    # per-segment membership masks [bs, seg, N]
    seg_masks = jnp.stack([label == i for i in range(SEG_NUM_ALL)], axis=1)
    counts = seg_masks.sum(axis=-1)
    masks = counts >= NUM_FPS  # [bs, seg]
    # vmap FPS over (batch, segment)
    gp = jax.vmap(jax.vmap(_masked_fps, in_axes=(None, 0)), in_axes=(0, 0))(points, seg_masks)
    group_points = jnp.where(masks[:, :, None, None], gp, jnp.float32(0.0))
    return group_points, masks

if __name__ == "__main__":
    import jax
    _d = setup_inputs()
    print(jax.jit(kernel)(*tuple(_d.values())))

</pallas_src>

<mosaic_0001>
#map = affine_map<(d0, d1) -> (0)>
module attributes {stable_mosaic.version = 14 : i64} {
  func.func @run(%arg0: i32, %arg1: i32, %arg2: memref<98304xf32, #tpu.memory_space<hbm>>, %arg3: memref<32768xi32, #tpu.memory_space<hbm>>, %arg4: memref<24576xf32, #tpu.memory_space<hbm>>, %arg5: memref<512xi32, #tpu.memory_space<hbm>>, %arg6: memref<4096xf32, #tpu.memory_space<vmem>>, %arg7: memref<4096xf32, #tpu.memory_space<vmem>>, %arg8: memref<4096xf32, #tpu.memory_space<vmem>>, %arg9: memref<4096xi32, #tpu.memory_space<vmem>>, %arg10: memref<4096xf32, #tpu.memory_space<vmem>>, %arg11: memref<4096xf32, #tpu.memory_space<vmem>>, %arg12: memref<4096xf32, #tpu.memory_space<vmem>>, %arg13: memref<4096xf32, #tpu.memory_space<vmem>>, %arg14: memref<4096xf32, #tpu.memory_space<vmem>>, %arg15: memref<4096xf32, #tpu.memory_space<vmem>>, %arg16: memref<4096xf32, #tpu.memory_space<vmem>>, %arg17: memref<4096xf32, #tpu.memory_space<vmem>>, %arg18: memref<4096xf32, #tpu.memory_space<vmem>>, %arg19: memref<4096xf32, #tpu.memory_space<vmem>>, %arg20: memref<4096xf32, #tpu.memory_space<vmem>>, %arg21: memref<4096xf32, #tpu.memory_space<vmem>>, %arg22: memref<4096xf32, #tpu.memory_space<vmem>>, %arg23: memref<4096xf32, #tpu.memory_space<vmem>>, %arg24: memref<4096xf32, #tpu.memory_space<vmem>>, %arg25: memref<4096xf32, #tpu.memory_space<vmem>>, %arg26: memref<256xf32, #tpu.memory_space<vmem>>, %arg27: memref<256xf32, #tpu.memory_space<vmem>>, %arg28: memref<256xf32, #tpu.memory_space<vmem>>, %arg29: memref<16xi32, #tpu.memory_space<vmem>>) attributes {dimension_semantics = [#tpu.dimension_semantics<core_parallel>, #tpu.dimension_semantics<subcore_parallel>], iteration_bounds = array<i64: 2, 16>, scalar_prefetch = 0 : i64, scratch_operands = 24 : i64, tpu.core_type = #tpu.core_type<sc_vector_subcore>, window_params = [{transform_indices = #map}, {transform_indices = #map}, {transform_indices = #map}, {transform_indices = #map}]} {
    %mul3A = arith.constant 2 : i32
    %mul3A_0 = arith.muli %arg1, %mul3A : i32
    %add3A = arith.addi %mul3A_0, %arg0 : i32
    %jit3A = arith.constant 4 : i32
    %div3A = arith.divsi %add3A, %jit3A : i32
    %sign3A = arith.constant 0 : i32
    %sign3A_1 = arith.cmpi sgt, %add3A, %sign3A : i32
    %sign3A_2 = arith.extui %sign3A_1 : i1 to i32
    %sign3A_3 = arith.constant 0 : i32
    %sign3A_4 = arith.cmpi slt, %add3A, %sign3A_3 : i32
    %sign3A_5 = arith.extui %sign3A_4 : i1 to i32
    %sign3A_6 = arith.subi %sign3A_2, %sign3A_5 : i32
    %sign3A_7 = arith.constant 0 : i32
    %sign3A_8 = arith.cmpi sgt, %jit3A, %sign3A_7 : i32
    %sign3A_9 = arith.extui %sign3A_8 : i1 to i32
    %sign3A_10 = arith.constant 0 : i32
    %sign3A_11 = arith.cmpi slt, %jit3A, %sign3A_10 : i32
    %sign3A_12 = arith.extui %sign3A_11 : i1 to i32
    %sign3A_13 = arith.subi %sign3A_9, %sign3A_12 : i32
    %ne3A = arith.cmpi ne, %sign3A_6, %sign3A_13 : i32
    %rem3A = arith.remsi %add3A, %jit3A : i32
    %ne3A_14 = arith.constant 0 : i32
    %ne3A_15 = arith.cmpi ne, %rem3A, %ne3A_14 : i32
    %and3A = arith.andi %ne3A, %ne3A_15 : i1
    %sub3A = arith.constant 1 : i32
    %sub3A_16 = arith.subi %div3A, %sub3A : i32
    %select_n3A = arith.select %and3A, %sub3A_16, %div3A : i32
    %jit3A_17 = arith.constant 4 : i32
    %eq3A = arith.constant 0 : i32
    %eq3A_18 = arith.cmpi eq, %jit3A_17, %eq3A : i32
    %jit3A_19 = arith.constant 1 : i32
    %select_n3A_20 = arith.select %eq3A_18, %jit3A_19, %jit3A_17 : i32
    %rem3A_21 = arith.remsi %add3A, %select_n3A_20 : i32
    %ne3A_22 = arith.constant 0 : i32
    %ne3A_23 = arith.cmpi ne, %rem3A_21, %ne3A_22 : i32
    %lt3A = arith.constant 0 : i32
    %lt3A_24 = arith.cmpi slt, %rem3A_21, %lt3A : i32
    %lt3A_25 = arith.constant 0 : i32
    %lt3A_26 = arith.cmpi slt, %select_n3A_20, %lt3A_25 : i32
    %ne3A_27 = arith.xori %lt3A_24, %lt3A_26 : i1
    %and3A_28 = arith.andi %ne3A_27, %ne3A_23 : i1
    %add3A_29 = arith.addi %rem3A_21, %select_n3A_20 : i32
    %select_n3A_30 = arith.select %and3A_28, %add3A_29, %rem3A_21 : i32
    %add3A_31 = arith.constant 0 : i32
    %add3A_32 = arith.addi %add3A_31, %select_n3A : i32
    %mul3A_33 = arith.constant 4096 : i32
    %mul3A_34 = arith.muli %add3A_32, %mul3A_33 : i32
    "tpu.region"() ({
      %run_scoped3A = tpu.sem_alloc : memref<!tpu.dma_semaphore, #tpu.memory_space<semaphore_mem>>
      %dma_start3A = tpu.memref_slice %arg2[%mul3A_34] : memref<98304xf32, #tpu.memory_space<hbm>> -> memref<4096xf32, #tpu.memory_space<hbm>>
      %dma_start3A_532 = tpu.memref_slice %arg2[%mul3A_34] : memref<98304xf32, #tpu.memory_space<hbm>> -> memref<4096xf32, #tpu.memory_space<hbm>>
      tpu.enqueue_dma source(%dma_start3A_532 : memref<4096xf32, #tpu.memory_space<hbm>>) target(%arg6 : memref<4096xf32, #tpu.memory_space<vmem>>) target_semaphore(%run_scoped3A : memref<!tpu.dma_semaphore, #tpu.memory_space<semaphore_mem>>)
      %dma_wait3A = tpu.memref_slice %arg2[%mul3A_34] : memref<98304xf32, #tpu.memory_space<hbm>> -> memref<4096xf32, #tpu.memory_space<hbm>>
      %dma_wait3A_533 = tpu.memref_slice %arg2[%mul3A_34] : memref<98304xf32, #tpu.memory_space<hbm>> -> memref<4096xf32, #tpu.memory_space<hbm>>
      tpu.wait_dma2 semaphore(%run_scoped3A : memref<!tpu.dma_semaphore, #tpu.memory_space<semaphore_mem>>) src(%dma_wait3A_533 : memref<4096xf32, #tpu.memory_space<hbm>>) dst(%arg6 : memref<4096xf32, #tpu.memory_space<vmem>>)
      tpu.yield
    }) : () -> ()
    %add3A_35 = arith.constant 8 : i32
    %add3A_36 = arith.addi %add3A_35, %select_n3A : i32
    %mul3A_37 = arith.constant 4096 : i32
    %mul3A_38 = arith.muli %add3A_36, %mul3A_37 : i32
    "tpu.region"() ({
      %run_scoped3A = tpu.sem_alloc : memref<!tpu.dma_semaphore, #tpu.memory_space<semaphore_mem>>
      %dma_start3A = tpu.memref_slice %arg2[%mul3A_38] : memref<98304xf32, #tpu.memory_space<hbm>> -> memref<4096xf32, #tpu.memory_space<hbm>>
      %dma_start3A_532 = tpu.memref_slice %arg2[%mul3A_38] : memref<98304xf32, #tpu.memory_space<hbm>> -> memref<4096xf32, #tpu.memory_space<hbm>>
      tpu.enqueue_dma source(%dma_start3A_532 : memref<4096xf32, #tpu.memory_space<hbm>>) target(%arg7 : memref<4096xf32, #tpu.memory_space<vmem>>) target_semaphore(%run_scoped3A : memref<!tpu.dma_semaphore, #tpu.memory_space<semaphore_mem>>)
      %dma_wait3A = tpu.memref_slice %arg2[%mul3A_38] : memref<98304xf32, #tpu.memory_space<hbm>> -> memref<4096xf32, #tpu.memory_space<hbm>>
      %dma_wait3A_533 = tpu.memref_slice %arg2[%mul3A_38] : memref<98304xf32, #tpu.memory_space<hbm>> -> memref<4096xf32, #tpu.memory_space<hbm>>
      tpu.wait_dma2 semaphore(%run_scoped3A : memref<!tpu.dma_semaphore, #tpu.memory_space<semaphore_mem>>) src(%dma_wait3A_533 : memref<4096xf32, #tpu.memory_space<hbm>>) dst(%arg7 : memref<4096xf32, #tpu.memory_space<vmem>>)
      tpu.yield
    }) : () -> ()
    %add3A_39 = arith.constant 16 : i32
    %add3A_40 = arith.addi %add3A_39, %select_n3A : i32
    %mul3A_41 = arith.constant 4096 : i32
    %mul3A_42 = arith.muli %add3A_40, %mul3A_41 : i32
    "tpu.region"() ({
      %run_scoped3A = tpu.sem_alloc : memref<!tpu.dma_semaphore, #tpu.memory_space<semaphore_mem>>
      %dma_start3A = tpu.memref_slice %arg2[%mul3A_42] : memref<98304xf32, #tpu.memory_space<hbm>> -> memref<4096xf32, #tpu.memory_space<hbm>>
      %dma_start3A_532 = tpu.memref_slice %arg2[%mul3A_42] : memref<98304xf32, #tpu.memory_space<hbm>> -> memref<4096xf32, #tpu.memory_space<hbm>>
      tpu.enqueue_dma source(%dma_start3A_532 : memref<4096xf32, #tpu.memory_space<hbm>>) target(%arg8 : memref<4096xf32, #tpu.memory_space<vmem>>) target_semaphore(%run_scoped3A : memref<!tpu.dma_semaphore, #tpu.memory_space<semaphore_mem>>)
      %dma_wait3A = tpu.memref_slice %arg2[%mul3A_42] : memref<98304xf32, #tpu.memory_space<hbm>> -> memref<4096xf32, #tpu.memory_space<hbm>>
      %dma_wait3A_533 = tpu.memref_slice %arg2[%mul3A_42] : memref<98304xf32, #tpu.memory_space<hbm>> -> memref<4096xf32, #tpu.memory_space<hbm>>
      tpu.wait_dma2 semaphore(%run_scoped3A : memref<!tpu.dma_semaphore, #tpu.memory_space<semaphore_mem>>) src(%dma_wait3A_533 : memref<4096xf32, #tpu.memory_space<hbm>>) dst(%arg8 : memref<4096xf32, #tpu.memory_space<vmem>>)
      tpu.yield
    }) : () -> ()
    %mul3A_43 = arith.constant 4096 : i32
    %mul3A_44 = arith.muli %select_n3A, %mul3A_43 : i32
    "tpu.region"() ({
      %run_scoped3A = tpu.sem_alloc : memref<!tpu.dma_semaphore, #tpu.memory_space<semaphore_mem>>
      %dma_start3A = tpu.memref_slice %arg3[%mul3A_44] : memref<32768xi32, #tpu.memory_space<hbm>> -> memref<4096xi32, #tpu.memory_space<hbm>>
      %dma_start3A_532 = tpu.memref_slice %arg3[%mul3A_44] : memref<32768xi32, #tpu.memory_space<hbm>> -> memref<4096xi32, #tpu.memory_space<hbm>>
      tpu.enqueue_dma source(%dma_start3A_532 : memref<4096xi32, #tpu.memory_space<hbm>>) target(%arg9 : memref<4096xi32, #tpu.memory_space<vmem>>) target_semaphore(%run_scoped3A : memref<!tpu.dma_semaphore, #tpu.memory_space<semaphore_mem>>)
      %dma_wait3A = tpu.memref_slice %arg3[%mul3A_44] : memref<32768xi32, #tpu.memory_space<hbm>> -> memref<4096xi32, #tpu.memory_space<hbm>>
      %dma_wait3A_533 = tpu.memref_slice %arg3[%mul3A_44] : memref<32768xi32, #tpu.memory_space<hbm>> -> memref<4096xi32, #tpu.memory_space<hbm>>
      tpu.wait_dma2 semaphore(%run_scoped3A : memref<!tpu.dma_semaphore, #tpu.memory_space<semaphore_mem>>) src(%dma_wait3A_533 : memref<4096xi32, #tpu.memory_space<hbm>>) dst(%arg9 : memref<4096xi32, #tpu.memory_space<vmem>>)
      tpu.yield
    }) : () -> ()
    %iota3A = tpu.iota {dimensions = array<i32: 0>} : vector<16xi32>
    %broadcast_in_dim3A = arith.constant 0 : i32
    %broadcast_in_dim3A_45 = vector.broadcast %broadcast_in_dim3A : i32 to vector<16xi32>
    %broadcast_in_dim3A_46 = arith.constant 0 : i32
    %broadcast_in_dim3A_47 = vector.broadcast %broadcast_in_dim3A_46 : i32 to vector<16xi32>
    %broadcast_in_dim3A_48 = arith.constant 0 : i32
    %broadcast_in_dim3A_49 = vector.broadcast %broadcast_in_dim3A_48 : i32 to vector<16xi32>
    %broadcast_in_dim3A_50 = arith.constant 0 : i32
    %broadcast_in_dim3A_51 = vector.broadcast %broadcast_in_dim3A_50 : i32 to vector<16xi32>
    %parallel_loop3A = arith.constant 0 : i32
    %parallel_loop3A_52 = arith.constant 256 : i32
    %parallel_loop3A_53 = arith.constant 1 : i32
    %parallel_loop3A_54:4 = scf.for %parallel_loop3A_532 = %parallel_loop3A to %parallel_loop3A_52 step %parallel_loop3A_53 iter_args(%parallel_loop3A_533 = %broadcast_in_dim3A_45, %parallel_loop3A_534 = %broadcast_in_dim3A_47, %parallel_loop3A_535 = %broadcast_in_dim3A_49, %parallel_loop3A_536 = %broadcast_in_dim3A_51) -> (vector<16xi32>, vector<16xi32>, vector<16xi32>, vector<16xi32>)  : i32 {
      %parallel_loop3A_537 = arith.constant 16 : i32
      %parallel_loop3A_538 = arith.muli %parallel_loop3A_532, %parallel_loop3A_537 : i32
      %parallel_loop3A_539 = arith.index_cast %parallel_loop3A_538 : i32 to index
      %parallel_loop3A_540 = tpu.vector_load %arg9[%parallel_loop3A_539] {strides = array<i32>} : memref<4096xi32, #tpu.memory_space<vmem>>, vector<16xi32>,
      %parallel_loop3A_541 = arith.constant 16 : i32
      %parallel_loop3A_542 = arith.muli %parallel_loop3A_532, %parallel_loop3A_541 : i32
      %parallel_loop3A_543 = arith.index_cast %parallel_loop3A_542 : i32 to index
      %parallel_loop3A_544 = tpu.vector_load %arg6[%parallel_loop3A_543] {strides = array<i32>} : memref<4096xf32, #tpu.memory_space<vmem>>, vector<16xf32>,
      %parallel_loop3A_545 = arith.constant 16 : i32
      %parallel_loop3A_546 = arith.muli %parallel_loop3A_532, %parallel_loop3A_545 : i32
      %parallel_loop3A_547 = arith.index_cast %parallel_loop3A_546 : i32 to index
      %parallel_loop3A_548 = tpu.vector_load %arg7[%parallel_loop3A_547] {strides = array<i32>} : memref<4096xf32, #tpu.memory_space<vmem>>, vector<16xf32>,
      %parallel_loop3A_549 = arith.constant 16 : i32
      %parallel_loop3A_550 = arith.muli %parallel_loop3A_532, %parallel_loop3A_549 : i32
      %parallel_loop3A_551 = arith.index_cast %parallel_loop3A_550 : i32 to index
      %parallel_loop3A_552 = tpu.vector_load %arg8[%parallel_loop3A_551] {strides = array<i32>} : memref<4096xf32, #tpu.memory_space<vmem>>, vector<16xf32>,
      %parallel_loop3A_553 = arith.constant 4 : i32
      %parallel_loop3A_554 = arith.muli %select_n3A_30, %parallel_loop3A_553 : i32
      %parallel_loop3A_555 = arith.constant 0 : i32
      %parallel_loop3A_556 = arith.addi %parallel_loop3A_554, %parallel_loop3A_555 : i32
      %parallel_loop3A_557 = vector.broadcast %parallel_loop3A_556 : i32 to vector<16xi32>
      %parallel_loop3A_558 = arith.cmpi eq, %parallel_loop3A_540, %parallel_loop3A_557 : vector<16xi32>
      %parallel_loop3A_559 = arith.constant 1 : i32
      %parallel_loop3A_560 = arith.constant 0 : i32
      %parallel_loop3A_561 = vector.broadcast %parallel_loop3A_559 : i32 to vector<16xi32>
      %parallel_loop3A_562 = vector.broadcast %parallel_loop3A_560 : i32 to vector<16xi32>
      %parallel_loop3A_563 = arith.select %parallel_loop3A_558, %parallel_loop3A_561, %parallel_loop3A_562 : vector<16xi1>, vector<16xi32>
      %parallel_loop3A_564 = arith.constant true
      %parallel_loop3A_565 = vector.broadcast %parallel_loop3A_564 : i1 to vector<16xi1>
      %parallel_loop3A_566 = tpu.scan <sum>, %parallel_loop3A_563 masked %parallel_loop3A_565 : vector<16xi32>, vector<16xi1> -> vector<16xi32>
      %parallel_loop3A_567 = arith.addi %parallel_loop3A_533, %parallel_loop3A_566 : vector<16xi32>
      %parallel_loop3A_568 = arith.constant 1 : i32
      %parallel_loop3A_569 = vector.broadcast %parallel_loop3A_568 : i32 to vector<16xi32>
      %parallel_loop3A_570 = arith.subi %parallel_loop3A_567, %parallel_loop3A_569 : vector<16xi32>
      tpu.vector_store_idx %arg10[%parallel_loop3A_570], %parallel_loop3A_544 masked %parallel_loop3A_558 : memref<4096xf32, #tpu.memory_space<vmem>>[vector<16xi32>], vector<16xf32>, vector<16xi1>
      tpu.vector_store_idx %arg11[%parallel_loop3A_570], %parallel_loop3A_548 masked %parallel_loop3A_558 : memref<4096xf32, #tpu.memory_space<vmem>>[vector<16xi32>], vector<16xf32>, vector<16xi1>
      tpu.vector_store_idx %arg12[%parallel_loop3A_570], %parallel_loop3A_552 masked %parallel_loop3A_558 : memref<4096xf32, #tpu.memory_space<vmem>>[vector<16xi32>], vector<16xf32>, vector<16xi1>
      %parallel_loop3A_571 = tpu.all_reduce %parallel_loop3A_558 {dim = 0 : i64, kind = #tpu.reduction_kind<sum>} : vector<16xi1> -> vector<16xi32>
      %parallel_loop3A_572 = arith.addi %parallel_loop3A_533, %parallel_loop3A_571 : vector<16xi32>
      %parallel_loop3A_573 = arith.constant 4 : i32
      %parallel_loop3A_574 = arith.muli %select_n3A_30, %parallel_loop3A_573 : i32
      %parallel_loop3A_575 = arith.constant 1 : i32
      %parallel_loop3A_576 = arith.addi %parallel_loop3A_574, %parallel_loop3A_575 : i32
      %parallel_loop3A_577 = vector.broadcast %parallel_loop3A_576 : i32 to vector<16xi32>
      %parallel_loop3A_578 = arith.cmpi eq, %parallel_loop3A_540, %parallel_loop3A_577 : vector<16xi32>
      %parallel_loop3A_579 = arith.constant 1 : i32
      %parallel_loop3A_580 = arith.constant 0 : i32
      %parallel_loop3A_581 = vector.broadcast %parallel_loop3A_579 : i32 to vector<16xi32>
      %parallel_loop3A_582 = vector.broadcast %parallel_loop3A_580 : i32 to vector<16xi32>
      %parallel_loop3A_583 = arith.select %parallel_loop3A_578, %parallel_loop3A_581, %parallel_loop3A_582 : vector<16xi1>, vector<16xi32>
      %parallel_loop3A_584 = arith.constant true
      %parallel_loop3A_585 = vector.broadcast %parallel_loop3A_584 : i1 to vector<16xi1>
      %parallel_loop3A_586 = tpu.scan <sum>, %parallel_loop3A_583 masked %parallel_loop3A_585 : vector<16xi32>, vector<16xi1> -> vector<16xi32>
      %parallel_loop3A_587 = arith.addi %parallel_loop3A_534, %parallel_loop3A_586 : vector<16xi32>
      %parallel_loop3A_588 = arith.constant 1 : i32
      %parallel_loop3A_589 = vector.broadcast %parallel_loop3A_588 : i32 to vector<16xi32>
      %parallel_loop3A_590 = arith.subi %parallel_loop3A_587, %parallel_loop3A_589 : vector<16xi32>
      tpu.vector_store_idx %arg13[%parallel_loop3A_590], %parallel_loop3A_544 masked %parallel_loop3A_578 : memref<4096xf32, #tpu.memory_space<vmem>>[vector<16xi32>], vector<16xf32>, vector<16xi1>
      tpu.vector_store_idx %arg14[%parallel_loop3A_590], %parallel_loop3A_548 masked %parallel_loop3A_578 : memref<4096xf32, #tpu.memory_space<vmem>>[vector<16xi32>], vector<16xf32>, vector<16xi1>
      tpu.vector_store_idx %arg15[%parallel_loop3A_590], %parallel_loop3A_552 masked %parallel_loop3A_578 : memref<4096xf32, #tpu.memory_space<vmem>>[vector<16xi32>], vector<16xf32>, vector<16xi1>
      %parallel_loop3A_591 = tpu.all_reduce %parallel_loop3A_578 {dim = 0 : i64, kind = #tpu.reduction_kind<sum>} : vector<16xi1> -> vector<16xi32>
      %parallel_loop3A_592 = arith.addi %parallel_loop3A_534, %parallel_loop3A_591 : vector<16xi32>
      %parallel_loop3A_593 = arith.constant 4 : i32
      %parallel_loop3A_594 = arith.muli %select_n3A_30, %parallel_loop3A_593 : i32
      %parallel_loop3A_595 = arith.constant 2 : i32
      %parallel_loop3A_596 = arith.addi %parallel_loop3A_594, %parallel_loop3A_595 : i32
      %parallel_loop3A_597 = vector.broadcast %parallel_loop3A_596 : i32 to vector<16xi32>
      %parallel_loop3A_598 = arith.cmpi eq, %parallel_loop3A_540, %parallel_loop3A_597 : vector<16xi32>
      %parallel_loop3A_599 = arith.constant 1 : i32
      %parallel_loop3A_600 = arith.constant 0 : i32
      %parallel_loop3A_601 = vector.broadcast %parallel_loop3A_599 : i32 to vector<16xi32>
      %parallel_loop3A_602 = vector.broadcast %parallel_loop3A_600 : i32 to vector<16xi32>
      %parallel_loop3A_603 = arith.select %parallel_loop3A_598, %parallel_loop3A_601, %parallel_loop3A_602 : vector<16xi1>, vector<16xi32>
      %parallel_loop3A_604 = arith.constant true
      %parallel_loop3A_605 = vector.broadcast %parallel_loop3A_604 : i1 to vector<16xi1>
      %parallel_loop3A_606 = tpu.scan <sum>, %parallel_loop3A_603 masked %parallel_loop3A_605 : vector<16xi32>, vector<16xi1> -> vector<16xi32>
      %parallel_loop3A_607 = arith.addi %parallel_loop3A_535, %parallel_loop3A_606 : vector<16xi32>
      %parallel_loop3A_608 = arith.constant 1 : i32
      %parallel_loop3A_609 = vector.broadcast %parallel_loop3A_608 : i32 to vector<16xi32>
      %parallel_loop3A_610 = arith.subi %parallel_loop3A_607, %parallel_loop3A_609 : vector<16xi32>
      tpu.vector_store_idx %arg16[%parallel_loop3A_610], %parallel_loop3A_544 masked %parallel_loop3A_598 : memref<4096xf32, #tpu.memory_space<vmem>>[vector<16xi32>], vector<16xf32>, vector<16xi1>
      tpu.vector_store_idx %arg17[%parallel_loop3A_610], %parallel_loop3A_548 masked %parallel_loop3A_598 : memref<4096xf32, #tpu.memory_space<vmem>>[vector<16xi32>], vector<16xf32>, vector<16xi1>
      tpu.vector_store_idx %arg18[%parallel_loop3A_610], %parallel_loop3A_552 masked %parallel_loop3A_598 : memref<4096xf32, #tpu.memory_space<vmem>>[vector<16xi32>], vector<16xf32>, vector<16xi1>
      %parallel_loop3A_611 = tpu.all_reduce %parallel_loop3A_598 {dim = 0 : i64, kind = #tpu.reduction_kind<sum>} : vector<16xi1> -> vector<16xi32>
      %parallel_loop3A_612 = arith.addi %parallel_loop3A_535, %parallel_loop3A_611 : vector<16xi32>
      %parallel_loop3A_613 = arith.constant 4 : i32
      %parallel_loop3A_614 = arith.muli %select_n3A_30, %parallel_loop3A_613 : i32
      %parallel_loop3A_615 = arith.constant 3 : i32
      %parallel_loop3A_616 = arith.addi %parallel_loop3A_614, %parallel_loop3A_615 : i32
      %parallel_loop3A_617 = vector.broadcast %parallel_loop3A_616 : i32 to vector<16xi32>
      %parallel_loop3A_618 = arith.cmpi eq, %parallel_loop3A_540, %parallel_loop3A_617 : vector<16xi32>
      %parallel_loop3A_619 = arith.constant 1 : i32
      %parallel_loop3A_620 = arith.constant 0 : i32
      %parallel_loop3A_621 = vector.broadcast %parallel_loop3A_619 : i32 to vector<16xi32>
      %parallel_loop3A_622 = vector.broadcast %parallel_loop3A_620 : i32 to vector<16xi32>
      %parallel_loop3A_623 = arith.select %parallel_loop3A_618, %parallel_loop3A_621, %parallel_loop3A_622 : vector<16xi1>, vector<16xi32>
      %parallel_loop3A_624 = arith.constant true
      %parallel_loop3A_625 = vector.broadcast %parallel_loop3A_624 : i1 to vector<16xi1>
      %parallel_loop3A_626 = tpu.scan <sum>, %parallel_loop3A_623 masked %parallel_loop3A_625 : vector<16xi32>, vector<16xi1> -> vector<16xi32>
      %parallel_loop3A_627 = arith.addi %parallel_loop3A_536, %parallel_loop3A_626 : vector<16xi32>
      %parallel_loop3A_628 = arith.constant 1 : i32
      %parallel_loop3A_629 = vector.broadcast %parallel_loop3A_628 : i32 to vector<16xi32>
      %parallel_loop3A_630 = arith.subi %parallel_loop3A_627, %parallel_loop3A_629 : vector<16xi32>
      tpu.vector_store_idx %arg19[%parallel_loop3A_630], %parallel_loop3A_544 masked %parallel_loop3A_618 : memref<4096xf32, #tpu.memory_space<vmem>>[vector<16xi32>], vector<16xf32>, vector<16xi1>
      tpu.vector_store_idx %arg20[%parallel_loop3A_630], %parallel_loop3A_548 masked %parallel_loop3A_618 : memref<4096xf32, #tpu.memory_space<vmem>>[vector<16xi32>], vector<16xf32>, vector<16xi1>
      tpu.vector_store_idx %arg21[%parallel_loop3A_630], %parallel_loop3A_552 masked %parallel_loop3A_618 : memref<4096xf32, #tpu.memory_space<vmem>>[vector<16xi32>], vector<16xf32>, vector<16xi1>
      %parallel_loop3A_631 = tpu.all_reduce %parallel_loop3A_618 {dim = 0 : i64, kind = #tpu.reduction_kind<sum>} : vector<16xi1> -> vector<16xi32>
      %parallel_loop3A_632 = arith.addi %parallel_loop3A_536, %parallel_loop3A_631 : vector<16xi32>
      scf.yield %parallel_loop3A_572, %parallel_loop3A_592, %parallel_loop3A_612, %parallel_loop3A_632 : vector<16xi32>, vector<16xi32>, vector<16xi32>, vector<16xi32>
    } {sc.loop_unroll_factor = 2 : i64, sc.parallel_access}
    %broadcast_in_dim3A_55 = arith.constant 0 : i32
    %broadcast_in_dim3A_56 = vector.broadcast %broadcast_in_dim3A_55 : i32 to vector<16xi32>
    %reduce_max3A = arith.constant true
    %reduce_max3A_57 = vector.broadcast %reduce_max3A : i1 to vector<16xi1>
    %reduce_max3A_58 = arith.constant -2147483648 : i32
    %reduce_max3A_59 = vector.broadcast %reduce_max3A_58 : i32 to vector<16xi32>
    %reduce_max3A_60 = arith.xori %parallel_loop3A_54#0, %reduce_max3A_59 : vector<16xi32>
    %reduce_max3A_61 = tpu.scan <max>, %reduce_max3A_60 masked %reduce_max3A_57 : vector<16xi32>, vector<16xi1> -> vector<16xi32>
    %reduce_max3A_62 = arith.xori %reduce_max3A_61, %reduce_max3A_59 : vector<16xi32>
    %reduce_max3A_63 = vector.extract %reduce_max3A_62[15] : i32 from vector<16xi32>
    %add3A_64 = arith.constant 64 : i32
    %add3A_65 = arith.addi %reduce_max3A_63, %add3A_64 : i32
    %sub3A_66 = arith.constant 1 : i32
    %sub3A_67 = arith.subi %add3A_65, %sub3A_66 : i32
    %jit3A_68 = arith.constant 64 : i32
    %div3A_69 = arith.divsi %sub3A_67, %jit3A_68 : i32
    %sign3A_70 = arith.constant 0 : i32
    %sign3A_71 = arith.cmpi sgt, %sub3A_67, %sign3A_70 : i32
    %sign3A_72 = arith.extui %sign3A_71 : i1 to i32
    %sign3A_73 = arith.constant 0 : i32
    %sign3A_74 = arith.cmpi slt, %sub3A_67, %sign3A_73 : i32
    %sign3A_75 = arith.extui %sign3A_74 : i1 to i32
    %sign3A_76 = arith.subi %sign3A_72, %sign3A_75 : i32
    %sign3A_77 = arith.constant 0 : i32
    %sign3A_78 = arith.cmpi sgt, %jit3A_68, %sign3A_77 : i32
    %sign3A_79 = arith.extui %sign3A_78 : i1 to i32
    %sign3A_80 = arith.constant 0 : i32
    %sign3A_81 = arith.cmpi slt, %jit3A_68, %sign3A_80 : i32
    %sign3A_82 = arith.extui %sign3A_81 : i1 to i32
    %sign3A_83 = arith.subi %sign3A_79, %sign3A_82 : i32
    %ne3A_84 = arith.cmpi ne, %sign3A_76, %sign3A_83 : i32
    %rem3A_85 = arith.remsi %sub3A_67, %jit3A_68 : i32
    %ne3A_86 = arith.constant 0 : i32
    %ne3A_87 = arith.cmpi ne, %rem3A_85, %ne3A_86 : i32
    %and3A_88 = arith.andi %ne3A_84, %ne3A_87 : i1
    %sub3A_89 = arith.constant 1 : i32
    %sub3A_90 = arith.subi %div3A_69, %sub3A_89 : i32
    %select_n3A_91 = arith.select %and3A_88, %sub3A_90, %div3A_69 : i32
    %mul3A_92 = arith.constant 4 : i32
    %mul3A_93 = arith.muli %select_n3A_91, %mul3A_92 : i32
    %parallel_loop3A_94 = arith.constant 0 : i32
    %parallel_loop3A_95 = arith.constant 1 : i32
    scf.for %parallel_loop3A_532 = %parallel_loop3A_94 to %mul3A_93 step %parallel_loop3A_95  : i32 {
      %parallel_loop3A_533 = arith.constant 16 : i32
      %parallel_loop3A_534 = arith.muli %parallel_loop3A_532, %parallel_loop3A_533 : i32
      %parallel_loop3A_535 = vector.broadcast %parallel_loop3A_534 : i32 to vector<16xi32>
      %parallel_loop3A_536 = arith.addi %parallel_loop3A_535, %iota3A : vector<16xi32>
      %parallel_loop3A_537 = arith.cmpi slt, %parallel_loop3A_536, %parallel_loop3A_54#0 : vector<16xi32>
      %parallel_loop3A_538 = arith.constant 1.000000e+10 : f32
      %parallel_loop3A_539 = arith.constant -1.000000e+10 : f32
      %parallel_loop3A_540 = vector.broadcast %parallel_loop3A_538 : f32 to vector<16xf32>
      %parallel_loop3A_541 = vector.broadcast %parallel_loop3A_539 : f32 to vector<16xf32>
      %parallel_loop3A_542 = arith.select %parallel_loop3A_537, %parallel_loop3A_540, %parallel_loop3A_541 : vector<16xi1>, vector<16xf32>
      %parallel_loop3A_543 = arith.constant 16 : i32
      %parallel_loop3A_544 = arith.muli %parallel_loop3A_532, %parallel_loop3A_543 : i32
      %parallel_loop3A_545 = arith.index_cast %parallel_loop3A_544 : i32 to index
      %parallel_loop3A_546 = tpu.vector_load %arg22[%parallel_loop3A_545] {strides = array<i32>} : memref<4096xf32, #tpu.memory_space<vmem>>, vector<16xf32>,
      tpu.vector_store %arg22[%parallel_loop3A_545], %parallel_loop3A_542 {strides = array<i32>} : memref<4096xf32, #tpu.memory_space<vmem>>, vector<16xf32>,
    } {sc.loop_unroll_factor = 4 : i64, sc.parallel_access}
    %broadcast_in_dim3A_96 = arith.constant 0 : i32
    %broadcast_in_dim3A_97 = vector.broadcast %broadcast_in_dim3A_96 : i32 to vector<16xi32>
    %broadcast_in_dim3A_98 = arith.constant 0 : i32
    %broadcast_in_dim3A_99 = vector.broadcast %broadcast_in_dim3A_98 : i32 to vector<16xi32>
    %broadcast_in_dim3A_100 = arith.constant 0 : i32
    %broadcast_in_dim3A_101 = vector.broadcast %broadcast_in_dim3A_100 : i32 to vector<16xi32>
    %broadcast_in_dim3A_102 = arith.constant 0 : i32
    %broadcast_in_dim3A_103 = vector.broadcast %broadcast_in_dim3A_102 : i32 to vector<16xi32>
    %broadcast_in_dim3A_104 = arith.constant 0 : i32
    %broadcast_in_dim3A_105 = vector.broadcast %broadcast_in_dim3A_104 : i32 to vector<16xi32>
    %scan3A = arith.constant 0 : i32
    %scan3A_106 = arith.constant 64 : i32
    %scan3A_107 = arith.addi %scan3A, %scan3A_106 : i32
    %scan3A_108 = arith.constant 1 : i32
    %scan3A_109:5 = scf.for %scan3A_532 = %scan3A to %scan3A_107 step %scan3A_108 iter_args(%scan3A_533 = %broadcast_in_dim3A_105, %scan3A_534 = %broadcast_in_dim3A_97, %scan3A_535 = %broadcast_in_dim3A_99, %scan3A_536 = %broadcast_in_dim3A_101, %scan3A_537 = %broadcast_in_dim3A_103) -> (vector<16xi32>, vector<16xi32>, vector<16xi32>, vector<16xi32>, vector<16xi32>)  : i32 {
      %jit3A_538 = arith.constant 16 : i32
      %eq3A_539 = arith.constant 0 : i32
      %eq3A_540 = arith.cmpi eq, %jit3A_538, %eq3A_539 : i32
      %jit3A_541 = arith.constant 1 : i32
      %select_n3A_542 = arith.select %eq3A_540, %jit3A_541, %jit3A_538 : i32
      %rem3A_543 = arith.remsi %scan3A_532, %select_n3A_542 : i32
      %ne3A_544 = arith.constant 0 : i32
      %ne3A_545 = arith.cmpi ne, %rem3A_543, %ne3A_544 : i32
      %lt3A_546 = arith.constant 0 : i32
      %lt3A_547 = arith.cmpi slt, %rem3A_543, %lt3A_546 : i32
      %lt3A_548 = arith.constant 0 : i32
      %lt3A_549 = arith.cmpi slt, %select_n3A_542, %lt3A_548 : i32
      %ne3A_550 = arith.xori %lt3A_547, %lt3A_549 : i1
      %and3A_551 = arith.andi %ne3A_550, %ne3A_545 : i1
      %add3A_552 = arith.addi %rem3A_543, %select_n3A_542 : i32
      %select_n3A_553 = arith.select %and3A_551, %add3A_552, %rem3A_543 : i32
      %jit3A_554 = arith.constant 16 : i32
      %div3A_555 = arith.divsi %scan3A_532, %jit3A_554 : i32
      %sign3A_556 = arith.constant 0 : i32
      %sign3A_557 = arith.cmpi sgt, %scan3A_532, %sign3A_556 : i32
      %sign3A_558 = arith.extui %sign3A_557 : i1 to i32
      %sign3A_559 = arith.constant 0 : i32
      %sign3A_560 = arith.cmpi slt, %scan3A_532, %sign3A_559 : i32
      %sign3A_561 = arith.extui %sign3A_560 : i1 to i32
      %sign3A_562 = arith.subi %sign3A_558, %sign3A_561 : i32
      %sign3A_563 = arith.constant 0 : i32
      %sign3A_564 = arith.cmpi sgt, %jit3A_554, %sign3A_563 : i32
      %sign3A_565 = arith.extui %sign3A_564 : i1 to i32
      %sign3A_566 = arith.constant 0 : i32
      %sign3A_567 = arith.cmpi slt, %jit3A_554, %sign3A_566 : i32
      %sign3A_568 = arith.extui %sign3A_567 : i1 to i32
      %sign3A_569 = arith.subi %sign3A_565, %sign3A_568 : i32
      %ne3A_570 = arith.cmpi ne, %sign3A_562, %sign3A_569 : i32
      %rem3A_571 = arith.remsi %scan3A_532, %jit3A_554 : i32
      %ne3A_572 = arith.constant 0 : i32
      %ne3A_573 = arith.cmpi ne, %rem3A_571, %ne3A_572 : i32
      %and3A_574 = arith.andi %ne3A_570, %ne3A_573 : i1
      %sub3A_575 = arith.constant 1 : i32
      %sub3A_576 = arith.subi %div3A_555, %sub3A_575 : i32
      %select_n3A_577 = arith.select %and3A_574, %sub3A_576, %div3A_555 : i32
      %eq3A_578 = vector.broadcast %select_n3A_553 : i32 to vector<16xi32>
      %eq3A_579 = arith.cmpi eq, %iota3A, %eq3A_578 : vector<16xi32>
      %eq3A_580 = arith.constant 0 : i32
      %eq3A_581 = arith.cmpi eq, %select_n3A_577, %eq3A_580 : i32
      %and3A_582 = vector.broadcast %eq3A_581 : i1 to vector<16xi1>
      %and3A_583 = arith.andi %and3A_582, %eq3A_579 : vector<16xi1>
      %select_n3A_584 = arith.select %and3A_583, %scan3A_533, %scan3A_534 : vector<16xi1>, vector<16xi32>
      %eq3A_585 = arith.constant 1 : i32
      %eq3A_586 = arith.cmpi eq, %select_n3A_577, %eq3A_585 : i32
      %and3A_587 = vector.broadcast %eq3A_586 : i1 to vector<16xi1>
      %and3A_588 = arith.andi %and3A_587, %eq3A_579 : vector<16xi1>
      %select_n3A_589 = arith.select %and3A_588, %scan3A_533, %scan3A_535 : vector<16xi1>, vector<16xi32>
      %eq3A_590 = arith.constant 2 : i32
      %eq3A_591 = arith.cmpi eq, %select_n3A_577, %eq3A_590 : i32
      %and3A_592 = vector.broadcast %eq3A_591 : i1 to vector<16xi1>
      %and3A_593 = arith.andi %and3A_592, %eq3A_579 : vector<16xi1>
      %select_n3A_594 = arith.select %and3A_593, %scan3A_533, %scan3A_536 : vector<16xi1>, vector<16xi32>
      %eq3A_595 = arith.constant 3 : i32
      %eq3A_596 = arith.cmpi eq, %select_n3A_577, %eq3A_595 : i32
      %and3A_597 = vector.broadcast %eq3A_596 : i1 to vector<16xi1>
      %and3A_598 = arith.andi %and3A_597, %eq3A_579 : vector<16xi1>
      %select_n3A_599 = arith.select %and3A_598, %scan3A_533, %scan3A_537 : vector<16xi1>, vector<16xi32>
      %gather3A_600 = tpu.vector_load_idx %arg10[%scan3A_533] : memref<4096xf32, #tpu.memory_space<vmem>>[vector<16xi32>], vector<16xf32>,
      %gather3A_601 = tpu.vector_load_idx %arg11[%scan3A_533] : memref<4096xf32, #tpu.memory_space<vmem>>[vector<16xi32>], vector<16xf32>,
      %gather3A_602 = tpu.vector_load_idx %arg12[%scan3A_533] : memref<4096xf32, #tpu.memory_space<vmem>>[vector<16xi32>], vector<16xf32>,
      %broadcast_in_dim3A_603 = arith.constant -3.000000e+38 : f32
      %broadcast_in_dim3A_604 = vector.broadcast %broadcast_in_dim3A_603 : f32 to vector<16xf32>
      %broadcast_in_dim3A_605 = arith.constant 0 : i32
      %broadcast_in_dim3A_606 = vector.broadcast %broadcast_in_dim3A_605 : i32 to vector<16xi32>
      %parallel_loop3A_607 = arith.constant 0 : i32
      %parallel_loop3A_608 = arith.constant 1 : i32
      %parallel_loop3A_609:2 = scf.for %parallel_loop3A_675 = %parallel_loop3A_607 to %mul3A_93 step %parallel_loop3A_608 iter_args(%parallel_loop3A_676 = %broadcast_in_dim3A_604, %parallel_loop3A_677 = %broadcast_in_dim3A_606) -> (vector<16xf32>, vector<16xi32>)  : i32 {
        %parallel_loop3A_678 = arith.constant 16 : i32
        %parallel_loop3A_679 = arith.muli %parallel_loop3A_675, %parallel_loop3A_678 : i32
        %parallel_loop3A_680 = arith.index_cast %parallel_loop3A_679 : i32 to index
        %parallel_loop3A_681 = tpu.vector_load %arg10[%parallel_loop3A_680] {strides = array<i32>} : memref<4096xf32, #tpu.memory_space<vmem>>, vector<16xf32>,
        %parallel_loop3A_682 = arith.constant 16 : i32
        %parallel_loop3A_683 = arith.muli %parallel_loop3A_675, %parallel_loop3A_682 : i32
        %parallel_loop3A_684 = arith.index_cast %parallel_loop3A_683 : i32 to index
        %parallel_loop3A_685 = tpu.vector_load %arg11[%parallel_loop3A_684] {strides = array<i32>} : memref<4096xf32, #tpu.memory_space<vmem>>, vector<16xf32>,
        %parallel_loop3A_686 = arith.constant 16 : i32
        %parallel_loop3A_687 = arith.muli %parallel_loop3A_675, %parallel_loop3A_686 : i32
        %parallel_loop3A_688 = arith.index_cast %parallel_loop3A_687 : i32 to index
        %parallel_loop3A_689 = tpu.vector_load %arg12[%parallel_loop3A_688] {strides = array<i32>} : memref<4096xf32, #tpu.memory_space<vmem>>, vector<16xf32>,
        %parallel_loop3A_690 = arith.constant 16 : i32
        %parallel_loop3A_691 = arith.muli %parallel_loop3A_675, %parallel_loop3A_690 : i32
        %parallel_loop3A_692 = arith.index_cast %parallel_loop3A_691 : i32 to index
        %parallel_loop3A_693 = tpu.vector_load %arg22[%parallel_loop3A_692] {strides = array<i32>} : memref<4096xf32, #tpu.memory_space<vmem>>, vector<16xf32>,
        %parallel_loop3A_694 = arith.subf %parallel_loop3A_681, %gather3A_600 : vector<16xf32>
        %parallel_loop3A_695 = arith.subf %parallel_loop3A_685, %gather3A_601 : vector<16xf32>
        %parallel_loop3A_696 = arith.subf %parallel_loop3A_689, %gather3A_602 : vector<16xf32>
        %parallel_loop3A_697 = arith.mulf %parallel_loop3A_694, %parallel_loop3A_694 : vector<16xf32>
        %parallel_loop3A_698 = arith.mulf %parallel_loop3A_695, %parallel_loop3A_695 : vector<16xf32>
        %parallel_loop3A_699 = arith.addf %parallel_loop3A_697, %parallel_loop3A_698 : vector<16xf32>
        %parallel_loop3A_700 = arith.mulf %parallel_loop3A_696, %parallel_loop3A_696 : vector<16xf32>
        %parallel_loop3A_701 = arith.addf %parallel_loop3A_699, %parallel_loop3A_700 : vector<16xf32>
        %parallel_loop3A_702 = arith.minimumf %parallel_loop3A_693, %parallel_loop3A_701 : vector<16xf32>
        %parallel_loop3A_703 = arith.constant 16 : i32
        %parallel_loop3A_704 = arith.muli %parallel_loop3A_675, %parallel_loop3A_703 : i32
        %parallel_loop3A_705 = arith.index_cast %parallel_loop3A_704 : i32 to index
        %parallel_loop3A_706 = tpu.vector_load %arg22[%parallel_loop3A_705] {strides = array<i32>} : memref<4096xf32, #tpu.memory_space<vmem>>, vector<16xf32>,
        tpu.vector_store %arg22[%parallel_loop3A_705], %parallel_loop3A_702 {strides = array<i32>} : memref<4096xf32, #tpu.memory_space<vmem>>, vector<16xf32>,
        %parallel_loop3A_707 = arith.cmpf ogt, %parallel_loop3A_702, %parallel_loop3A_676 : vector<16xf32>
        %parallel_loop3A_708 = arith.select %parallel_loop3A_707, %parallel_loop3A_702, %parallel_loop3A_676 : vector<16xi1>, vector<16xf32>
        %parallel_loop3A_709 = arith.constant 16 : i32
        %parallel_loop3A_710 = arith.muli %parallel_loop3A_675, %parallel_loop3A_709 : i32
        %parallel_loop3A_711 = vector.broadcast %parallel_loop3A_710 : i32 to vector<16xi32>
        %parallel_loop3A_712 = arith.addi %parallel_loop3A_711, %iota3A : vector<16xi32>
        %parallel_loop3A_713 = arith.select %parallel_loop3A_707, %parallel_loop3A_712, %parallel_loop3A_677 : vector<16xi1>, vector<16xi32>
        scf.yield %parallel_loop3A_708, %parallel_loop3A_713 : vector<16xf32>, vector<16xi32>
      } {sc.loop_unroll_factor = 4 : i64, sc.parallel_access}
      %iota3A_610 = tpu.iota {dimensions = array<i32: 0>} : vector<16xi32>
      %xor3A = arith.constant 8 : i32
      %xor3A_611 = vector.broadcast %xor3A : i32 to vector<16xi32>
      %xor3A_612 = arith.xori %iota3A_610, %xor3A_611 : vector<16xi32>
      %broadcast_in_dim3A_613 = vector.shape_cast %xor3A_612 : vector<16xi32> to vector<16x1xi32>
      %gather3A_614 = vector.shape_cast %broadcast_in_dim3A_613 : vector<16x1xi32> to vector<16xi32>
      %gather3A_615 = tpu.dynamic_gather %parallel_loop3A_609#0[%gather3A_614] in [0] : vector<16xf32>, vector<16xi32> -> vector<16xf32>
      %max3A = arith.maximumf %parallel_loop3A_609#0, %gather3A_615 : vector<16xf32>
      %xor3A_616 = arith.constant 4 : i32
      %xor3A_617 = vector.broadcast %xor3A_616 : i32 to vector<16xi32>
      %xor3A_618 = arith.xori %iota3A_610, %xor3A_617 : vector<16xi32>
      %broadcast_in_dim3A_619 = vector.shape_cast %xor3A_618 : vector<16xi32> to vector<16x1xi32>
      %gather3A_620 = vector.shape_cast %broadcast_in_dim3A_619 : vector<16x1xi32> to vector<16xi32>
      %gather3A_621 = tpu.dynamic_gather %max3A[%gather3A_620] in [0] : vector<16xf32>, vector<16xi32> -> vector<16xf32>
      %max3A_622 = arith.maximumf %max3A, %gather3A_621 : vector<16xf32>
      %xor3A_623 = arith.constant 2 : i32
      %xor3A_624 = vector.broadcast %xor3A_623 : i32 to vector<16xi32>
      %xor3A_625 = arith.xori %iota3A_610, %xor3A_624 : vector<16xi32>
      %broadcast_in_dim3A_626 = vector.shape_cast %xor3A_625 : vector<16xi32> to vector<16x1xi32>
      %gather3A_627 = vector.shape_cast %broadcast_in_dim3A_626 : vector<16x1xi32> to vector<16xi32>
      %gather3A_628 = tpu.dynamic_gather %max3A_622[%gather3A_627] in [0] : vector<16xf32>, vector<16xi32> -> vector<16xf32>
      %max3A_629 = arith.maximumf %max3A_622, %gather3A_628 : vector<16xf32>
      %xor3A_630 = arith.constant 1 : i32
      %xor3A_631 = vector.broadcast %xor3A_630 : i32 to vector<16xi32>
      %xor3A_632 = arith.xori %iota3A_610, %xor3A_631 : vector<16xi32>
      %broadcast_in_dim3A_633 = vector.shape_cast %xor3A_632 : vector<16xi32> to vector<16x1xi32>
      %gather3A_634 = vector.shape_cast %broadcast_in_dim3A_633 : vector<16x1xi32> to vector<16xi32>
      %gather3A_635 = tpu.dynamic_gather %max3A_629[%gather3A_634] in [0] : vector<16xf32>, vector<16xi32> -> vector<16xf32>
      %max3A_636 = arith.maximumf %max3A_629, %gather3A_635 : vector<16xf32>
      %eq3A_637 = arith.cmpf oeq, %parallel_loop3A_609#0, %max3A_636 : vector<16xf32>
      %jit3A_638 = arith.constant 1073741824 : i32
      %broadcast_in_dim3A_639 = vector.broadcast %jit3A_638 : i32 to vector<16xi32>
      %select_n3A_640 = arith.select %eq3A_637, %parallel_loop3A_609#1, %broadcast_in_dim3A_639 : vector<16xi1>, vector<16xi32>
      %iota3A_641 = tpu.iota {dimensions = array<i32: 0>} : vector<16xi32>
      %xor3A_642 = arith.constant 8 : i32
      %xor3A_643 = vector.broadcast %xor3A_642 : i32 to vector<16xi32>
      %xor3A_644 = arith.xori %iota3A_641, %xor3A_643 : vector<16xi32>
      %broadcast_in_dim3A_645 = vector.shape_cast %xor3A_644 : vector<16xi32> to vector<16x1xi32>
      %gather3A_646 = vector.shape_cast %broadcast_in_dim3A_645 : vector<16x1xi32> to vector<16xi32>
      %gather3A_647 = tpu.dynamic_gather %select_n3A_640[%gather3A_646] in [0] : vector<16xi32>, vector<16xi32> -> vector<16xi32>
      %min3A = arith.minsi %select_n3A_640, %gather3A_647 : vector<16xi32>
      %xor3A_648 = arith.constant 4 : i32
      %xor3A_649 = vector.broadcast %xor3A_648 : i32 to vector<16xi32>
      %xor3A_650 = arith.xori %iota3A_641, %xor3A_649 : vector<16xi32>
      %broadcast_in_dim3A_651 = vector.shape_cast %xor3A_650 : vector<16xi32> to vector<16x1xi32>
      %gather3A_652 = vector.shape_cast %broadcast_in_dim3A_651 : vector<16x1xi32> to vector<16xi32>
      %gather3A_653 = tpu.dynamic_gather %min3A[%gather3A_652] in [0] : vector<16xi32>, vector<16xi32> -> vector<16xi32>
      %min3A_654 = arith.minsi %min3A, %gather3A_653 : vector<16xi32>
      %xor3A_655 = arith.constant 2 : i32
      %xor3A_656 = vector.broadcast %xor3A_655 : i32 to vector<16xi32>
      %xor3A_657 = arith.xori %iota3A_641, %xor3A_656 : vector<16xi32>
      %broadcast_in_dim3A_658 = vector.shape_cast %xor3A_657 : vector<16xi32> to vector<16x1xi32>
      %gather3A_659 = vector.shape_cast %broadcast_in_dim3A_658 : vector<16x1xi32> to vector<16xi32>
      %gather3A_660 = tpu.dynamic_gather %min3A_654[%gather3A_659] in [0] : vector<16xi32>, vector<16xi32> -> vector<16xi32>
      %min3A_661 = arith.minsi %min3A_654, %gather3A_660 : vector<16xi32>
      %xor3A_662 = arith.constant 1 : i32
      %xor3A_663 = vector.broadcast %xor3A_662 : i32 to vector<16xi32>
      %xor3A_664 = arith.xori %iota3A_641, %xor3A_663 : vector<16xi32>
      %broadcast_in_dim3A_665 = vector.shape_cast %xor3A_664 : vector<16xi32> to vector<16x1xi32>
      %gather3A_666 = vector.shape_cast %broadcast_in_dim3A_665 : vector<16x1xi32> to vector<16xi32>
      %gather3A_667 = tpu.dynamic_gather %min3A_661[%gather3A_666] in [0] : vector<16xi32>, vector<16xi32> -> vector<16xi32>
      %min3A_668 = arith.minsi %min3A_661, %gather3A_667 : vector<16xi32>
      %ge3A_669 = arith.constant 4096 : i32
      %ge3A_670 = vector.broadcast %ge3A_669 : i32 to vector<16xi32>
      %ge3A_671 = arith.cmpi sge, %min3A_668, %ge3A_670 : vector<16xi32>
      %jit3A_672 = arith.constant 0 : i32
      %broadcast_in_dim3A_673 = vector.broadcast %jit3A_672 : i32 to vector<16xi32>
      %select_n3A_674 = arith.select %ge3A_671, %broadcast_in_dim3A_673, %min3A_668 : vector<16xi1>, vector<16xi32>
      scf.yield %select_n3A_674, %select_n3A_584, %select_n3A_589, %select_n3A_594, %select_n3A_599 : vector<16xi32>, vector<16xi32>, vector<16xi32>, vector<16xi32>, vector<16xi32>
    }
    %scan3A_110 = arith.constant 64 : i32
    %ge3A = arith.constant 64 : i32
    %ge3A_111 = vector.broadcast %ge3A : i32 to vector<16xi32>
    %ge3A_112 = arith.cmpi sge, %parallel_loop3A_54#0, %ge3A_111 : vector<16xi32>
    %jit3A_113 = arith.constant 1.000000e+00 : f32
    %jit3A_114 = arith.constant 0.000000e+00 : f32
    %broadcast_in_dim3A_115 = vector.broadcast %jit3A_113 : f32 to vector<16xf32>
    %broadcast_in_dim3A_116 = vector.broadcast %jit3A_114 : f32 to vector<16xf32>
    %select_n3A_117 = arith.select %ge3A_112, %broadcast_in_dim3A_115, %broadcast_in_dim3A_116 : vector<16xi1>, vector<16xf32>
    %gather3A = tpu.vector_load_idx %arg10[%scan3A_109#1] : memref<4096xf32, #tpu.memory_space<vmem>>[vector<16xi32>], vector<16xf32>,
    %mul3A_118 = arith.mulf %gather3A, %select_n3A_117 : vector<16xf32>
    %gather3A_119 = tpu.vector_load_idx %arg11[%scan3A_109#1] : memref<4096xf32, #tpu.memory_space<vmem>>[vector<16xi32>], vector<16xf32>,
    %mul3A_120 = arith.mulf %gather3A_119, %select_n3A_117 : vector<16xf32>
    %gather3A_121 = tpu.vector_load_idx %arg12[%scan3A_109#1] : memref<4096xf32, #tpu.memory_space<vmem>>[vector<16xi32>], vector<16xf32>,
    %mul3A_122 = arith.mulf %gather3A_121, %select_n3A_117 : vector<16xf32>
    %swap3A = arith.constant 0 : index
    %swap3A_123 = tpu.vector_load %arg26[%swap3A] {strides = array<i32>} : memref<256xf32, #tpu.memory_space<vmem>>, vector<16xf32>,
    tpu.vector_store %arg26[%swap3A], %mul3A_118 {strides = array<i32>} : memref<256xf32, #tpu.memory_space<vmem>>, vector<16xf32>,
    %swap3A_124 = arith.constant 0 : index
    %swap3A_125 = tpu.vector_load %arg27[%swap3A_124] {strides = array<i32>} : memref<256xf32, #tpu.memory_space<vmem>>, vector<16xf32>,
    tpu.vector_store %arg27[%swap3A_124], %mul3A_120 {strides = array<i32>} : memref<256xf32, #tpu.memory_space<vmem>>, vector<16xf32>,
    %swap3A_126 = arith.constant 0 : index
    %swap3A_127 = tpu.vector_load %arg28[%swap3A_126] {strides = array<i32>} : memref<256xf32, #tpu.memory_space<vmem>>, vector<16xf32>,
    tpu.vector_store %arg28[%swap3A_126], %mul3A_122 {strides = array<i32>} : memref<256xf32, #tpu.memory_space<vmem>>, vector<16xf32>,
    %gather3A_128 = tpu.vector_load_idx %arg10[%scan3A_109#2] : memref<4096xf32, #tpu.memory_space<vmem>>[vector<16xi32>], vector<16xf32>,
    %mul3A_129 = arith.mulf %gather3A_128, %select_n3A_117 : vector<16xf32>
    %gather3A_130 = tpu.vector_load_idx %arg11[%scan3A_109#2] : memref<4096xf32, #tpu.memory_space<vmem>>[vector<16xi32>], vector<16xf32>,
    %mul3A_131 = arith.mulf %gather3A_130, %select_n3A_117 : vector<16xf32>
    %gather3A_132 = tpu.vector_load_idx %arg12[%scan3A_109#2] : memref<4096xf32, #tpu.memory_space<vmem>>[vector<16xi32>], vector<16xf32>,
    %mul3A_133 = arith.mulf %gather3A_132, %select_n3A_117 : vector<16xf32>
    %swap3A_134 = arith.constant 16 : index
    %swap3A_135 = tpu.vector_load %arg26[%swap3A_134] {strides = array<i32>} : memref<256xf32, #tpu.memory_space<vmem>>, vector<16xf32>,
    tpu.vector_store %arg26[%swap3A_134], %mul3A_129 {strides = array<i32>} : memref<256xf32, #tpu.memory_space<vmem>>, vector<16xf32>,
    %swap3A_136 = arith.constant 16 : index
    %swap3A_137 = tpu.vector_load %arg27[%swap3A_136] {strides = array<i32>} : memref<256xf32, #tpu.memory_space<vmem>>, vector<16xf32>,
    tpu.vector_store %arg27[%swap3A_136], %mul3A_131 {strides = array<i32>} : memref<256xf32, #tpu.memory_space<vmem>>, vector<16xf32>,
    %swap3A_138 = arith.constant 16 : index
    %swap3A_139 = tpu.vector_load %arg28[%swap3A_138] {strides = array<i32>} : memref<256xf32, #tpu.memory_space<vmem>>, vector<16xf32>,
    tpu.vector_store %arg28[%swap3A_138], %mul3A_133 {strides = array<i32>} : memref<256xf32, #tpu.memory_space<vmem>>, vector<16xf32>,
    %gather3A_140 = tpu.vector_load_idx %arg10[%scan3A_109#3] : memref<4096xf32, #tpu.memory_space<vmem>>[vector<16xi32>], vector<16xf32>,
    %mul3A_141 = arith.mulf %gather3A_140, %select_n3A_117 : vector<16xf32>
    %gather3A_142 = tpu.vector_load_idx %arg11[%scan3A_109#3] : memref<4096xf32, #tpu.memory_space<vmem>>[vector<16xi32>], vector<16xf32>,
    %mul3A_143 = arith.mulf %gather3A_142, %select_n3A_117 : vector<16xf32>
    %gather3A_144 = tpu.vector_load_idx %arg12[%scan3A_109#3] : memref<4096xf32, #tpu.memory_space<vmem>>[vector<16xi32>], vector<16xf32>,
    %mul3A_145 = arith.mulf %gather3A_144, %select_n3A_117 : vector<16xf32>
    %swap3A_146 = arith.constant 32 : index
    %swap3A_147 = tpu.vector_load %arg26[%swap3A_146] {strides = array<i32>} : memref<256xf32, #tpu.memory_space<vmem>>, vector<16xf32>,
    tpu.vector_store %arg26[%swap3A_146], %mul3A_141 {strides = array<i32>} : memref<256xf32, #tpu.memory_space<vmem>>, vector<16xf32>,
    %swap3A_148 = arith.constant 32 : index
    %swap3A_149 = tpu.vector_load %arg27[%swap3A_148] {strides = array<i32>} : memref<256xf32, #tpu.memory_space<vmem>>, vector<16xf32>,
    tpu.vector_store %arg27[%swap3A_148], %mul3A_143 {strides = array<i32>} : memref<256xf32, #tpu.memory_space<vmem>>, vector<16xf32>,
    %swap3A_150 = arith.constant 32 : index
    %swap3A_151 = tpu.vector_load %arg28[%swap3A_150] {strides = array<i32>} : memref<256xf32, #tpu.memory_space<vmem>>, vector<16xf32>,
    tpu.vector_store %arg28[%swap3A_150], %mul3A_145 {strides = array<i32>} : memref<256xf32, #tpu.memory_space<vmem>>, vector<16xf32>,
    %gather3A_152 = tpu.vector_load_idx %arg10[%scan3A_109#4] : memref<4096xf32, #tpu.memory_space<vmem>>[vector<16xi32>], vector<16xf32>,
    %mul3A_153 = arith.mulf %gather3A_152, %select_n3A_117 : vector<16xf32>
    %gather3A_154 = tpu.vector_load_idx %arg11[%scan3A_109#4] : memref<4096xf32, #tpu.memory_space<vmem>>[vector<16xi32>], vector<16xf32>,
    %mul3A_155 = arith.mulf %gather3A_154, %select_n3A_117 : vector<16xf32>
    %gather3A_156 = tpu.vector_load_idx %arg12[%scan3A_109#4] : memref<4096xf32, #tpu.memory_space<vmem>>[vector<16xi32>], vector<16xf32>,
    %mul3A_157 = arith.mulf %gather3A_156, %select_n3A_117 : vector<16xf32>
    %swap3A_158 = arith.constant 48 : index
    %swap3A_159 = tpu.vector_load %arg26[%swap3A_158] {strides = array<i32>} : memref<256xf32, #tpu.memory_space<vmem>>, vector<16xf32>,
    tpu.vector_store %arg26[%swap3A_158], %mul3A_153 {strides = array<i32>} : memref<256xf32, #tpu.memory_space<vmem>>, vector<16xf32>,
    %swap3A_160 = arith.constant 48 : index
    %swap3A_161 = tpu.vector_load %arg27[%swap3A_160] {strides = array<i32>} : memref<256xf32, #tpu.memory_space<vmem>>, vector<16xf32>,
    tpu.vector_store %arg27[%swap3A_160], %mul3A_155 {strides = array<i32>} : memref<256xf32, #tpu.memory_space<vmem>>, vector<16xf32>,
    %swap3A_162 = arith.constant 48 : index
    %swap3A_163 = tpu.vector_load %arg28[%swap3A_162] {strides = array<i32>} : memref<256xf32, #tpu.memory_space<vmem>>, vector<16xf32>,
    tpu.vector_store %arg28[%swap3A_162], %mul3A_157 {strides = array<i32>} : memref<256xf32, #tpu.memory_space<vmem>>, vector<16xf32>,
    %eq3A_164 = arith.constant 0 : i32
    %eq3A_165 = vector.broadcast %eq3A_164 : i32 to vector<16xi32>
    %eq3A_166 = arith.cmpi eq, %iota3A, %eq3A_165 : vector<16xi32>
    %select_n3A_167 = arith.select %eq3A_166, %parallel_loop3A_54#0, %broadcast_in_dim3A_56 : vector<16xi1>, vector<16xi32>
    %reduce_max3A_168 = arith.constant true
    %reduce_max3A_169 = vector.broadcast %reduce_max3A_168 : i1 to vector<16xi1>
    %reduce_max3A_170 = arith.constant -2147483648 : i32
    %reduce_max3A_171 = vector.broadcast %reduce_max3A_170 : i32 to vector<16xi32>
    %reduce_max3A_172 = arith.xori %parallel_loop3A_54#1, %reduce_max3A_171 : vector<16xi32>
    %reduce_max3A_173 = tpu.scan <max>, %reduce_max3A_172 masked %reduce_max3A_169 : vector<16xi32>, vector<16xi1> -> vector<16xi32>
    %reduce_max3A_174 = arith.xori %reduce_max3A_173, %reduce_max3A_171 : vector<16xi32>
    %reduce_max3A_175 = vector.extract %reduce_max3A_174[15] : i32 from vector<16xi32>
    %add3A_176 = arith.constant 64 : i32
    %add3A_177 = arith.addi %reduce_max3A_175, %add3A_176 : i32
    %sub3A_178 = arith.constant 1 : i32
    %sub3A_179 = arith.subi %add3A_177, %sub3A_178 : i32
    %jit3A_180 = arith.constant 64 : i32
    %div3A_181 = arith.divsi %sub3A_179, %jit3A_180 : i32
    %sign3A_182 = arith.constant 0 : i32
    %sign3A_183 = arith.cmpi sgt, %sub3A_179, %sign3A_182 : i32
    %sign3A_184 = arith.extui %sign3A_183 : i1 to i32
    %sign3A_185 = arith.constant 0 : i32
    %sign3A_186 = arith.cmpi slt, %sub3A_179, %sign3A_185 : i32
    %sign3A_187 = arith.extui %sign3A_186 : i1 to i32
    %sign3A_188 = arith.subi %sign3A_184, %sign3A_187 : i32
    %sign3A_189 = arith.constant 0 : i32
    %sign3A_190 = arith.cmpi sgt, %jit3A_180, %sign3A_189 : i32
    %sign3A_191 = arith.extui %sign3A_190 : i1 to i32
    %sign3A_192 = arith.constant 0 : i32
    %sign3A_193 = arith.cmpi slt, %jit3A_180, %sign3A_192 : i32
    %sign3A_194 = arith.extui %sign3A_193 : i1 to i32
    %sign3A_195 = arith.subi %sign3A_191, %sign3A_194 : i32
    %ne3A_196 = arith.cmpi ne, %sign3A_188, %sign3A_195 : i32
    %rem3A_197 = arith.remsi %sub3A_179, %jit3A_180 : i32
    %ne3A_198 = arith.constant 0 : i32
    %ne3A_199 = arith.cmpi ne, %rem3A_197, %ne3A_198 : i32
    %and3A_200 = arith.andi %ne3A_196, %ne3A_199 : i1
    %sub3A_201 = arith.constant 1 : i32
    %sub3A_202 = arith.subi %div3A_181, %sub3A_201 : i32
    %select_n3A_203 = arith.select %and3A_200, %sub3A_202, %div3A_181 : i32
    %mul3A_204 = arith.constant 4 : i32
    %mul3A_205 = arith.muli %select_n3A_203, %mul3A_204 : i32
    %parallel_loop3A_206 = arith.constant 0 : i32
    %parallel_loop3A_207 = arith.constant 1 : i32
    scf.for %parallel_loop3A_532 = %parallel_loop3A_206 to %mul3A_205 step %parallel_loop3A_207  : i32 {
      %parallel_loop3A_533 = arith.constant 16 : i32
      %parallel_loop3A_534 = arith.muli %parallel_loop3A_532, %parallel_loop3A_533 : i32
      %parallel_loop3A_535 = vector.broadcast %parallel_loop3A_534 : i32 to vector<16xi32>
      %parallel_loop3A_536 = arith.addi %parallel_loop3A_535, %iota3A : vector<16xi32>
      %parallel_loop3A_537 = arith.cmpi slt, %parallel_loop3A_536, %parallel_loop3A_54#1 : vector<16xi32>
      %parallel_loop3A_538 = arith.constant 1.000000e+10 : f32
      %parallel_loop3A_539 = arith.constant -1.000000e+10 : f32
      %parallel_loop3A_540 = vector.broadcast %parallel_loop3A_538 : f32 to vector<16xf32>
      %parallel_loop3A_541 = vector.broadcast %parallel_loop3A_539 : f32 to vector<16xf32>
      %parallel_loop3A_542 = arith.select %parallel_loop3A_537, %parallel_loop3A_540, %parallel_loop3A_541 : vector<16xi1>, vector<16xf32>
      %parallel_loop3A_543 = arith.constant 16 : i32
      %parallel_loop3A_544 = arith.muli %parallel_loop3A_532, %parallel_loop3A_543 : i32
      %parallel_loop3A_545 = arith.index_cast %parallel_loop3A_544 : i32 to index
      %parallel_loop3A_546 = tpu.vector_load %arg23[%parallel_loop3A_545] {strides = array<i32>} : memref<4096xf32, #tpu.memory_space<vmem>>, vector<16xf32>,
      tpu.vector_store %arg23[%parallel_loop3A_545], %parallel_loop3A_542 {strides = array<i32>} : memref<4096xf32, #tpu.memory_space<vmem>>, vector<16xf32>,
    } {sc.loop_unroll_factor = 4 : i64, sc.parallel_access}
    %broadcast_in_dim3A_208 = arith.constant 0 : i32
    %broadcast_in_dim3A_209 = vector.broadcast %broadcast_in_dim3A_208 : i32 to vector<16xi32>
    %broadcast_in_dim3A_210 = arith.constant 0 : i32
    %broadcast_in_dim3A_211 = vector.broadcast %broadcast_in_dim3A_210 : i32 to vector<16xi32>
    %broadcast_in_dim3A_212 = arith.constant 0 : i32
    %broadcast_in_dim3A_213 = vector.broadcast %broadcast_in_dim3A_212 : i32 to vector<16xi32>
    %broadcast_in_dim3A_214 = arith.constant 0 : i32
    %broadcast_in_dim3A_215 = vector.broadcast %broadcast_in_dim3A_214 : i32 to vector<16xi32>
    %broadcast_in_dim3A_216 = arith.constant 0 : i32
    %broadcast_in_dim3A_217 = vector.broadcast %broadcast_in_dim3A_216 : i32 to vector<16xi32>
    %scan3A_218 = arith.constant 0 : i32
    %scan3A_219 = arith.constant 64 : i32
    %scan3A_220 = arith.addi %scan3A_218, %scan3A_219 : i32
    %scan3A_221 = arith.constant 1 : i32
    %scan3A_222:5 = scf.for %scan3A_532 = %scan3A_218 to %scan3A_220 step %scan3A_221 iter_args(%scan3A_533 = %broadcast_in_dim3A_217, %scan3A_534 = %broadcast_in_dim3A_209, %scan3A_535 = %broadcast_in_dim3A_211, %scan3A_536 = %broadcast_in_dim3A_213, %scan3A_537 = %broadcast_in_dim3A_215) -> (vector<16xi32>, vector<16xi32>, vector<16xi32>, vector<16xi32>, vector<16xi32>)  : i32 {
      %jit3A_538 = arith.constant 16 : i32
      %eq3A_539 = arith.constant 0 : i32
      %eq3A_540 = arith.cmpi eq, %jit3A_538, %eq3A_539 : i32
      %jit3A_541 = arith.constant 1 : i32
      %select_n3A_542 = arith.select %eq3A_540, %jit3A_541, %jit3A_538 : i32
      %rem3A_543 = arith.remsi %scan3A_532, %select_n3A_542 : i32
      %ne3A_544 = arith.constant 0 : i32
      %ne3A_545 = arith.cmpi ne, %rem3A_543, %ne3A_544 : i32
      %lt3A_546 = arith.constant 0 : i32
      %lt3A_547 = arith.cmpi slt, %rem3A_543, %lt3A_546 : i32
      %lt3A_548 = arith.constant 0 : i32
      %lt3A_549 = arith.cmpi slt, %select_n3A_542, %lt3A_548 : i32
      %ne3A_550 = arith.xori %lt3A_547, %lt3A_549 : i1
      %and3A_551 = arith.andi %ne3A_550, %ne3A_545 : i1
      %add3A_552 = arith.addi %rem3A_543, %select_n3A_542 : i32
      %select_n3A_553 = arith.select %and3A_551, %add3A_552, %rem3A_543 : i32
      %jit3A_554 = arith.constant 16 : i32
      %div3A_555 = arith.divsi %scan3A_532, %jit3A_554 : i32
      %sign3A_556 = arith.constant 0 : i32
      %sign3A_557 = arith.cmpi sgt, %scan3A_532, %sign3A_556 : i32
      %sign3A_558 = arith.extui %sign3A_557 : i1 to i32
      %sign3A_559 = arith.constant 0 : i32
      %sign3A_560 = arith.cmpi slt, %scan3A_532, %sign3A_559 : i32
      %sign3A_561 = arith.extui %sign3A_560 : i1 to i32
      %sign3A_562 = arith.subi %sign3A_558, %sign3A_561 : i32
      %sign3A_563 = arith.constant 0 : i32
      %sign3A_564 = arith.cmpi sgt, %jit3A_554, %sign3A_563 : i32
      %sign3A_565 = arith.extui %sign3A_564 : i1 to i32
      %sign3A_566 = arith.constant 0 : i32
      %sign3A_567 = arith.cmpi slt, %jit3A_554, %sign3A_566 : i32
      %sign3A_568 = arith.extui %sign3A_567 : i1 to i32
      %sign3A_569 = arith.subi %sign3A_565, %sign3A_568 : i32
      %ne3A_570 = arith.cmpi ne, %sign3A_562, %sign3A_569 : i32
      %rem3A_571 = arith.remsi %scan3A_532, %jit3A_554 : i32
      %ne3A_572 = arith.constant 0 : i32
      %ne3A_573 = arith.cmpi ne, %rem3A_571, %ne3A_572 : i32
      %and3A_574 = arith.andi %ne3A_570, %ne3A_573 : i1
      %sub3A_575 = arith.constant 1 : i32
      %sub3A_576 = arith.subi %div3A_555, %sub3A_575 : i32
      %select_n3A_577 = arith.select %and3A_574, %sub3A_576, %div3A_555 : i32
      %eq3A_578 = vector.broadcast %select_n3A_553 : i32 to vector<16xi32>
      %eq3A_579 = arith.cmpi eq, %iota3A, %eq3A_578 : vector<16xi32>
      %eq3A_580 = arith.constant 0 : i32
      %eq3A_581 = arith.cmpi eq, %select_n3A_577, %eq3A_580 : i32
      %and3A_582 = vector.broadcast %eq3A_581 : i1 to vector<16xi1>
      %and3A_583 = arith.andi %and3A_582, %eq3A_579 : vector<16xi1>
      %select_n3A_584 = arith.select %and3A_583, %scan3A_533, %scan3A_534 : vector<16xi1>, vector<16xi32>
      %eq3A_585 = arith.constant 1 : i32
      %eq3A_586 = arith.cmpi eq, %select_n3A_577, %eq3A_585 : i32
      %and3A_587 = vector.broadcast %eq3A_586 : i1 to vector<16xi1>
      %and3A_588 = arith.andi %and3A_587, %eq3A_579 : vector<16xi1>
      %select_n3A_589 = arith.select %and3A_588, %scan3A_533, %scan3A_535 : vector<16xi1>, vector<16xi32>
      %eq3A_590 = arith.constant 2 : i32
      %eq3A_591 = arith.cmpi eq, %select_n3A_577, %eq3A_590 : i32
      %and3A_592 = vector.broadcast %eq3A_591 : i1 to vector<16xi1>
      %and3A_593 = arith.andi %and3A_592, %eq3A_579 : vector<16xi1>
      %select_n3A_594 = arith.select %and3A_593, %scan3A_533, %scan3A_536 : vector<16xi1>, vector<16xi32>
      %eq3A_595 = arith.constant 3 : i32
      %eq3A_596 = arith.cmpi eq, %select_n3A_577, %eq3A_595 : i32
      %and3A_597 = vector.broadcast %eq3A_596 : i1 to vector<16xi1>
      %and3A_598 = arith.andi %and3A_597, %eq3A_579 : vector<16xi1>
      %select_n3A_599 = arith.select %and3A_598, %scan3A_533, %scan3A_537 : vector<16xi1>, vector<16xi32>
      %gather3A_600 = tpu.vector_load_idx %arg13[%scan3A_533] : memref<4096xf32, #tpu.memory_space<vmem>>[vector<16xi32>], vector<16xf32>,
      %gather3A_601 = tpu.vector_load_idx %arg14[%scan3A_533] : memref<4096xf32, #tpu.memory_space<vmem>>[vector<16xi32>], vector<16xf32>,
      %gather3A_602 = tpu.vector_load_idx %arg15[%scan3A_533] : memref<4096xf32, #tpu.memory_space<vmem>>[vector<16xi32>], vector<16xf32>,
      %broadcast_in_dim3A_603 = arith.constant -3.000000e+38 : f32
      %broadcast_in_dim3A_604 = vector.broadcast %broadcast_in_dim3A_603 : f32 to vector<16xf32>
      %broadcast_in_dim3A_605 = arith.constant 0 : i32
      %broadcast_in_dim3A_606 = vector.broadcast %broadcast_in_dim3A_605 : i32 to vector<16xi32>
      %parallel_loop3A_607 = arith.constant 0 : i32
      %parallel_loop3A_608 = arith.constant 1 : i32
      %parallel_loop3A_609:2 = scf.for %parallel_loop3A_675 = %parallel_loop3A_607 to %mul3A_205 step %parallel_loop3A_608 iter_args(%parallel_loop3A_676 = %broadcast_in_dim3A_604, %parallel_loop3A_677 = %broadcast_in_dim3A_606) -> (vector<16xf32>, vector<16xi32>)  : i32 {
        %parallel_loop3A_678 = arith.constant 16 : i32
        %parallel_loop3A_679 = arith.muli %parallel_loop3A_675, %parallel_loop3A_678 : i32
        %parallel_loop3A_680 = arith.index_cast %parallel_loop3A_679 : i32 to index
        %parallel_loop3A_681 = tpu.vector_load %arg13[%parallel_loop3A_680] {strides = array<i32>} : memref<4096xf32, #tpu.memory_space<vmem>>, vector<16xf32>,
        %parallel_loop3A_682 = arith.constant 16 : i32
        %parallel_loop3A_683 = arith.muli %parallel_loop3A_675, %parallel_loop3A_682 : i32
        %parallel_loop3A_684 = arith.index_cast %parallel_loop3A_683 : i32 to index
        %parallel_loop3A_685 = tpu.vector_load %arg14[%parallel_loop3A_684] {strides = array<i32>} : memref<4096xf32, #tpu.memory_space<vmem>>, vector<16xf32>,
        %parallel_loop3A_686 = arith.constant 16 : i32
        %parallel_loop3A_687 = arith.muli %parallel_loop3A_675, %parallel_loop3A_686 : i32
        %parallel_loop3A_688 = arith.index_cast %parallel_loop3A_687 : i32 to index
        %parallel_loop3A_689 = tpu.vector_load %arg15[%parallel_loop3A_688] {strides = array<i32>} : memref<4096xf32, #tpu.memory_space<vmem>>, vector<16xf32>,
        %parallel_loop3A_690 = arith.constant 16 : i32
        %parallel_loop3A_691 = arith.muli %parallel_loop3A_675, %parallel_loop3A_690 : i32
        %parallel_loop3A_692 = arith.index_cast %parallel_loop3A_691 : i32 to index
        %parallel_loop3A_693 = tpu.vector_load %arg23[%parallel_loop3A_692] {strides = array<i32>} : memref<4096xf32, #tpu.memory_space<vmem>>, vector<16xf32>,
        %parallel_loop3A_694 = arith.subf %parallel_loop3A_681, %gather3A_600 : vector<16xf32>
        %parallel_loop3A_695 = arith.subf %parallel_loop3A_685, %gather3A_601 : vector<16xf32>
        %parallel_loop3A_696 = arith.subf %parallel_loop3A_689, %gather3A_602 : vector<16xf32>
        %parallel_loop3A_697 = arith.mulf %parallel_loop3A_694, %parallel_loop3A_694 : vector<16xf32>
        %parallel_loop3A_698 = arith.mulf %parallel_loop3A_695, %parallel_loop3A_695 : vector<16xf32>
        %parallel_loop3A_699 = arith.addf %parallel_loop3A_697, %parallel_loop3A_698 : vector<16xf32>
        %parallel_loop3A_700 = arith.mulf %parallel_loop3A_696, %parallel_loop3A_696 : vector<16xf32>
        %parallel_loop3A_701 = arith.addf %parallel_loop3A_699, %parallel_loop3A_700 : vector<16xf32>
        %parallel_loop3A_702 = arith.minimumf %parallel_loop3A_693, %parallel_loop3A_701 : vector<16xf32>
        %parallel_loop3A_703 = arith.constant 16 : i32
        %parallel_loop3A_704 = arith.muli %parallel_loop3A_675, %parallel_loop3A_703 : i32
        %parallel_loop3A_705 = arith.index_cast %parallel_loop3A_704 : i32 to index
        %parallel_loop3A_706 = tpu.vector_load %arg23[%parallel_loop3A_705] {strides = array<i32>} : memref<4096xf32, #tpu.memory_space<vmem>>, vector<16xf32>,
        tpu.vector_store %arg23[%parallel_loop3A_705], %parallel_loop3A_702 {strides = array<i32>} : memref<4096xf32, #tpu.memory_space<vmem>>, vector<16xf32>,
        %parallel_loop3A_707 = arith.cmpf ogt, %parallel_loop3A_702, %parallel_loop3A_676 : vector<16xf32>
        %parallel_loop3A_708 = arith.select %parallel_loop3A_707, %parallel_loop3A_702, %parallel_loop3A_676 : vector<16xi1>, vector<16xf32>
        %parallel_loop3A_709 = arith.constant 16 : i32
        %parallel_loop3A_710 = arith.muli %parallel_loop3A_675, %parallel_loop3A_709 : i32
        %parallel_loop3A_711 = vector.broadcast %parallel_loop3A_710 : i32 to vector<16xi32>
        %parallel_loop3A_712 = arith.addi %parallel_loop3A_711, %iota3A : vector<16xi32>
        %parallel_loop3A_713 = arith.select %parallel_loop3A_707, %parallel_loop3A_712, %parallel_loop3A_677 : vector<16xi1>, vector<16xi32>
        scf.yield %parallel_loop3A_708, %parallel_loop3A_713 : vector<16xf32>, vector<16xi32>
      } {sc.loop_unroll_factor = 4 : i64, sc.parallel_access}
      %iota3A_610 = tpu.iota {dimensions = array<i32: 0>} : vector<16xi32>
      %xor3A = arith.constant 8 : i32
      %xor3A_611 = vector.broadcast %xor3A : i32 to vector<16xi32>
      %xor3A_612 = arith.xori %iota3A_610, %xor3A_611 : vector<16xi32>
      %broadcast_in_dim3A_613 = vector.shape_cast %xor3A_612 : vector<16xi32> to vector<16x1xi32>
      %gather3A_614 = vector.shape_cast %broadcast_in_dim3A_613 : vector<16x1xi32> to vector<16xi32>
      %gather3A_615 = tpu.dynamic_gather %parallel_loop3A_609#0[%gather3A_614] in [0] : vector<16xf32>, vector<16xi32> -> vector<16xf32>
      %max3A = arith.maximumf %parallel_loop3A_609#0, %gather3A_615 : vector<16xf32>
      %xor3A_616 = arith.constant 4 : i32
      %xor3A_617 = vector.broadcast %xor3A_616 : i32 to vector<16xi32>
      %xor3A_618 = arith.xori %iota3A_610, %xor3A_617 : vector<16xi32>
      %broadcast_in_dim3A_619 = vector.shape_cast %xor3A_618 : vector<16xi32> to vector<16x1xi32>
      %gather3A_620 = vector.shape_cast %broadcast_in_dim3A_619 : vector<16x1xi32> to vector<16xi32>
      %gather3A_621 = tpu.dynamic_gather %max3A[%gather3A_620] in [0] : vector<16xf32>, vector<16xi32> -> vector<16xf32>
      %max3A_622 = arith.maximumf %max3A, %gather3A_621 : vector<16xf32>
      %xor3A_623 = arith.constant 2 : i32
      %xor3A_624 = vector.broadcast %xor3A_623 : i32 to vector<16xi32>
      %xor3A_625 = arith.xori %iota3A_610, %xor3A_624 : vector<16xi32>
      %broadcast_in_dim3A_626 = vector.shape_cast %xor3A_625 : vector<16xi32> to vector<16x1xi32>
      %gather3A_627 = vector.shape_cast %broadcast_in_dim3A_626 : vector<16x1xi32> to vector<16xi32>
      %gather3A_628 = tpu.dynamic_gather %max3A_622[%gather3A_627] in [0] : vector<16xf32>, vector<16xi32> -> vector<16xf32>
      %max3A_629 = arith.maximumf %max3A_622, %gather3A_628 : vector<16xf32>
      %xor3A_630 = arith.constant 1 : i32
      %xor3A_631 = vector.broadcast %xor3A_630 : i32 to vector<16xi32>
      %xor3A_632 = arith.xori %iota3A_610, %xor3A_631 : vector<16xi32>
      %broadcast_in_dim3A_633 = vector.shape_cast %xor3A_632 : vector<16xi32> to vector<16x1xi32>
      %gather3A_634 = vector.shape_cast %broadcast_in_dim3A_633 : vector<16x1xi32> to vector<16xi32>
      %gather3A_635 = tpu.dynamic_gather %max3A_629[%gather3A_634] in [0] : vector<16xf32>, vector<16xi32> -> vector<16xf32>
      %max3A_636 = arith.maximumf %max3A_629, %gather3A_635 : vector<16xf32>
      %eq3A_637 = arith.cmpf oeq, %parallel_loop3A_609#0, %max3A_636 : vector<16xf32>
      %jit3A_638 = arith.constant 1073741824 : i32
      %broadcast_in_dim3A_639 = vector.broadcast %jit3A_638 : i32 to vector<16xi32>
      %select_n3A_640 = arith.select %eq3A_637, %parallel_loop3A_609#1, %broadcast_in_dim3A_639 : vector<16xi1>, vector<16xi32>
      %iota3A_641 = tpu.iota {dimensions = array<i32: 0>} : vector<16xi32>
      %xor3A_642 = arith.constant 8 : i32
      %xor3A_643 = vector.broadcast %xor3A_642 : i32 to vector<16xi32>
      %xor3A_644 = arith.xori %iota3A_641, %xor3A_643 : vector<16xi32>
      %broadcast_in_dim3A_645 = vector.shape_cast %xor3A_644 : vector<16xi32> to vector<16x1xi32>
      %gather3A_646 = vector.shape_cast %broadcast_in_dim3A_645 : vector<16x1xi32> to vector<16xi32>
      %gather3A_647 = tpu.dynamic_gather %select_n3A_640[%gather3A_646] in [0] : vector<16xi32>, vector<16xi32> -> vector<16xi32>
      %min3A = arith.minsi %select_n3A_640, %gather3A_647 : vector<16xi32>
      %xor3A_648 = arith.constant 4 : i32
      %xor3A_649 = vector.broadcast %xor3A_648 : i32 to vector<16xi32>
      %xor3A_650 = arith.xori %iota3A_641, %xor3A_649 : vector<16xi32>
      %broadcast_in_dim3A_651 = vector.shape_cast %xor3A_650 : vector<16xi32> to vector<16x1xi32>
      %gather3A_652 = vector.shape_cast %broadcast_in_dim3A_651 : vector<16x1xi32> to vector<16xi32>
      %gather3A_653 = tpu.dynamic_gather %min3A[%gather3A_652] in [0] : vector<16xi32>, vector<16xi32> -> vector<16xi32>
      %min3A_654 = arith.minsi %min3A, %gather3A_653 : vector<16xi32>
      %xor3A_655 = arith.constant 2 : i32
      %xor3A_656 = vector.broadcast %xor3A_655 : i32 to vector<16xi32>
      %xor3A_657 = arith.xori %iota3A_641, %xor3A_656 : vector<16xi32>
      %broadcast_in_dim3A_658 = vector.shape_cast %xor3A_657 : vector<16xi32> to vector<16x1xi32>
      %gather3A_659 = vector.shape_cast %broadcast_in_dim3A_658 : vector<16x1xi32> to vector<16xi32>
      %gather3A_660 = tpu.dynamic_gather %min3A_654[%gather3A_659] in [0] : vector<16xi32>, vector<16xi32> -> vector<16xi32>
      %min3A_661 = arith.minsi %min3A_654, %gather3A_660 : vector<16xi32>
      %xor3A_662 = arith.constant 1 : i32
      %xor3A_663 = vector.broadcast %xor3A_662 : i32 to vector<16xi32>
      %xor3A_664 = arith.xori %iota3A_641, %xor3A_663 : vector<16xi32>
      %broadcast_in_dim3A_665 = vector.shape_cast %xor3A_664 : vector<16xi32> to vector<16x1xi32>
      %gather3A_666 = vector.shape_cast %broadcast_in_dim3A_665 : vector<16x1xi32> to vector<16xi32>
      %gather3A_667 = tpu.dynamic_gather %min3A_661[%gather3A_666] in [0] : vector<16xi32>, vector<16xi32> -> vector<16xi32>
      %min3A_668 = arith.minsi %min3A_661, %gather3A_667 : vector<16xi32>
      %ge3A_669 = arith.constant 4096 : i32
      %ge3A_670 = vector.broadcast %ge3A_669 : i32 to vector<16xi32>
      %ge3A_671 = arith.cmpi sge, %min3A_668, %ge3A_670 : vector<16xi32>
      %jit3A_672 = arith.constant 0 : i32
      %broadcast_in_dim3A_673 = vector.broadcast %jit3A_672 : i32 to vector<16xi32>
      %select_n3A_674 = arith.select %ge3A_671, %broadcast_in_dim3A_673, %min3A_668 : vector<16xi1>, vector<16xi32>
      scf.yield %select_n3A_674, %select_n3A_584, %select_n3A_589, %select_n3A_594, %select_n3A_599 : vector<16xi32>, vector<16xi32>, vector<16xi32>, vector<16xi32>, vector<16xi32>
    }
    %scan3A_223 = arith.constant 64 : i32
    %ge3A_224 = arith.constant 64 : i32
    %ge3A_225 = vector.broadcast %ge3A_224 : i32 to vector<16xi32>
    %ge3A_226 = arith.cmpi sge, %parallel_loop3A_54#1, %ge3A_225 : vector<16xi32>
    %jit3A_227 = arith.constant 1.000000e+00 : f32
    %jit3A_228 = arith.constant 0.000000e+00 : f32
    %broadcast_in_dim3A_229 = vector.broadcast %jit3A_227 : f32 to vector<16xf32>
    %broadcast_in_dim3A_230 = vector.broadcast %jit3A_228 : f32 to vector<16xf32>
    %select_n3A_231 = arith.select %ge3A_226, %broadcast_in_dim3A_229, %broadcast_in_dim3A_230 : vector<16xi1>, vector<16xf32>
    %gather3A_232 = tpu.vector_load_idx %arg13[%scan3A_222#1] : memref<4096xf32, #tpu.memory_space<vmem>>[vector<16xi32>], vector<16xf32>,
    %mul3A_233 = arith.mulf %gather3A_232, %select_n3A_231 : vector<16xf32>
    %gather3A_234 = tpu.vector_load_idx %arg14[%scan3A_222#1] : memref<4096xf32, #tpu.memory_space<vmem>>[vector<16xi32>], vector<16xf32>,
    %mul3A_235 = arith.mulf %gather3A_234, %select_n3A_231 : vector<16xf32>
    %gather3A_236 = tpu.vector_load_idx %arg15[%scan3A_222#1] : memref<4096xf32, #tpu.memory_space<vmem>>[vector<16xi32>], vector<16xf32>,
    %mul3A_237 = arith.mulf %gather3A_236, %select_n3A_231 : vector<16xf32>
    %swap3A_238 = arith.constant 64 : index
    %swap3A_239 = tpu.vector_load %arg26[%swap3A_238] {strides = array<i32>} : memref<256xf32, #tpu.memory_space<vmem>>, vector<16xf32>,
    tpu.vector_store %arg26[%swap3A_238], %mul3A_233 {strides = array<i32>} : memref<256xf32, #tpu.memory_space<vmem>>, vector<16xf32>,
    %swap3A_240 = arith.constant 64 : index
    %swap3A_241 = tpu.vector_load %arg27[%swap3A_240] {strides = array<i32>} : memref<256xf32, #tpu.memory_space<vmem>>, vector<16xf32>,
    tpu.vector_store %arg27[%swap3A_240], %mul3A_235 {strides = array<i32>} : memref<256xf32, #tpu.memory_space<vmem>>, vector<16xf32>,
    %swap3A_242 = arith.constant 64 : index
    %swap3A_243 = tpu.vector_load %arg28[%swap3A_242] {strides = array<i32>} : memref<256xf32, #tpu.memory_space<vmem>>, vector<16xf32>,
    tpu.vector_store %arg28[%swap3A_242], %mul3A_237 {strides = array<i32>} : memref<256xf32, #tpu.memory_space<vmem>>, vector<16xf32>,
    %gather3A_244 = tpu.vector_load_idx %arg13[%scan3A_222#2] : memref<4096xf32, #tpu.memory_space<vmem>>[vector<16xi32>], vector<16xf32>,
    %mul3A_245 = arith.mulf %gather3A_244, %select_n3A_231 : vector<16xf32>
    %gather3A_246 = tpu.vector_load_idx %arg14[%scan3A_222#2] : memref<4096xf32, #tpu.memory_space<vmem>>[vector<16xi32>], vector<16xf32>,
    %mul3A_247 = arith.mulf %gather3A_246, %select_n3A_231 : vector<16xf32>
    %gather3A_248 = tpu.vector_load_idx %arg15[%scan3A_222#2] : memref<4096xf32, #tpu.memory_space<vmem>>[vector<16xi32>], vector<16xf32>,
    %mul3A_249 = arith.mulf %gather3A_248, %select_n3A_231 : vector<16xf32>
    %swap3A_250 = arith.constant 80 : index
    %swap3A_251 = tpu.vector_load %arg26[%swap3A_250] {strides = array<i32>} : memref<256xf32, #tpu.memory_space<vmem>>, vector<16xf32>,
    tpu.vector_store %arg26[%swap3A_250], %mul3A_245 {strides = array<i32>} : memref<256xf32, #tpu.memory_space<vmem>>, vector<16xf32>,
    %swap3A_252 = arith.constant 80 : index
    %swap3A_253 = tpu.vector_load %arg27[%swap3A_252] {strides = array<i32>} : memref<256xf32, #tpu.memory_space<vmem>>, vector<16xf32>,
    tpu.vector_store %arg27[%swap3A_252], %mul3A_247 {strides = array<i32>} : memref<256xf32, #tpu.memory_space<vmem>>, vector<16xf32>,
    %swap3A_254 = arith.constant 80 : index
    %swap3A_255 = tpu.vector_load %arg28[%swap3A_254] {strides = array<i32>} : memref<256xf32, #tpu.memory_space<vmem>>, vector<16xf32>,
    tpu.vector_store %arg28[%swap3A_254], %mul3A_249 {strides = array<i32>} : memref<256xf32, #tpu.memory_space<vmem>>, vector<16xf32>,
    %gather3A_256 = tpu.vector_load_idx %arg13[%scan3A_222#3] : memref<4096xf32, #tpu.memory_space<vmem>>[vector<16xi32>], vector<16xf32>,
    %mul3A_257 = arith.mulf %gather3A_256, %select_n3A_231 : vector<16xf32>
    %gather3A_258 = tpu.vector_load_idx %arg14[%scan3A_222#3] : memref<4096xf32, #tpu.memory_space<vmem>>[vector<16xi32>], vector<16xf32>,
    %mul3A_259 = arith.mulf %gather3A_258, %select_n3A_231 : vector<16xf32>
    %gather3A_260 = tpu.vector_load_idx %arg15[%scan3A_222#3] : memref<4096xf32, #tpu.memory_space<vmem>>[vector<16xi32>], vector<16xf32>,
    %mul3A_261 = arith.mulf %gather3A_260, %select_n3A_231 : vector<16xf32>
    %swap3A_262 = arith.constant 96 : index
    %swap3A_263 = tpu.vector_load %arg26[%swap3A_262] {strides = array<i32>} : memref<256xf32, #tpu.memory_space<vmem>>, vector<16xf32>,
    tpu.vector_store %arg26[%swap3A_262], %mul3A_257 {strides = array<i32>} : memref<256xf32, #tpu.memory_space<vmem>>, vector<16xf32>,
    %swap3A_264 = arith.constant 96 : index
    %swap3A_265 = tpu.vector_load %arg27[%swap3A_264] {strides = array<i32>} : memref<256xf32, #tpu.memory_space<vmem>>, vector<16xf32>,
    tpu.vector_store %arg27[%swap3A_264], %mul3A_259 {strides = array<i32>} : memref<256xf32, #tpu.memory_space<vmem>>, vector<16xf32>,
    %swap3A_266 = arith.constant 96 : index
    %swap3A_267 = tpu.vector_load %arg28[%swap3A_266] {strides = array<i32>} : memref<256xf32, #tpu.memory_space<vmem>>, vector<16xf32>,
    tpu.vector_store %arg28[%swap3A_266], %mul3A_261 {strides = array<i32>} : memref<256xf32, #tpu.memory_space<vmem>>, vector<16xf32>,
    %gather3A_268 = tpu.vector_load_idx %arg13[%scan3A_222#4] : memref<4096xf32, #tpu.memory_space<vmem>>[vector<16xi32>], vector<16xf32>,
    %mul3A_269 = arith.mulf %gather3A_268, %select_n3A_231 : vector<16xf32>
    %gather3A_270 = tpu.vector_load_idx %arg14[%scan3A_222#4] : memref<4096xf32, #tpu.memory_space<vmem>>[vector<16xi32>], vector<16xf32>,
    %mul3A_271 = arith.mulf %gather3A_270, %select_n3A_231 : vector<16xf32>
    %gather3A_272 = tpu.vector_load_idx %arg15[%scan3A_222#4] : memref<4096xf32, #tpu.memory_space<vmem>>[vector<16xi32>], vector<16xf32>,
    %mul3A_273 = arith.mulf %gather3A_272, %select_n3A_231 : vector<16xf32>
    %swap3A_274 = arith.constant 112 : index
    %swap3A_275 = tpu.vector_load %arg26[%swap3A_274] {strides = array<i32>} : memref<256xf32, #tpu.memory_space<vmem>>, vector<16xf32>,
    tpu.vector_store %arg26[%swap3A_274], %mul3A_269 {strides = array<i32>} : memref<256xf32, #tpu.memory_space<vmem>>, vector<16xf32>,
    %swap3A_276 = arith.constant 112 : index
    %swap3A_277 = tpu.vector_load %arg27[%swap3A_276] {strides = array<i32>} : memref<256xf32, #tpu.memory_space<vmem>>, vector<16xf32>,
    tpu.vector_store %arg27[%swap3A_276], %mul3A_271 {strides = array<i32>} : memref<256xf32, #tpu.memory_space<vmem>>, vector<16xf32>,
    %swap3A_278 = arith.constant 112 : index
    %swap3A_279 = tpu.vector_load %arg28[%swap3A_278] {strides = array<i32>} : memref<256xf32, #tpu.memory_space<vmem>>, vector<16xf32>,
    tpu.vector_store %arg28[%swap3A_278], %mul3A_273 {strides = array<i32>} : memref<256xf32, #tpu.memory_space<vmem>>, vector<16xf32>,
    %eq3A_280 = arith.constant 1 : i32
    %eq3A_281 = vector.broadcast %eq3A_280 : i32 to vector<16xi32>
    %eq3A_282 = arith.cmpi eq, %iota3A, %eq3A_281 : vector<16xi32>
    %select_n3A_283 = arith.select %eq3A_282, %parallel_loop3A_54#1, %select_n3A_167 : vector<16xi1>, vector<16xi32>
    %reduce_max3A_284 = arith.constant true
    %reduce_max3A_285 = vector.broadcast %reduce_max3A_284 : i1 to vector<16xi1>
    %reduce_max3A_286 = arith.constant -2147483648 : i32
    %reduce_max3A_287 = vector.broadcast %reduce_max3A_286 : i32 to vector<16xi32>
    %reduce_max3A_288 = arith.xori %parallel_loop3A_54#2, %reduce_max3A_287 : vector<16xi32>
    %reduce_max3A_289 = tpu.scan <max>, %reduce_max3A_288 masked %reduce_max3A_285 : vector<16xi32>, vector<16xi1> -> vector<16xi32>
    %reduce_max3A_290 = arith.xori %reduce_max3A_289, %reduce_max3A_287 : vector<16xi32>
    %reduce_max3A_291 = vector.extract %reduce_max3A_290[15] : i32 from vector<16xi32>
    %add3A_292 = arith.constant 64 : i32
    %add3A_293 = arith.addi %reduce_max3A_291, %add3A_292 : i32
    %sub3A_294 = arith.constant 1 : i32
    %sub3A_295 = arith.subi %add3A_293, %sub3A_294 : i32
    %jit3A_296 = arith.constant 64 : i32
    %div3A_297 = arith.divsi %sub3A_295, %jit3A_296 : i32
    %sign3A_298 = arith.constant 0 : i32
    %sign3A_299 = arith.cmpi sgt, %sub3A_295, %sign3A_298 : i32
    %sign3A_300 = arith.extui %sign3A_299 : i1 to i32
    %sign3A_301 = arith.constant 0 : i32
    %sign3A_302 = arith.cmpi slt, %sub3A_295, %sign3A_301 : i32
    %sign3A_303 = arith.extui %sign3A_302 : i1 to i32
    %sign3A_304 = arith.subi %sign3A_300, %sign3A_303 : i32
    %sign3A_305 = arith.constant 0 : i32
    %sign3A_306 = arith.cmpi sgt, %jit3A_296, %sign3A_305 : i32
    %sign3A_307 = arith.extui %sign3A_306 : i1 to i32
    %sign3A_308 = arith.constant 0 : i32
    %sign3A_309 = arith.cmpi slt, %jit3A_296, %sign3A_308 : i32
    %sign3A_310 = arith.extui %sign3A_309 : i1 to i32
    %sign3A_311 = arith.subi %sign3A_307, %sign3A_310 : i32
    %ne3A_312 = arith.cmpi ne, %sign3A_304, %sign3A_311 : i32
    %rem3A_313 = arith.remsi %sub3A_295, %jit3A_296 : i32
    %ne3A_314 = arith.constant 0 : i32
    %ne3A_315 = arith.cmpi ne, %rem3A_313, %ne3A_314 : i32
    %and3A_316 = arith.andi %ne3A_312, %ne3A_315 : i1
    %sub3A_317 = arith.constant 1 : i32
    %sub3A_318 = arith.subi %div3A_297, %sub3A_317 : i32
    %select_n3A_319 = arith.select %and3A_316, %sub3A_318, %div3A_297 : i32
    %mul3A_320 = arith.constant 4 : i32
    %mul3A_321 = arith.muli %select_n3A_319, %mul3A_320 : i32
    %parallel_loop3A_322 = arith.constant 0 : i32
    %parallel_loop3A_323 = arith.constant 1 : i32
    scf.for %parallel_loop3A_532 = %parallel_loop3A_322 to %mul3A_321 step %parallel_loop3A_323  : i32 {
      %parallel_loop3A_533 = arith.constant 16 : i32
      %parallel_loop3A_534 = arith.muli %parallel_loop3A_532, %parallel_loop3A_533 : i32
      %parallel_loop3A_535 = vector.broadcast %parallel_loop3A_534 : i32 to vector<16xi32>
      %parallel_loop3A_536 = arith.addi %parallel_loop3A_535, %iota3A : vector<16xi32>
      %parallel_loop3A_537 = arith.cmpi slt, %parallel_loop3A_536, %parallel_loop3A_54#2 : vector<16xi32>
      %parallel_loop3A_538 = arith.constant 1.000000e+10 : f32
      %parallel_loop3A_539 = arith.constant -1.000000e+10 : f32
      %parallel_loop3A_540 = vector.broadcast %parallel_loop3A_538 : f32 to vector<16xf32>
      %parallel_loop3A_541 = vector.broadcast %parallel_loop3A_539 : f32 to vector<16xf32>
      %parallel_loop3A_542 = arith.select %parallel_loop3A_537, %parallel_loop3A_540, %parallel_loop3A_541 : vector<16xi1>, vector<16xf32>
      %parallel_loop3A_543 = arith.constant 16 : i32
      %parallel_loop3A_544 = arith.muli %parallel_loop3A_532, %parallel_loop3A_543 : i32
      %parallel_loop3A_545 = arith.index_cast %parallel_loop3A_544 : i32 to index
      %parallel_loop3A_546 = tpu.vector_load %arg24[%parallel_loop3A_545] {strides = array<i32>} : memref<4096xf32, #tpu.memory_space<vmem>>, vector<16xf32>,
      tpu.vector_store %arg24[%parallel_loop3A_545], %parallel_loop3A_542 {strides = array<i32>} : memref<4096xf32, #tpu.memory_space<vmem>>, vector<16xf32>,
    } {sc.loop_unroll_factor = 4 : i64, sc.parallel_access}
    %broadcast_in_dim3A_324 = arith.constant 0 : i32
    %broadcast_in_dim3A_325 = vector.broadcast %broadcast_in_dim3A_324 : i32 to vector<16xi32>
    %broadcast_in_dim3A_326 = arith.constant 0 : i32
    %broadcast_in_dim3A_327 = vector.broadcast %broadcast_in_dim3A_326 : i32 to vector<16xi32>
    %broadcast_in_dim3A_328 = arith.constant 0 : i32
    %broadcast_in_dim3A_329 = vector.broadcast %broadcast_in_dim3A_328 : i32 to vector<16xi32>
    %broadcast_in_dim3A_330 = arith.constant 0 : i32
    %broadcast_in_dim3A_331 = vector.broadcast %broadcast_in_dim3A_330 : i32 to vector<16xi32>
    %broadcast_in_dim3A_332 = arith.constant 0 : i32
    %broadcast_in_dim3A_333 = vector.broadcast %broadcast_in_dim3A_332 : i32 to vector<16xi32>
    %scan3A_334 = arith.constant 0 : i32
    %scan3A_335 = arith.constant 64 : i32
    %scan3A_336 = arith.addi %scan3A_334, %scan3A_335 : i32
    %scan3A_337 = arith.constant 1 : i32
    %scan3A_338:5 = scf.for %scan3A_532 = %scan3A_334 to %scan3A_336 step %scan3A_337 iter_args(%scan3A_533 = %broadcast_in_dim3A_333, %scan3A_534 = %broadcast_in_dim3A_325, %scan3A_535 = %broadcast_in_dim3A_327, %scan3A_536 = %broadcast_in_dim3A_329, %scan3A_537 = %broadcast_in_dim3A_331) -> (vector<16xi32>, vector<16xi32>, vector<16xi32>, vector<16xi32>, vector<16xi32>)  : i32 {
      %jit3A_538 = arith.constant 16 : i32
      %eq3A_539 = arith.constant 0 : i32
      %eq3A_540 = arith.cmpi eq, %jit3A_538, %eq3A_539 : i32
      %jit3A_541 = arith.constant 1 : i32
      %select_n3A_542 = arith.select %eq3A_540, %jit3A_541, %jit3A_538 : i32
      %rem3A_543 = arith.remsi %scan3A_532, %select_n3A_542 : i32
      %ne3A_544 = arith.constant 0 : i32
      %ne3A_545 = arith.cmpi ne, %rem3A_543, %ne3A_544 : i32
      %lt3A_546 = arith.constant 0 : i32
      %lt3A_547 = arith.cmpi slt, %rem3A_543, %lt3A_546 : i32
      %lt3A_548 = arith.constant 0 : i32
      %lt3A_549 = arith.cmpi slt, %select_n3A_542, %lt3A_548 : i32
      %ne3A_550 = arith.xori %lt3A_547, %lt3A_549 : i1
      %and3A_551 = arith.andi %ne3A_550, %ne3A_545 : i1
      %add3A_552 = arith.addi %rem3A_543, %select_n3A_542 : i32
      %select_n3A_553 = arith.select %and3A_551, %add3A_552, %rem3A_543 : i32
      %jit3A_554 = arith.constant 16 : i32
      %div3A_555 = arith.divsi %scan3A_532, %jit3A_554 : i32
      %sign3A_556 = arith.constant 0 : i32
      %sign3A_557 = arith.cmpi sgt, %scan3A_532, %sign3A_556 : i32
      %sign3A_558 = arith.extui %sign3A_557 : i1 to i32
      %sign3A_559 = arith.constant 0 : i32
      %sign3A_560 = arith.cmpi slt, %scan3A_532, %sign3A_559 : i32
      %sign3A_561 = arith.extui %sign3A_560 : i1 to i32
      %sign3A_562 = arith.subi %sign3A_558, %sign3A_561 : i32
      %sign3A_563 = arith.constant 0 : i32
      %sign3A_564 = arith.cmpi sgt, %jit3A_554, %sign3A_563 : i32
      %sign3A_565 = arith.extui %sign3A_564 : i1 to i32
      %sign3A_566 = arith.constant 0 : i32
      %sign3A_567 = arith.cmpi slt, %jit3A_554, %sign3A_566 : i32
      %sign3A_568 = arith.extui %sign3A_567 : i1 to i32
      %sign3A_569 = arith.subi %sign3A_565, %sign3A_568 : i32
      %ne3A_570 = arith.cmpi ne, %sign3A_562, %sign3A_569 : i32
      %rem3A_571 = arith.remsi %scan3A_532, %jit3A_554 : i32
      %ne3A_572 = arith.constant 0 : i32
      %ne3A_573 = arith.cmpi ne, %rem3A_571, %ne3A_572 : i32
      %and3A_574 = arith.andi %ne3A_570, %ne3A_573 : i1
      %sub3A_575 = arith.constant 1 : i32
      %sub3A_576 = arith.subi %div3A_555, %sub3A_575 : i32
      %select_n3A_577 = arith.select %and3A_574, %sub3A_576, %div3A_555 : i32
      %eq3A_578 = vector.broadcast %select_n3A_553 : i32 to vector<16xi32>
      %eq3A_579 = arith.cmpi eq, %iota3A, %eq3A_578 : vector<16xi32>
      %eq3A_580 = arith.constant 0 : i32
      %eq3A_581 = arith.cmpi eq, %select_n3A_577, %eq3A_580 : i32
      %and3A_582 = vector.broadcast %eq3A_581 : i1 to vector<16xi1>
      %and3A_583 = arith.andi %and3A_582, %eq3A_579 : vector<16xi1>
      %select_n3A_584 = arith.select %and3A_583, %scan3A_533, %scan3A_534 : vector<16xi1>, vector<16xi32>
      %eq3A_585 = arith.constant 1 : i32
      %eq3A_586 = arith.cmpi eq, %select_n3A_577, %eq3A_585 : i32
      %and3A_587 = vector.broadcast %eq3A_586 : i1 to vector<16xi1>
      %and3A_588 = arith.andi %and3A_587, %eq3A_579 : vector<16xi1>
      %select_n3A_589 = arith.select %and3A_588, %scan3A_533, %scan3A_535 : vector<16xi1>, vector<16xi32>
      %eq3A_590 = arith.constant 2 : i32
      %eq3A_591 = arith.cmpi eq, %select_n3A_577, %eq3A_590 : i32
      %and3A_592 = vector.broadcast %eq3A_591 : i1 to vector<16xi1>
      %and3A_593 = arith.andi %and3A_592, %eq3A_579 : vector<16xi1>
      %select_n3A_594 = arith.select %and3A_593, %scan3A_533, %scan3A_536 : vector<16xi1>, vector<16xi32>
      %eq3A_595 = arith.constant 3 : i32
      %eq3A_596 = arith.cmpi eq, %select_n3A_577, %eq3A_595 : i32
      %and3A_597 = vector.broadcast %eq3A_596 : i1 to vector<16xi1>
      %and3A_598 = arith.andi %and3A_597, %eq3A_579 : vector<16xi1>
      %select_n3A_599 = arith.select %and3A_598, %scan3A_533, %scan3A_537 : vector<16xi1>, vector<16xi32>
      %gather3A_600 = tpu.vector_load_idx %arg16[%scan3A_533] : memref<4096xf32, #tpu.memory_space<vmem>>[vector<16xi32>], vector<16xf32>,
      %gather3A_601 = tpu.vector_load_idx %arg17[%scan3A_533] : memref<4096xf32, #tpu.memory_space<vmem>>[vector<16xi32>], vector<16xf32>,
      %gather3A_602 = tpu.vector_load_idx %arg18[%scan3A_533] : memref<4096xf32, #tpu.memory_space<vmem>>[vector<16xi32>], vector<16xf32>,
      %broadcast_in_dim3A_603 = arith.constant -3.000000e+38 : f32
      %broadcast_in_dim3A_604 = vector.broadcast %broadcast_in_dim3A_603 : f32 to vector<16xf32>
      %broadcast_in_dim3A_605 = arith.constant 0 : i32
      %broadcast_in_dim3A_606 = vector.broadcast %broadcast_in_dim3A_605 : i32 to vector<16xi32>
      %parallel_loop3A_607 = arith.constant 0 : i32
      %parallel_loop3A_608 = arith.constant 1 : i32
      %parallel_loop3A_609:2 = scf.for %parallel_loop3A_675 = %parallel_loop3A_607 to %mul3A_321 step %parallel_loop3A_608 iter_args(%parallel_loop3A_676 = %broadcast_in_dim3A_604, %parallel_loop3A_677 = %broadcast_in_dim3A_606) -> (vector<16xf32>, vector<16xi32>)  : i32 {
        %parallel_loop3A_678 = arith.constant 16 : i32
        %parallel_loop3A_679 = arith.muli %parallel_loop3A_675, %parallel_loop3A_678 : i32
        %parallel_loop3A_680 = arith.index_cast %parallel_loop3A_679 : i32 to index
        %parallel_loop3A_681 = tpu.vector_load %arg16[%parallel_loop3A_680] {strides = array<i32>} : memref<4096xf32, #tpu.memory_space<vmem>>, vector<16xf32>,
        %parallel_loop3A_682 = arith.constant 16 : i32
        %parallel_loop3A_683 = arith.muli %parallel_loop3A_675, %parallel_loop3A_682 : i32
        %parallel_loop3A_684 = arith.index_cast %parallel_loop3A_683 : i32 to index
        %parallel_loop3A_685 = tpu.vector_load %arg17[%parallel_loop3A_684] {strides = array<i32>} : memref<4096xf32, #tpu.memory_space<vmem>>, vector<16xf32>,
        %parallel_loop3A_686 = arith.constant 16 : i32
        %parallel_loop3A_687 = arith.muli %parallel_loop3A_675, %parallel_loop3A_686 : i32
        %parallel_loop3A_688 = arith.index_cast %parallel_loop3A_687 : i32 to index
        %parallel_loop3A_689 = tpu.vector_load %arg18[%parallel_loop3A_688] {strides = array<i32>} : memref<4096xf32, #tpu.memory_space<vmem>>, vector<16xf32>,
        %parallel_loop3A_690 = arith.constant 16 : i32
        %parallel_loop3A_691 = arith.muli %parallel_loop3A_675, %parallel_loop3A_690 : i32
        %parallel_loop3A_692 = arith.index_cast %parallel_loop3A_691 : i32 to index
        %parallel_loop3A_693 = tpu.vector_load %arg24[%parallel_loop3A_692] {strides = array<i32>} : memref<4096xf32, #tpu.memory_space<vmem>>, vector<16xf32>,
        %parallel_loop3A_694 = arith.subf %parallel_loop3A_681, %gather3A_600 : vector<16xf32>
        %parallel_loop3A_695 = arith.subf %parallel_loop3A_685, %gather3A_601 : vector<16xf32>
        %parallel_loop3A_696 = arith.subf %parallel_loop3A_689, %gather3A_602 : vector<16xf32>
        %parallel_loop3A_697 = arith.mulf %parallel_loop3A_694, %parallel_loop3A_694 : vector<16xf32>
        %parallel_loop3A_698 = arith.mulf %parallel_loop3A_695, %parallel_loop3A_695 : vector<16xf32>
        %parallel_loop3A_699 = arith.addf %parallel_loop3A_697, %parallel_loop3A_698 : vector<16xf32>
        %parallel_loop3A_700 = arith.mulf %parallel_loop3A_696, %parallel_loop3A_696 : vector<16xf32>
        %parallel_loop3A_701 = arith.addf %parallel_loop3A_699, %parallel_loop3A_700 : vector<16xf32>
        %parallel_loop3A_702 = arith.minimumf %parallel_loop3A_693, %parallel_loop3A_701 : vector<16xf32>
        %parallel_loop3A_703 = arith.constant 16 : i32
        %parallel_loop3A_704 = arith.muli %parallel_loop3A_675, %parallel_loop3A_703 : i32
        %parallel_loop3A_705 = arith.index_cast %parallel_loop3A_704 : i32 to index
        %parallel_loop3A_706 = tpu.vector_load %arg24[%parallel_loop3A_705] {strides = array<i32>} : memref<4096xf32, #tpu.memory_space<vmem>>, vector<16xf32>,
        tpu.vector_store %arg24[%parallel_loop3A_705], %parallel_loop3A_702 {strides = array<i32>} : memref<4096xf32, #tpu.memory_space<vmem>>, vector<16xf32>,
        %parallel_loop3A_707 = arith.cmpf ogt, %parallel_loop3A_702, %parallel_loop3A_676 : vector<16xf32>
        %parallel_loop3A_708 = arith.select %parallel_loop3A_707, %parallel_loop3A_702, %parallel_loop3A_676 : vector<16xi1>, vector<16xf32>
        %parallel_loop3A_709 = arith.constant 16 : i32
        %parallel_loop3A_710 = arith.muli %parallel_loop3A_675, %parallel_loop3A_709 : i32
        %parallel_loop3A_711 = vector.broadcast %parallel_loop3A_710 : i32 to vector<16xi32>
        %parallel_loop3A_712 = arith.addi %parallel_loop3A_711, %iota3A : vector<16xi32>
        %parallel_loop3A_713 = arith.select %parallel_loop3A_707, %parallel_loop3A_712, %parallel_loop3A_677 : vector<16xi1>, vector<16xi32>
        scf.yield %parallel_loop3A_708, %parallel_loop3A_713 : vector<16xf32>, vector<16xi32>
      } {sc.loop_unroll_factor = 4 : i64, sc.parallel_access}
      %iota3A_610 = tpu.iota {dimensions = array<i32: 0>} : vector<16xi32>
      %xor3A = arith.constant 8 : i32
      %xor3A_611 = vector.broadcast %xor3A : i32 to vector<16xi32>
      %xor3A_612 = arith.xori %iota3A_610, %xor3A_611 : vector<16xi32>
      %broadcast_in_dim3A_613 = vector.shape_cast %xor3A_612 : vector<16xi32> to vector<16x1xi32>
      %gather3A_614 = vector.shape_cast %broadcast_in_dim3A_613 : vector<16x1xi32> to vector<16xi32>
      %gather3A_615 = tpu.dynamic_gather %parallel_loop3A_609#0[%gather3A_614] in [0] : vector<16xf32>, vector<16xi32> -> vector<16xf32>
      %max3A = arith.maximumf %parallel_loop3A_609#0, %gather3A_615 : vector<16xf32>
      %xor3A_616 = arith.constant 4 : i32
      %xor3A_617 = vector.broadcast %xor3A_616 : i32 to vector<16xi32>
      %xor3A_618 = arith.xori %iota3A_610, %xor3A_617 : vector<16xi32>
      %broadcast_in_dim3A_619 = vector.shape_cast %xor3A_618 : vector<16xi32> to vector<16x1xi32>
      %gather3A_620 = vector.shape_cast %broadcast_in_dim3A_619 : vector<16x1xi32> to vector<16xi32>
      %gather3A_621 = tpu.dynamic_gather %max3A[%gather3A_620] in [0] : vector<16xf32>, vector<16xi32> -> vector<16xf32>
      %max3A_622 = arith.maximumf %max3A, %gather3A_621 : vector<16xf32>
      %xor3A_623 = arith.constant 2 : i32
      %xor3A_624 = vector.broadcast %xor3A_623 : i32 to vector<16xi32>
      %xor3A_625 = arith.xori %iota3A_610, %xor3A_624 : vector<16xi32>
      %broadcast_in_dim3A_626 = vector.shape_cast %xor3A_625 : vector<16xi32> to vector<16x1xi32>
      %gather3A_627 = vector.shape_cast %broadcast_in_dim3A_626 : vector<16x1xi32> to vector<16xi32>
      %gather3A_628 = tpu.dynamic_gather %max3A_622[%gather3A_627] in [0] : vector<16xf32>, vector<16xi32> -> vector<16xf32>
      %max3A_629 = arith.maximumf %max3A_622, %gather3A_628 : vector<16xf32>
      %xor3A_630 = arith.constant 1 : i32
      %xor3A_631 = vector.broadcast %xor3A_630 : i32 to vector<16xi32>
      %xor3A_632 = arith.xori %iota3A_610, %xor3A_631 : vector<16xi32>
      %broadcast_in_dim3A_633 = vector.shape_cast %xor3A_632 : vector<16xi32> to vector<16x1xi32>
      %gather3A_634 = vector.shape_cast %broadcast_in_dim3A_633 : vector<16x1xi32> to vector<16xi32>
      %gather3A_635 = tpu.dynamic_gather %max3A_629[%gather3A_634] in [0] : vector<16xf32>, vector<16xi32> -> vector<16xf32>
      %max3A_636 = arith.maximumf %max3A_629, %gather3A_635 : vector<16xf32>
      %eq3A_637 = arith.cmpf oeq, %parallel_loop3A_609#0, %max3A_636 : vector<16xf32>
      %jit3A_638 = arith.constant 1073741824 : i32
      %broadcast_in_dim3A_639 = vector.broadcast %jit3A_638 : i32 to vector<16xi32>
      %select_n3A_640 = arith.select %eq3A_637, %parallel_loop3A_609#1, %broadcast_in_dim3A_639 : vector<16xi1>, vector<16xi32>
      %iota3A_641 = tpu.iota {dimensions = array<i32: 0>} : vector<16xi32>
      %xor3A_642 = arith.constant 8 : i32
      %xor3A_643 = vector.broadcast %xor3A_642 : i32 to vector<16xi32>
      %xor3A_644 = arith.xori %iota3A_641, %xor3A_643 : vector<16xi32>
      %broadcast_in_dim3A_645 = vector.shape_cast %xor3A_644 : vector<16xi32> to vector<16x1xi32>
      %gather3A_646 = vector.shape_cast %broadcast_in_dim3A_645 : vector<16x1xi32> to vector<16xi32>
      %gather3A_647 = tpu.dynamic_gather %select_n3A_640[%gather3A_646] in [0] : vector<16xi32>, vector<16xi32> -> vector<16xi32>
      %min3A = arith.minsi %select_n3A_640, %gather3A_647 : vector<16xi32>
      %xor3A_648 = arith.constant 4 : i32
      %xor3A_649 = vector.broadcast %xor3A_648 : i32 to vector<16xi32>
      %xor3A_650 = arith.xori %iota3A_641, %xor3A_649 : vector<16xi32>
      %broadcast_in_dim3A_651 = vector.shape_cast %xor3A_650 : vector<16xi32> to vector<16x1xi32>
      %gather3A_652 = vector.shape_cast %broadcast_in_dim3A_651 : vector<16x1xi32> to vector<16xi32>
      %gather3A_653 = tpu.dynamic_gather %min3A[%gather3A_652] in [0] : vector<16xi32>, vector<16xi32> -> vector<16xi32>
      %min3A_654 = arith.minsi %min3A, %gather3A_653 : vector<16xi32>
      %xor3A_655 = arith.constant 2 : i32
      %xor3A_656 = vector.broadcast %xor3A_655 : i32 to vector<16xi32>
      %xor3A_657 = arith.xori %iota3A_641, %xor3A_656 : vector<16xi32>
      %broadcast_in_dim3A_658 = vector.shape_cast %xor3A_657 : vector<16xi32> to vector<16x1xi32>
      %gather3A_659 = vector.shape_cast %broadcast_in_dim3A_658 : vector<16x1xi32> to vector<16xi32>
      %gather3A_660 = tpu.dynamic_gather %min3A_654[%gather3A_659] in [0] : vector<16xi32>, vector<16xi32> -> vector<16xi32>
      %min3A_661 = arith.minsi %min3A_654, %gather3A_660 : vector<16xi32>
      %xor3A_662 = arith.constant 1 : i32
      %xor3A_663 = vector.broadcast %xor3A_662 : i32 to vector<16xi32>
      %xor3A_664 = arith.xori %iota3A_641, %xor3A_663 : vector<16xi32>
      %broadcast_in_dim3A_665 = vector.shape_cast %xor3A_664 : vector<16xi32> to vector<16x1xi32>
      %gather3A_666 = vector.shape_cast %broadcast_in_dim3A_665 : vector<16x1xi32> to vector<16xi32>
      %gather3A_667 = tpu.dynamic_gather %min3A_661[%gather3A_666] in [0] : vector<16xi32>, vector<16xi32> -> vector<16xi32>
      %min3A_668 = arith.minsi %min3A_661, %gather3A_667 : vector<16xi32>
      %ge3A_669 = arith.constant 4096 : i32
      %ge3A_670 = vector.broadcast %ge3A_669 : i32 to vector<16xi32>
      %ge3A_671 = arith.cmpi sge, %min3A_668, %ge3A_670 : vector<16xi32>
      %jit3A_672 = arith.constant 0 : i32
      %broadcast_in_dim3A_673 = vector.broadcast %jit3A_672 : i32 to vector<16xi32>
      %select_n3A_674 = arith.select %ge3A_671, %broadcast_in_dim3A_673, %min3A_668 : vector<16xi1>, vector<16xi32>
      scf.yield %select_n3A_674, %select_n3A_584, %select_n3A_589, %select_n3A_594, %select_n3A_599 : vector<16xi32>, vector<16xi32>, vector<16xi32>, vector<16xi32>, vector<16xi32>
    }
    %scan3A_339 = arith.constant 64 : i32
    %ge3A_340 = arith.constant 64 : i32
    %ge3A_341 = vector.broadcast %ge3A_340 : i32 to vector<16xi32>
    %ge3A_342 = arith.cmpi sge, %parallel_loop3A_54#2, %ge3A_341 : vector<16xi32>
    %jit3A_343 = arith.constant 1.000000e+00 : f32
    %jit3A_344 = arith.constant 0.000000e+00 : f32
    %broadcast_in_dim3A_345 = vector.broadcast %jit3A_343 : f32 to vector<16xf32>
    %broadcast_in_dim3A_346 = vector.broadcast %jit3A_344 : f32 to vector<16xf32>
    %select_n3A_347 = arith.select %ge3A_342, %broadcast_in_dim3A_345, %broadcast_in_dim3A_346 : vector<16xi1>, vector<16xf32>
    %gather3A_348 = tpu.vector_load_idx %arg16[%scan3A_338#1] : memref<4096xf32, #tpu.memory_space<vmem>>[vector<16xi32>], vector<16xf32>,
    %mul3A_349 = arith.mulf %gather3A_348, %select_n3A_347 : vector<16xf32>
    %gather3A_350 = tpu.vector_load_idx %arg17[%scan3A_338#1] : memref<4096xf32, #tpu.memory_space<vmem>>[vector<16xi32>], vector<16xf32>,
    %mul3A_351 = arith.mulf %gather3A_350, %select_n3A_347 : vector<16xf32>
    %gather3A_352 = tpu.vector_load_idx %arg18[%scan3A_338#1] : memref<4096xf32, #tpu.memory_space<vmem>>[vector<16xi32>], vector<16xf32>,
    %mul3A_353 = arith.mulf %gather3A_352, %select_n3A_347 : vector<16xf32>
    %swap3A_354 = arith.constant 128 : index
    %swap3A_355 = tpu.vector_load %arg26[%swap3A_354] {strides = array<i32>} : memref<256xf32, #tpu.memory_space<vmem>>, vector<16xf32>,
    tpu.vector_store %arg26[%swap3A_354], %mul3A_349 {strides = array<i32>} : memref<256xf32, #tpu.memory_space<vmem>>, vector<16xf32>,
    %swap3A_356 = arith.constant 128 : index
    %swap3A_357 = tpu.vector_load %arg27[%swap3A_356] {strides = array<i32>} : memref<256xf32, #tpu.memory_space<vmem>>, vector<16xf32>,
    tpu.vector_store %arg27[%swap3A_356], %mul3A_351 {strides = array<i32>} : memref<256xf32, #tpu.memory_space<vmem>>, vector<16xf32>,
    %swap3A_358 = arith.constant 128 : index
    %swap3A_359 = tpu.vector_load %arg28[%swap3A_358] {strides = array<i32>} : memref<256xf32, #tpu.memory_space<vmem>>, vector<16xf32>,
    tpu.vector_store %arg28[%swap3A_358], %mul3A_353 {strides = array<i32>} : memref<256xf32, #tpu.memory_space<vmem>>, vector<16xf32>,
    %gather3A_360 = tpu.vector_load_idx %arg16[%scan3A_338#2] : memref<4096xf32, #tpu.memory_space<vmem>>[vector<16xi32>], vector<16xf32>,
    %mul3A_361 = arith.mulf %gather3A_360, %select_n3A_347 : vector<16xf32>
    %gather3A_362 = tpu.vector_load_idx %arg17[%scan3A_338#2] : memref<4096xf32, #tpu.memory_space<vmem>>[vector<16xi32>], vector<16xf32>,
    %mul3A_363 = arith.mulf %gather3A_362, %select_n3A_347 : vector<16xf32>
    %gather3A_364 = tpu.vector_load_idx %arg18[%scan3A_338#2] : memref<4096xf32, #tpu.memory_space<vmem>>[vector<16xi32>], vector<16xf32>,
    %mul3A_365 = arith.mulf %gather3A_364, %select_n3A_347 : vector<16xf32>
    %swap3A_366 = arith.constant 144 : index
    %swap3A_367 = tpu.vector_load %arg26[%swap3A_366] {strides = array<i32>} : memref<256xf32, #tpu.memory_space<vmem>>, vector<16xf32>,
    tpu.vector_store %arg26[%swap3A_366], %mul3A_361 {strides = array<i32>} : memref<256xf32, #tpu.memory_space<vmem>>, vector<16xf32>,
    %swap3A_368 = arith.constant 144 : index
    %swap3A_369 = tpu.vector_load %arg27[%swap3A_368] {strides = array<i32>} : memref<256xf32, #tpu.memory_space<vmem>>, vector<16xf32>,
    tpu.vector_store %arg27[%swap3A_368], %mul3A_363 {strides = array<i32>} : memref<256xf32, #tpu.memory_space<vmem>>, vector<16xf32>,
    %swap3A_370 = arith.constant 144 : index
    %swap3A_371 = tpu.vector_load %arg28[%swap3A_370] {strides = array<i32>} : memref<256xf32, #tpu.memory_space<vmem>>, vector<16xf32>,
    tpu.vector_store %arg28[%swap3A_370], %mul3A_365 {strides = array<i32>} : memref<256xf32, #tpu.memory_space<vmem>>, vector<16xf32>,
    %gather3A_372 = tpu.vector_load_idx %arg16[%scan3A_338#3] : memref<4096xf32, #tpu.memory_space<vmem>>[vector<16xi32>], vector<16xf32>,
    %mul3A_373 = arith.mulf %gather3A_372, %select_n3A_347 : vector<16xf32>
    %gather3A_374 = tpu.vector_load_idx %arg17[%scan3A_338#3] : memref<4096xf32, #tpu.memory_space<vmem>>[vector<16xi32>], vector<16xf32>,
    %mul3A_375 = arith.mulf %gather3A_374, %select_n3A_347 : vector<16xf32>
    %gather3A_376 = tpu.vector_load_idx %arg18[%scan3A_338#3] : memref<4096xf32, #tpu.memory_space<vmem>>[vector<16xi32>], vector<16xf32>,
    %mul3A_377 = arith.mulf %gather3A_376, %select_n3A_347 : vector<16xf32>
    %swap3A_378 = arith.constant 160 : index
    %swap3A_379 = tpu.vector_load %arg26[%swap3A_378] {strides = array<i32>} : memref<256xf32, #tpu.memory_space<vmem>>, vector<16xf32>,
    tpu.vector_store %arg26[%swap3A_378], %mul3A_373 {strides = array<i32>} : memref<256xf32, #tpu.memory_space<vmem>>, vector<16xf32>,
    %swap3A_380 = arith.constant 160 : index
    %swap3A_381 = tpu.vector_load %arg27[%swap3A_380] {strides = array<i32>} : memref<256xf32, #tpu.memory_space<vmem>>, vector<16xf32>,
    tpu.vector_store %arg27[%swap3A_380], %mul3A_375 {strides = array<i32>} : memref<256xf32, #tpu.memory_space<vmem>>, vector<16xf32>,
    %swap3A_382 = arith.constant 160 : index
    %swap3A_383 = tpu.vector_load %arg28[%swap3A_382] {strides = array<i32>} : memref<256xf32, #tpu.memory_space<vmem>>, vector<16xf32>,
    tpu.vector_store %arg28[%swap3A_382], %mul3A_377 {strides = array<i32>} : memref<256xf32, #tpu.memory_space<vmem>>, vector<16xf32>,
    %gather3A_384 = tpu.vector_load_idx %arg16[%scan3A_338#4] : memref<4096xf32, #tpu.memory_space<vmem>>[vector<16xi32>], vector<16xf32>,
    %mul3A_385 = arith.mulf %gather3A_384, %select_n3A_347 : vector<16xf32>
    %gather3A_386 = tpu.vector_load_idx %arg17[%scan3A_338#4] : memref<4096xf32, #tpu.memory_space<vmem>>[vector<16xi32>], vector<16xf32>,
    %mul3A_387 = arith.mulf %gather3A_386, %select_n3A_347 : vector<16xf32>
    %gather3A_388 = tpu.vector_load_idx %arg18[%scan3A_338#4] : memref<4096xf32, #tpu.memory_space<vmem>>[vector<16xi32>], vector<16xf32>,
    %mul3A_389 = arith.mulf %gather3A_388, %select_n3A_347 : vector<16xf32>
    %swap3A_390 = arith.constant 176 : index
    %swap3A_391 = tpu.vector_load %arg26[%swap3A_390] {strides = array<i32>} : memref<256xf32, #tpu.memory_space<vmem>>, vector<16xf32>,
    tpu.vector_store %arg26[%swap3A_390], %mul3A_385 {strides = array<i32>} : memref<256xf32, #tpu.memory_space<vmem>>, vector<16xf32>,
    %swap3A_392 = arith.constant 176 : index
    %swap3A_393 = tpu.vector_load %arg27[%swap3A_392] {strides = array<i32>} : memref<256xf32, #tpu.memory_space<vmem>>, vector<16xf32>,
    tpu.vector_store %arg27[%swap3A_392], %mul3A_387 {strides = array<i32>} : memref<256xf32, #tpu.memory_space<vmem>>, vector<16xf32>,
    %swap3A_394 = arith.constant 176 : index
    %swap3A_395 = tpu.vector_load %arg28[%swap3A_394] {strides = array<i32>} : memref<256xf32, #tpu.memory_space<vmem>>, vector<16xf32>,
    tpu.vector_store %arg28[%swap3A_394], %mul3A_389 {strides = array<i32>} : memref<256xf32, #tpu.memory_space<vmem>>, vector<16xf32>,
    %eq3A_396 = arith.constant 2 : i32
    %eq3A_397 = vector.broadcast %eq3A_396 : i32 to vector<16xi32>
    %eq3A_398 = arith.cmpi eq, %iota3A, %eq3A_397 : vector<16xi32>
    %select_n3A_399 = arith.select %eq3A_398, %parallel_loop3A_54#2, %select_n3A_283 : vector<16xi1>, vector<16xi32>
    %reduce_max3A_400 = arith.constant true
    %reduce_max3A_401 = vector.broadcast %reduce_max3A_400 : i1 to vector<16xi1>
    %reduce_max3A_402 = arith.constant -2147483648 : i32
    %reduce_max3A_403 = vector.broadcast %reduce_max3A_402 : i32 to vector<16xi32>
    %reduce_max3A_404 = arith.xori %parallel_loop3A_54#3, %reduce_max3A_403 : vector<16xi32>
    %reduce_max3A_405 = tpu.scan <max>, %reduce_max3A_404 masked %reduce_max3A_401 : vector<16xi32>, vector<16xi1> -> vector<16xi32>
    %reduce_max3A_406 = arith.xori %reduce_max3A_405, %reduce_max3A_403 : vector<16xi32>
    %reduce_max3A_407 = vector.extract %reduce_max3A_406[15] : i32 from vector<16xi32>
    %add3A_408 = arith.constant 64 : i32
    %add3A_409 = arith.addi %reduce_max3A_407, %add3A_408 : i32
    %sub3A_410 = arith.constant 1 : i32
    %sub3A_411 = arith.subi %add3A_409, %sub3A_410 : i32
    %jit3A_412 = arith.constant 64 : i32
    %div3A_413 = arith.divsi %sub3A_411, %jit3A_412 : i32
    %sign3A_414 = arith.constant 0 : i32
    %sign3A_415 = arith.cmpi sgt, %sub3A_411, %sign3A_414 : i32
    %sign3A_416 = arith.extui %sign3A_415 : i1 to i32
    %sign3A_417 = arith.constant 0 : i32
    %sign3A_418 = arith.cmpi slt, %sub3A_411, %sign3A_417 : i32
    %sign3A_419 = arith.extui %sign3A_418 : i1 to i32
    %sign3A_420 = arith.subi %sign3A_416, %sign3A_419 : i32
    %sign3A_421 = arith.constant 0 : i32
    %sign3A_422 = arith.cmpi sgt, %jit3A_412, %sign3A_421 : i32
    %sign3A_423 = arith.extui %sign3A_422 : i1 to i32
    %sign3A_424 = arith.constant 0 : i32
    %sign3A_425 = arith.cmpi slt, %jit3A_412, %sign3A_424 : i32
    %sign3A_426 = arith.extui %sign3A_425 : i1 to i32
    %sign3A_427 = arith.subi %sign3A_423, %sign3A_426 : i32
    %ne3A_428 = arith.cmpi ne, %sign3A_420, %sign3A_427 : i32
    %rem3A_429 = arith.remsi %sub3A_411, %jit3A_412 : i32
    %ne3A_430 = arith.constant 0 : i32
    %ne3A_431 = arith.cmpi ne, %rem3A_429, %ne3A_430 : i32
    %and3A_432 = arith.andi %ne3A_428, %ne3A_431 : i1
    %sub3A_433 = arith.constant 1 : i32
    %sub3A_434 = arith.subi %div3A_413, %sub3A_433 : i32
    %select_n3A_435 = arith.select %and3A_432, %sub3A_434, %div3A_413 : i32
    %mul3A_436 = arith.constant 4 : i32
    %mul3A_437 = arith.muli %select_n3A_435, %mul3A_436 : i32
    %parallel_loop3A_438 = arith.constant 0 : i32
    %parallel_loop3A_439 = arith.constant 1 : i32
    scf.for %parallel_loop3A_532 = %parallel_loop3A_438 to %mul3A_437 step %parallel_loop3A_439  : i32 {
      %parallel_loop3A_533 = arith.constant 16 : i32
      %parallel_loop3A_534 = arith.muli %parallel_loop3A_532, %parallel_loop3A_533 : i32
      %parallel_loop3A_535 = vector.broadcast %parallel_loop3A_534 : i32 to vector<16xi32>
      %parallel_loop3A_536 = arith.addi %parallel_loop3A_535, %iota3A : vector<16xi32>
      %parallel_loop3A_537 = arith.cmpi slt, %parallel_loop3A_536, %parallel_loop3A_54#3 : vector<16xi32>
      %parallel_loop3A_538 = arith.constant 1.000000e+10 : f32
      %parallel_loop3A_539 = arith.constant -1.000000e+10 : f32
      %parallel_loop3A_540 = vector.broadcast %parallel_loop3A_538 : f32 to vector<16xf32>
      %parallel_loop3A_541 = vector.broadcast %parallel_loop3A_539 : f32 to vector<16xf32>
      %parallel_loop3A_542 = arith.select %parallel_loop3A_537, %parallel_loop3A_540, %parallel_loop3A_541 : vector<16xi1>, vector<16xf32>
      %parallel_loop3A_543 = arith.constant 16 : i32
      %parallel_loop3A_544 = arith.muli %parallel_loop3A_532, %parallel_loop3A_543 : i32
      %parallel_loop3A_545 = arith.index_cast %parallel_loop3A_544 : i32 to index
      %parallel_loop3A_546 = tpu.vector_load %arg25[%parallel_loop3A_545] {strides = array<i32>} : memref<4096xf32, #tpu.memory_space<vmem>>, vector<16xf32>,
      tpu.vector_store %arg25[%parallel_loop3A_545], %parallel_loop3A_542 {strides = array<i32>} : memref<4096xf32, #tpu.memory_space<vmem>>, vector<16xf32>,
    } {sc.loop_unroll_factor = 4 : i64, sc.parallel_access}
    %broadcast_in_dim3A_440 = arith.constant 0 : i32
    %broadcast_in_dim3A_441 = vector.broadcast %broadcast_in_dim3A_440 : i32 to vector<16xi32>
    %broadcast_in_dim3A_442 = arith.constant 0 : i32
    %broadcast_in_dim3A_443 = vector.broadcast %broadcast_in_dim3A_442 : i32 to vector<16xi32>
    %broadcast_in_dim3A_444 = arith.constant 0 : i32
    %broadcast_in_dim3A_445 = vector.broadcast %broadcast_in_dim3A_444 : i32 to vector<16xi32>
    %broadcast_in_dim3A_446 = arith.constant 0 : i32
    %broadcast_in_dim3A_447 = vector.broadcast %broadcast_in_dim3A_446 : i32 to vector<16xi32>
    %broadcast_in_dim3A_448 = arith.constant 0 : i32
    %broadcast_in_dim3A_449 = vector.broadcast %broadcast_in_dim3A_448 : i32 to vector<16xi32>
    %scan3A_450 = arith.constant 0 : i32
    %scan3A_451 = arith.constant 64 : i32
    %scan3A_452 = arith.addi %scan3A_450, %scan3A_451 : i32
    %scan3A_453 = arith.constant 1 : i32
    %scan3A_454:5 = scf.for %scan3A_532 = %scan3A_450 to %scan3A_452 step %scan3A_453 iter_args(%scan3A_533 = %broadcast_in_dim3A_449, %scan3A_534 = %broadcast_in_dim3A_441, %scan3A_535 = %broadcast_in_dim3A_443, %scan3A_536 = %broadcast_in_dim3A_445, %scan3A_537 = %broadcast_in_dim3A_447) -> (vector<16xi32>, vector<16xi32>, vector<16xi32>, vector<16xi32>, vector<16xi32>)  : i32 {
      %jit3A_538 = arith.constant 16 : i32
      %eq3A_539 = arith.constant 0 : i32
      %eq3A_540 = arith.cmpi eq, %jit3A_538, %eq3A_539 : i32
      %jit3A_541 = arith.constant 1 : i32
      %select_n3A_542 = arith.select %eq3A_540, %jit3A_541, %jit3A_538 : i32
      %rem3A_543 = arith.remsi %scan3A_532, %select_n3A_542 : i32
      %ne3A_544 = arith.constant 0 : i32
      %ne3A_545 = arith.cmpi ne, %rem3A_543, %ne3A_544 : i32
      %lt3A_546 = arith.constant 0 : i32
      %lt3A_547 = arith.cmpi slt, %rem3A_543, %lt3A_546 : i32
      %lt3A_548 = arith.constant 0 : i32
      %lt3A_549 = arith.cmpi slt, %select_n3A_542, %lt3A_548 : i32
      %ne3A_550 = arith.xori %lt3A_547, %lt3A_549 : i1
      %and3A_551 = arith.andi %ne3A_550, %ne3A_545 : i1
      %add3A_552 = arith.addi %rem3A_543, %select_n3A_542 : i32
      %select_n3A_553 = arith.select %and3A_551, %add3A_552, %rem3A_543 : i32
      %jit3A_554 = arith.constant 16 : i32
      %div3A_555 = arith.divsi %scan3A_532, %jit3A_554 : i32
      %sign3A_556 = arith.constant 0 : i32
      %sign3A_557 = arith.cmpi sgt, %scan3A_532, %sign3A_556 : i32
      %sign3A_558 = arith.extui %sign3A_557 : i1 to i32
      %sign3A_559 = arith.constant 0 : i32
      %sign3A_560 = arith.cmpi slt, %scan3A_532, %sign3A_559 : i32
      %sign3A_561 = arith.extui %sign3A_560 : i1 to i32
      %sign3A_562 = arith.subi %sign3A_558, %sign3A_561 : i32
      %sign3A_563 = arith.constant 0 : i32
      %sign3A_564 = arith.cmpi sgt, %jit3A_554, %sign3A_563 : i32
      %sign3A_565 = arith.extui %sign3A_564 : i1 to i32
      %sign3A_566 = arith.constant 0 : i32
      %sign3A_567 = arith.cmpi slt, %jit3A_554, %sign3A_566 : i32
      %sign3A_568 = arith.extui %sign3A_567 : i1 to i32
      %sign3A_569 = arith.subi %sign3A_565, %sign3A_568 : i32
      %ne3A_570 = arith.cmpi ne, %sign3A_562, %sign3A_569 : i32
      %rem3A_571 = arith.remsi %scan3A_532, %jit3A_554 : i32
      %ne3A_572 = arith.constant 0 : i32
      %ne3A_573 = arith.cmpi ne, %rem3A_571, %ne3A_572 : i32
      %and3A_574 = arith.andi %ne3A_570, %ne3A_573 : i1
      %sub3A_575 = arith.constant 1 : i32
      %sub3A_576 = arith.subi %div3A_555, %sub3A_575 : i32
      %select_n3A_577 = arith.select %and3A_574, %sub3A_576, %div3A_555 : i32
      %eq3A_578 = vector.broadcast %select_n3A_553 : i32 to vector<16xi32>
      %eq3A_579 = arith.cmpi eq, %iota3A, %eq3A_578 : vector<16xi32>
      %eq3A_580 = arith.constant 0 : i32
      %eq3A_581 = arith.cmpi eq, %select_n3A_577, %eq3A_580 : i32
      %and3A_582 = vector.broadcast %eq3A_581 : i1 to vector<16xi1>
      %and3A_583 = arith.andi %and3A_582, %eq3A_579 : vector<16xi1>
      %select_n3A_584 = arith.select %and3A_583, %scan3A_533, %scan3A_534 : vector<16xi1>, vector<16xi32>
      %eq3A_585 = arith.constant 1 : i32
      %eq3A_586 = arith.cmpi eq, %select_n3A_577, %eq3A_585 : i32
      %and3A_587 = vector.broadcast %eq3A_586 : i1 to vector<16xi1>
      %and3A_588 = arith.andi %and3A_587, %eq3A_579 : vector<16xi1>
      %select_n3A_589 = arith.select %and3A_588, %scan3A_533, %scan3A_535 : vector<16xi1>, vector<16xi32>
      %eq3A_590 = arith.constant 2 : i32
      %eq3A_591 = arith.cmpi eq, %select_n3A_577, %eq3A_590 : i32
      %and3A_592 = vector.broadcast %eq3A_591 : i1 to vector<16xi1>
      %and3A_593 = arith.andi %and3A_592, %eq3A_579 : vector<16xi1>
      %select_n3A_594 = arith.select %and3A_593, %scan3A_533, %scan3A_536 : vector<16xi1>, vector<16xi32>
      %eq3A_595 = arith.constant 3 : i32
      %eq3A_596 = arith.cmpi eq, %select_n3A_577, %eq3A_595 : i32
      %and3A_597 = vector.broadcast %eq3A_596 : i1 to vector<16xi1>
      %and3A_598 = arith.andi %and3A_597, %eq3A_579 : vector<16xi1>
      %select_n3A_599 = arith.select %and3A_598, %scan3A_533, %scan3A_537 : vector<16xi1>, vector<16xi32>
      %gather3A_600 = tpu.vector_load_idx %arg19[%scan3A_533] : memref<4096xf32, #tpu.memory_space<vmem>>[vector<16xi32>], vector<16xf32>,
      %gather3A_601 = tpu.vector_load_idx %arg20[%scan3A_533] : memref<4096xf32, #tpu.memory_space<vmem>>[vector<16xi32>], vector<16xf32>,
      %gather3A_602 = tpu.vector_load_idx %arg21[%scan3A_533] : memref<4096xf32, #tpu.memory_space<vmem>>[vector<16xi32>], vector<16xf32>,
      %broadcast_in_dim3A_603 = arith.constant -3.000000e+38 : f32
      %broadcast_in_dim3A_604 = vector.broadcast %broadcast_in_dim3A_603 : f32 to vector<16xf32>
      %broadcast_in_dim3A_605 = arith.constant 0 : i32
      %broadcast_in_dim3A_606 = vector.broadcast %broadcast_in_dim3A_605 : i32 to vector<16xi32>
      %parallel_loop3A_607 = arith.constant 0 : i32
      %parallel_loop3A_608 = arith.constant 1 : i32
      %parallel_loop3A_609:2 = scf.for %parallel_loop3A_675 = %parallel_loop3A_607 to %mul3A_437 step %parallel_loop3A_608 iter_args(%parallel_loop3A_676 = %broadcast_in_dim3A_604, %parallel_loop3A_677 = %broadcast_in_dim3A_606) -> (vector<16xf32>, vector<16xi32>)  : i32 {
        %parallel_loop3A_678 = arith.constant 16 : i32
        %parallel_loop3A_679 = arith.muli %parallel_loop3A_675, %parallel_loop3A_678 : i32
        %parallel_loop3A_680 = arith.index_cast %parallel_loop3A_679 : i32 to index
        %parallel_loop3A_681 = tpu.vector_load %arg19[%parallel_loop3A_680] {strides = array<i32>} : memref<4096xf32, #tpu.memory_space<vmem>>, vector<16xf32>,
        %parallel_loop3A_682 = arith.constant 16 : i32
        %parallel_loop3A_683 = arith.muli %parallel_loop3A_675, %parallel_loop3A_682 : i32
        %parallel_loop3A_684 = arith.index_cast %parallel_loop3A_683 : i32 to index
        %parallel_loop3A_685 = tpu.vector_load %arg20[%parallel_loop3A_684] {strides = array<i32>} : memref<4096xf32, #tpu.memory_space<vmem>>, vector<16xf32>,
        %parallel_loop3A_686 = arith.constant 16 : i32
        %parallel_loop3A_687 = arith.muli %parallel_loop3A_675, %parallel_loop3A_686 : i32
        %parallel_loop3A_688 = arith.index_cast %parallel_loop3A_687 : i32 to index
        %parallel_loop3A_689 = tpu.vector_load %arg21[%parallel_loop3A_688] {strides = array<i32>} : memref<4096xf32, #tpu.memory_space<vmem>>, vector<16xf32>,
        %parallel_loop3A_690 = arith.constant 16 : i32
        %parallel_loop3A_691 = arith.muli %parallel_loop3A_675, %parallel_loop3A_690 : i32
        %parallel_loop3A_692 = arith.index_cast %parallel_loop3A_691 : i32 to index
        %parallel_loop3A_693 = tpu.vector_load %arg25[%parallel_loop3A_692] {strides = array<i32>} : memref<4096xf32, #tpu.memory_space<vmem>>, vector<16xf32>,
        %parallel_loop3A_694 = arith.subf %parallel_loop3A_681, %gather3A_600 : vector<16xf32>
        %parallel_loop3A_695 = arith.subf %parallel_loop3A_685, %gather3A_601 : vector<16xf32>
        %parallel_loop3A_696 = arith.subf %parallel_loop3A_689, %gather3A_602 : vector<16xf32>
        %parallel_loop3A_697 = arith.mulf %parallel_loop3A_694, %parallel_loop3A_694 : vector<16xf32>
        %parallel_loop3A_698 = arith.mulf %parallel_loop3A_695, %parallel_loop3A_695 : vector<16xf32>
        %parallel_loop3A_699 = arith.addf %parallel_loop3A_697, %parallel_loop3A_698 : vector<16xf32>
        %parallel_loop3A_700 = arith.mulf %parallel_loop3A_696, %parallel_loop3A_696 : vector<16xf32>
        %parallel_loop3A_701 = arith.addf %parallel_loop3A_699, %parallel_loop3A_700 : vector<16xf32>
        %parallel_loop3A_702 = arith.minimumf %parallel_loop3A_693, %parallel_loop3A_701 : vector<16xf32>
        %parallel_loop3A_703 = arith.constant 16 : i32
        %parallel_loop3A_704 = arith.muli %parallel_loop3A_675, %parallel_loop3A_703 : i32
        %parallel_loop3A_705 = arith.index_cast %parallel_loop3A_704 : i32 to index
        %parallel_loop3A_706 = tpu.vector_load %arg25[%parallel_loop3A_705] {strides = array<i32>} : memref<4096xf32, #tpu.memory_space<vmem>>, vector<16xf32>,
        tpu.vector_store %arg25[%parallel_loop3A_705], %parallel_loop3A_702 {strides = array<i32>} : memref<4096xf32, #tpu.memory_space<vmem>>, vector<16xf32>,
        %parallel_loop3A_707 = arith.cmpf ogt, %parallel_loop3A_702, %parallel_loop3A_676 : vector<16xf32>
        %parallel_loop3A_708 = arith.select %parallel_loop3A_707, %parallel_loop3A_702, %parallel_loop3A_676 : vector<16xi1>, vector<16xf32>
        %parallel_loop3A_709 = arith.constant 16 : i32
        %parallel_loop3A_710 = arith.muli %parallel_loop3A_675, %parallel_loop3A_709 : i32
        %parallel_loop3A_711 = vector.broadcast %parallel_loop3A_710 : i32 to vector<16xi32>
        %parallel_loop3A_712 = arith.addi %parallel_loop3A_711, %iota3A : vector<16xi32>
        %parallel_loop3A_713 = arith.select %parallel_loop3A_707, %parallel_loop3A_712, %parallel_loop3A_677 : vector<16xi1>, vector<16xi32>
        scf.yield %parallel_loop3A_708, %parallel_loop3A_713 : vector<16xf32>, vector<16xi32>
      } {sc.loop_unroll_factor = 4 : i64, sc.parallel_access}
      %iota3A_610 = tpu.iota {dimensions = array<i32: 0>} : vector<16xi32>
      %xor3A = arith.constant 8 : i32
      %xor3A_611 = vector.broadcast %xor3A : i32 to vector<16xi32>
      %xor3A_612 = arith.xori %iota3A_610, %xor3A_611 : vector<16xi32>
      %broadcast_in_dim3A_613 = vector.shape_cast %xor3A_612 : vector<16xi32> to vector<16x1xi32>
      %gather3A_614 = vector.shape_cast %broadcast_in_dim3A_613 : vector<16x1xi32> to vector<16xi32>
      %gather3A_615 = tpu.dynamic_gather %parallel_loop3A_609#0[%gather3A_614] in [0] : vector<16xf32>, vector<16xi32> -> vector<16xf32>
      %max3A = arith.maximumf %parallel_loop3A_609#0, %gather3A_615 : vector<16xf32>
      %xor3A_616 = arith.constant 4 : i32
      %xor3A_617 = vector.broadcast %xor3A_616 : i32 to vector<16xi32>
      %xor3A_618 = arith.xori %iota3A_610, %xor3A_617 : vector<16xi32>
      %broadcast_in_dim3A_619 = vector.shape_cast %xor3A_618 : vector<16xi32> to vector<16x1xi32>
      %gather3A_620 = vector.shape_cast %broadcast_in_dim3A_619 : vector<16x1xi32> to vector<16xi32>
      %gather3A_621 = tpu.dynamic_gather %max3A[%gather3A_620] in [0] : vector<16xf32>, vector<16xi32> -> vector<16xf32>
      %max3A_622 = arith.maximumf %max3A, %gather3A_621 : vector<16xf32>
      %xor3A_623 = arith.constant 2 : i32
      %xor3A_624 = vector.broadcast %xor3A_623 : i32 to vector<16xi32>
      %xor3A_625 = arith.xori %iota3A_610, %xor3A_624 : vector<16xi32>
      %broadcast_in_dim3A_626 = vector.shape_cast %xor3A_625 : vector<16xi32> to vector<16x1xi32>
      %gather3A_627 = vector.shape_cast %broadcast_in_dim3A_626 : vector<16x1xi32> to vector<16xi32>
      %gather3A_628 = tpu.dynamic_gather %max3A_622[%gather3A_627] in [0] : vector<16xf32>, vector<16xi32> -> vector<16xf32>
      %max3A_629 = arith.maximumf %max3A_622, %gather3A_628 : vector<16xf32>
      %xor3A_630 = arith.constant 1 : i32
      %xor3A_631 = vector.broadcast %xor3A_630 : i32 to vector<16xi32>
      %xor3A_632 = arith.xori %iota3A_610, %xor3A_631 : vector<16xi32>
      %broadcast_in_dim3A_633 = vector.shape_cast %xor3A_632 : vector<16xi32> to vector<16x1xi32>
      %gather3A_634 = vector.shape_cast %broadcast_in_dim3A_633 : vector<16x1xi32> to vector<16xi32>
      %gather3A_635 = tpu.dynamic_gather %max3A_629[%gather3A_634] in [0] : vector<16xf32>, vector<16xi32> -> vector<16xf32>
      %max3A_636 = arith.maximumf %max3A_629, %gather3A_635 : vector<16xf32>
      %eq3A_637 = arith.cmpf oeq, %parallel_loop3A_609#0, %max3A_636 : vector<16xf32>
      %jit3A_638 = arith.constant 1073741824 : i32
      %broadcast_in_dim3A_639 = vector.broadcast %jit3A_638 : i32 to vector<16xi32>
      %select_n3A_640 = arith.select %eq3A_637, %parallel_loop3A_609#1, %broadcast_in_dim3A_639 : vector<16xi1>, vector<16xi32>
      %iota3A_641 = tpu.iota {dimensions = array<i32: 0>} : vector<16xi32>
      %xor3A_642 = arith.constant 8 : i32
      %xor3A_643 = vector.broadcast %xor3A_642 : i32 to vector<16xi32>
      %xor3A_644 = arith.xori %iota3A_641, %xor3A_643 : vector<16xi32>
      %broadcast_in_dim3A_645 = vector.shape_cast %xor3A_644 : vector<16xi32> to vector<16x1xi32>
      %gather3A_646 = vector.shape_cast %broadcast_in_dim3A_645 : vector<16x1xi32> to vector<16xi32>
      %gather3A_647 = tpu.dynamic_gather %select_n3A_640[%gather3A_646] in [0] : vector<16xi32>, vector<16xi32> -> vector<16xi32>
      %min3A = arith.minsi %select_n3A_640, %gather3A_647 : vector<16xi32>
      %xor3A_648 = arith.constant 4 : i32
      %xor3A_649 = vector.broadcast %xor3A_648 : i32 to vector<16xi32>
      %xor3A_650 = arith.xori %iota3A_641, %xor3A_649 : vector<16xi32>
      %broadcast_in_dim3A_651 = vector.shape_cast %xor3A_650 : vector<16xi32> to vector<16x1xi32>
      %gather3A_652 = vector.shape_cast %broadcast_in_dim3A_651 : vector<16x1xi32> to vector<16xi32>
      %gather3A_653 = tpu.dynamic_gather %min3A[%gather3A_652] in [0] : vector<16xi32>, vector<16xi32> -> vector<16xi32>
      %min3A_654 = arith.minsi %min3A, %gather3A_653 : vector<16xi32>
      %xor3A_655 = arith.constant 2 : i32
      %xor3A_656 = vector.broadcast %xor3A_655 : i32 to vector<16xi32>
      %xor3A_657 = arith.xori %iota3A_641, %xor3A_656 : vector<16xi32>
      %broadcast_in_dim3A_658 = vector.shape_cast %xor3A_657 : vector<16xi32> to vector<16x1xi32>
      %gather3A_659 = vector.shape_cast %broadcast_in_dim3A_658 : vector<16x1xi32> to vector<16xi32>
      %gather3A_660 = tpu.dynamic_gather %min3A_654[%gather3A_659] in [0] : vector<16xi32>, vector<16xi32> -> vector<16xi32>
      %min3A_661 = arith.minsi %min3A_654, %gather3A_660 : vector<16xi32>
      %xor3A_662 = arith.constant 1 : i32
      %xor3A_663 = vector.broadcast %xor3A_662 : i32 to vector<16xi32>
      %xor3A_664 = arith.xori %iota3A_641, %xor3A_663 : vector<16xi32>
      %broadcast_in_dim3A_665 = vector.shape_cast %xor3A_664 : vector<16xi32> to vector<16x1xi32>
      %gather3A_666 = vector.shape_cast %broadcast_in_dim3A_665 : vector<16x1xi32> to vector<16xi32>
      %gather3A_667 = tpu.dynamic_gather %min3A_661[%gather3A_666] in [0] : vector<16xi32>, vector<16xi32> -> vector<16xi32>
      %min3A_668 = arith.minsi %min3A_661, %gather3A_667 : vector<16xi32>
      %ge3A_669 = arith.constant 4096 : i32
      %ge3A_670 = vector.broadcast %ge3A_669 : i32 to vector<16xi32>
      %ge3A_671 = arith.cmpi sge, %min3A_668, %ge3A_670 : vector<16xi32>
      %jit3A_672 = arith.constant 0 : i32
      %broadcast_in_dim3A_673 = vector.broadcast %jit3A_672 : i32 to vector<16xi32>
      %select_n3A_674 = arith.select %ge3A_671, %broadcast_in_dim3A_673, %min3A_668 : vector<16xi1>, vector<16xi32>
      scf.yield %select_n3A_674, %select_n3A_584, %select_n3A_589, %select_n3A_594, %select_n3A_599 : vector<16xi32>, vector<16xi32>, vector<16xi32>, vector<16xi32>, vector<16xi32>
    }
    %scan3A_455 = arith.constant 64 : i32
    %ge3A_456 = arith.constant 64 : i32
    %ge3A_457 = vector.broadcast %ge3A_456 : i32 to vector<16xi32>
    %ge3A_458 = arith.cmpi sge, %parallel_loop3A_54#3, %ge3A_457 : vector<16xi32>
    %jit3A_459 = arith.constant 1.000000e+00 : f32
    %jit3A_460 = arith.constant 0.000000e+00 : f32
    %broadcast_in_dim3A_461 = vector.broadcast %jit3A_459 : f32 to vector<16xf32>
    %broadcast_in_dim3A_462 = vector.broadcast %jit3A_460 : f32 to vector<16xf32>
    %select_n3A_463 = arith.select %ge3A_458, %broadcast_in_dim3A_461, %broadcast_in_dim3A_462 : vector<16xi1>, vector<16xf32>
    %gather3A_464 = tpu.vector_load_idx %arg19[%scan3A_454#1] : memref<4096xf32, #tpu.memory_space<vmem>>[vector<16xi32>], vector<16xf32>,
    %mul3A_465 = arith.mulf %gather3A_464, %select_n3A_463 : vector<16xf32>
    %gather3A_466 = tpu.vector_load_idx %arg20[%scan3A_454#1] : memref<4096xf32, #tpu.memory_space<vmem>>[vector<16xi32>], vector<16xf32>,
    %mul3A_467 = arith.mulf %gather3A_466, %select_n3A_463 : vector<16xf32>
    %gather3A_468 = tpu.vector_load_idx %arg21[%scan3A_454#1] : memref<4096xf32, #tpu.memory_space<vmem>>[vector<16xi32>], vector<16xf32>,
    %mul3A_469 = arith.mulf %gather3A_468, %select_n3A_463 : vector<16xf32>
    %swap3A_470 = arith.constant 192 : index
    %swap3A_471 = tpu.vector_load %arg26[%swap3A_470] {strides = array<i32>} : memref<256xf32, #tpu.memory_space<vmem>>, vector<16xf32>,
    tpu.vector_store %arg26[%swap3A_470], %mul3A_465 {strides = array<i32>} : memref<256xf32, #tpu.memory_space<vmem>>, vector<16xf32>,
    %swap3A_472 = arith.constant 192 : index
    %swap3A_473 = tpu.vector_load %arg27[%swap3A_472] {strides = array<i32>} : memref<256xf32, #tpu.memory_space<vmem>>, vector<16xf32>,
    tpu.vector_store %arg27[%swap3A_472], %mul3A_467 {strides = array<i32>} : memref<256xf32, #tpu.memory_space<vmem>>, vector<16xf32>,
    %swap3A_474 = arith.constant 192 : index
    %swap3A_475 = tpu.vector_load %arg28[%swap3A_474] {strides = array<i32>} : memref<256xf32, #tpu.memory_space<vmem>>, vector<16xf32>,
    tpu.vector_store %arg28[%swap3A_474], %mul3A_469 {strides = array<i32>} : memref<256xf32, #tpu.memory_space<vmem>>, vector<16xf32>,
    %gather3A_476 = tpu.vector_load_idx %arg19[%scan3A_454#2] : memref<4096xf32, #tpu.memory_space<vmem>>[vector<16xi32>], vector<16xf32>,
    %mul3A_477 = arith.mulf %gather3A_476, %select_n3A_463 : vector<16xf32>
    %gather3A_478 = tpu.vector_load_idx %arg20[%scan3A_454#2] : memref<4096xf32, #tpu.memory_space<vmem>>[vector<16xi32>], vector<16xf32>,
    %mul3A_479 = arith.mulf %gather3A_478, %select_n3A_463 : vector<16xf32>
    %gather3A_480 = tpu.vector_load_idx %arg21[%scan3A_454#2] : memref<4096xf32, #tpu.memory_space<vmem>>[vector<16xi32>], vector<16xf32>,
    %mul3A_481 = arith.mulf %gather3A_480, %select_n3A_463 : vector<16xf32>
    %swap3A_482 = arith.constant 208 : index
    %swap3A_483 = tpu.vector_load %arg26[%swap3A_482] {strides = array<i32>} : memref<256xf32, #tpu.memory_space<vmem>>, vector<16xf32>,
    tpu.vector_store %arg26[%swap3A_482], %mul3A_477 {strides = array<i32>} : memref<256xf32, #tpu.memory_space<vmem>>, vector<16xf32>,
    %swap3A_484 = arith.constant 208 : index
    %swap3A_485 = tpu.vector_load %arg27[%swap3A_484] {strides = array<i32>} : memref<256xf32, #tpu.memory_space<vmem>>, vector<16xf32>,
    tpu.vector_store %arg27[%swap3A_484], %mul3A_479 {strides = array<i32>} : memref<256xf32, #tpu.memory_space<vmem>>, vector<16xf32>,
    %swap3A_486 = arith.constant 208 : index
    %swap3A_487 = tpu.vector_load %arg28[%swap3A_486] {strides = array<i32>} : memref<256xf32, #tpu.memory_space<vmem>>, vector<16xf32>,
    tpu.vector_store %arg28[%swap3A_486], %mul3A_481 {strides = array<i32>} : memref<256xf32, #tpu.memory_space<vmem>>, vector<16xf32>,
    %gather3A_488 = tpu.vector_load_idx %arg19[%scan3A_454#3] : memref<4096xf32, #tpu.memory_space<vmem>>[vector<16xi32>], vector<16xf32>,
    %mul3A_489 = arith.mulf %gather3A_488, %select_n3A_463 : vector<16xf32>
    %gather3A_490 = tpu.vector_load_idx %arg20[%scan3A_454#3] : memref<4096xf32, #tpu.memory_space<vmem>>[vector<16xi32>], vector<16xf32>,
    %mul3A_491 = arith.mulf %gather3A_490, %select_n3A_463 : vector<16xf32>
    %gather3A_492 = tpu.vector_load_idx %arg21[%scan3A_454#3] : memref<4096xf32, #tpu.memory_space<vmem>>[vector<16xi32>], vector<16xf32>,
    %mul3A_493 = arith.mulf %gather3A_492, %select_n3A_463 : vector<16xf32>
    %swap3A_494 = arith.constant 224 : index
    %swap3A_495 = tpu.vector_load %arg26[%swap3A_494] {strides = array<i32>} : memref<256xf32, #tpu.memory_space<vmem>>, vector<16xf32>,
    tpu.vector_store %arg26[%swap3A_494], %mul3A_489 {strides = array<i32>} : memref<256xf32, #tpu.memory_space<vmem>>, vector<16xf32>,
    %swap3A_496 = arith.constant 224 : index
    %swap3A_497 = tpu.vector_load %arg27[%swap3A_496] {strides = array<i32>} : memref<256xf32, #tpu.memory_space<vmem>>, vector<16xf32>,
    tpu.vector_store %arg27[%swap3A_496], %mul3A_491 {strides = array<i32>} : memref<256xf32, #tpu.memory_space<vmem>>, vector<16xf32>,
    %swap3A_498 = arith.constant 224 : index
    %swap3A_499 = tpu.vector_load %arg28[%swap3A_498] {strides = array<i32>} : memref<256xf32, #tpu.memory_space<vmem>>, vector<16xf32>,
    tpu.vector_store %arg28[%swap3A_498], %mul3A_493 {strides = array<i32>} : memref<256xf32, #tpu.memory_space<vmem>>, vector<16xf32>,
    %gather3A_500 = tpu.vector_load_idx %arg19[%scan3A_454#4] : memref<4096xf32, #tpu.memory_space<vmem>>[vector<16xi32>], vector<16xf32>,
    %mul3A_501 = arith.mulf %gather3A_500, %select_n3A_463 : vector<16xf32>
    %gather3A_502 = tpu.vector_load_idx %arg20[%scan3A_454#4] : memref<4096xf32, #tpu.memory_space<vmem>>[vector<16xi32>], vector<16xf32>,
    %mul3A_503 = arith.mulf %gather3A_502, %select_n3A_463 : vector<16xf32>
    %gather3A_504 = tpu.vector_load_idx %arg21[%scan3A_454#4] : memref<4096xf32, #tpu.memory_space<vmem>>[vector<16xi32>], vector<16xf32>,
    %mul3A_505 = arith.mulf %gather3A_504, %select_n3A_463 : vector<16xf32>
    %swap3A_506 = arith.constant 240 : index
    %swap3A_507 = tpu.vector_load %arg26[%swap3A_506] {strides = array<i32>} : memref<256xf32, #tpu.memory_space<vmem>>, vector<16xf32>,
    tpu.vector_store %arg26[%swap3A_506], %mul3A_501 {strides = array<i32>} : memref<256xf32, #tpu.memory_space<vmem>>, vector<16xf32>,
    %swap3A_508 = arith.constant 240 : index
    %swap3A_509 = tpu.vector_load %arg27[%swap3A_508] {strides = array<i32>} : memref<256xf32, #tpu.memory_space<vmem>>, vector<16xf32>,
    tpu.vector_store %arg27[%swap3A_508], %mul3A_503 {strides = array<i32>} : memref<256xf32, #tpu.memory_space<vmem>>, vector<16xf32>,
    %swap3A_510 = arith.constant 240 : index
    %swap3A_511 = tpu.vector_load %arg28[%swap3A_510] {strides = array<i32>} : memref<256xf32, #tpu.memory_space<vmem>>, vector<16xf32>,
    tpu.vector_store %arg28[%swap3A_510], %mul3A_505 {strides = array<i32>} : memref<256xf32, #tpu.memory_space<vmem>>, vector<16xf32>,
    %eq3A_512 = arith.constant 3 : i32
    %eq3A_513 = vector.broadcast %eq3A_512 : i32 to vector<16xi32>
    %eq3A_514 = arith.cmpi eq, %iota3A, %eq3A_513 : vector<16xi32>
    %select_n3A_515 = arith.select %eq3A_514, %parallel_loop3A_54#3, %select_n3A_399 : vector<16xi1>, vector<16xi32>
    %add3A_516 = arith.constant 0 : i32
    %add3A_517 = arith.addi %add3A_516, %add3A : i32
    %mul3A_518 = arith.constant 256 : i32
    %mul3A_519 = arith.muli %add3A_517, %mul3A_518 : i32
    "tpu.region"() ({
      %run_scoped3A = tpu.sem_alloc : memref<!tpu.dma_semaphore, #tpu.memory_space<semaphore_mem>>
      %dma_start3A = tpu.memref_slice %arg4[%mul3A_519] : memref<24576xf32, #tpu.memory_space<hbm>> -> memref<256xf32, #tpu.memory_space<hbm>>
      %dma_start3A_532 = tpu.memref_slice %arg4[%mul3A_519] : memref<24576xf32, #tpu.memory_space<hbm>> -> memref<256xf32, #tpu.memory_space<hbm>>
      tpu.enqueue_dma source(%arg26 : memref<256xf32, #tpu.memory_space<vmem>>) target(%dma_start3A_532 : memref<256xf32, #tpu.memory_space<hbm>>) target_semaphore(%run_scoped3A : memref<!tpu.dma_semaphore, #tpu.memory_space<semaphore_mem>>)
      %dma_wait3A = tpu.memref_slice %arg4[%mul3A_519] : memref<24576xf32, #tpu.memory_space<hbm>> -> memref<256xf32, #tpu.memory_space<hbm>>
      %dma_wait3A_533 = tpu.memref_slice %arg4[%mul3A_519] : memref<24576xf32, #tpu.memory_space<hbm>> -> memref<256xf32, #tpu.memory_space<hbm>>
      tpu.wait_dma2 semaphore(%run_scoped3A : memref<!tpu.dma_semaphore, #tpu.memory_space<semaphore_mem>>) src(%arg26 : memref<256xf32, #tpu.memory_space<vmem>>) dst(%dma_wait3A_533 : memref<256xf32, #tpu.memory_space<hbm>>)
      tpu.yield
    }) : () -> ()
    %add3A_520 = arith.constant 32 : i32
    %add3A_521 = arith.addi %add3A_520, %add3A : i32
    %mul3A_522 = arith.constant 256 : i32
    %mul3A_523 = arith.muli %add3A_521, %mul3A_522 : i32
    "tpu.region"() ({
      %run_scoped3A = tpu.sem_alloc : memref<!tpu.dma_semaphore, #tpu.memory_space<semaphore_mem>>
      %dma_start3A = tpu.memref_slice %arg4[%mul3A_523] : memref<24576xf32, #tpu.memory_space<hbm>> -> memref<256xf32, #tpu.memory_space<hbm>>
      %dma_start3A_532 = tpu.memref_slice %arg4[%mul3A_523] : memref<24576xf32, #tpu.memory_space<hbm>> -> memref<256xf32, #tpu.memory_space<hbm>>
      tpu.enqueue_dma source(%arg27 : memref<256xf32, #tpu.memory_space<vmem>>) target(%dma_start3A_532 : memref<256xf32, #tpu.memory_space<hbm>>) target_semaphore(%run_scoped3A : memref<!tpu.dma_semaphore, #tpu.memory_space<semaphore_mem>>)
      %dma_wait3A = tpu.memref_slice %arg4[%mul3A_523] : memref<24576xf32, #tpu.memory_space<hbm>> -> memref<256xf32, #tpu.memory_space<hbm>>
      %dma_wait3A_533 = tpu.memref_slice %arg4[%mul3A_523] : memref<24576xf32, #tpu.memory_space<hbm>> -> memref<256xf32, #tpu.memory_space<hbm>>
      tpu.wait_dma2 semaphore(%run_scoped3A : memref<!tpu.dma_semaphore, #tpu.memory_space<semaphore_mem>>) src(%arg27 : memref<256xf32, #tpu.memory_space<vmem>>) dst(%dma_wait3A_533 : memref<256xf32, #tpu.memory_space<hbm>>)
      tpu.yield
    }) : () -> ()
    %add3A_524 = arith.constant 64 : i32
    %add3A_525 = arith.addi %add3A_524, %add3A : i32
    %mul3A_526 = arith.constant 256 : i32
    %mul3A_527 = arith.muli %add3A_525, %mul3A_526 : i32
    "tpu.region"() ({
      %run_scoped3A = tpu.sem_alloc : memref<!tpu.dma_semaphore, #tpu.memory_space<semaphore_mem>>
      %dma_start3A = tpu.memref_slice %arg4[%mul3A_527] : memref<24576xf32, #tpu.memory_space<hbm>> -> memref<256xf32, #tpu.memory_space<hbm>>
      %dma_start3A_532 = tpu.memref_slice %arg4[%mul3A_527] : memref<24576xf32, #tpu.memory_space<hbm>> -> memref<256xf32, #tpu.memory_space<hbm>>
      tpu.enqueue_dma source(%arg28 : memref<256xf32, #tpu.memory_space<vmem>>) target(%dma_start3A_532 : memref<256xf32, #tpu.memory_space<hbm>>) target_semaphore(%run_scoped3A : memref<!tpu.dma_semaphore, #tpu.memory_space<semaphore_mem>>)
      %dma_wait3A = tpu.memref_slice %arg4[%mul3A_527] : memref<24576xf32, #tpu.memory_space<hbm>> -> memref<256xf32, #tpu.memory_space<hbm>>
      %dma_wait3A_533 = tpu.memref_slice %arg4[%mul3A_527] : memref<24576xf32, #tpu.memory_space<hbm>> -> memref<256xf32, #tpu.memory_space<hbm>>
      tpu.wait_dma2 semaphore(%run_scoped3A : memref<!tpu.dma_semaphore, #tpu.memory_space<semaphore_mem>>) src(%arg28 : memref<256xf32, #tpu.memory_space<vmem>>) dst(%dma_wait3A_533 : memref<256xf32, #tpu.memory_space<hbm>>)
      tpu.yield
    }) : () -> ()
    %swap3A_528 = arith.constant 0 : index
    %swap3A_529 = tpu.vector_load %arg29[%swap3A_528] {strides = array<i32>} : memref<16xi32, #tpu.memory_space<vmem>>, vector<16xi32>,
    tpu.vector_store %arg29[%swap3A_528], %select_n3A_515 {strides = array<i32>} : memref<16xi32, #tpu.memory_space<vmem>>, vector<16xi32>,
    %mul3A_530 = arith.constant 16 : i32
    %mul3A_531 = arith.muli %add3A, %mul3A_530 : i32
    "tpu.region"() ({
      %run_scoped3A = tpu.sem_alloc : memref<!tpu.dma_semaphore, #tpu.memory_space<semaphore_mem>>
      %dma_start3A = tpu.memref_slice %arg5[%mul3A_531] : memref<512xi32, #tpu.memory_space<hbm>> -> memref<16xi32, #tpu.memory_space<hbm>>
      %dma_start3A_532 = tpu.memref_slice %arg5[%mul3A_531] : memref<512xi32, #tpu.memory_space<hbm>> -> memref<16xi32, #tpu.memory_space<hbm>>
      tpu.enqueue_dma source(%arg29 : memref<16xi32, #tpu.memory_space<vmem>>) target(%dma_start3A_532 : memref<16xi32, #tpu.memory_space<hbm>>) target_semaphore(%run_scoped3A : memref<!tpu.dma_semaphore, #tpu.memory_space<semaphore_mem>>)
      %dma_wait3A = tpu.memref_slice %arg5[%mul3A_531] : memref<512xi32, #tpu.memory_space<hbm>> -> memref<16xi32, #tpu.memory_space<hbm>>
      %dma_wait3A_533 = tpu.memref_slice %arg5[%mul3A_531] : memref<512xi32, #tpu.memory_space<hbm>> -> memref<16xi32, #tpu.memory_space<hbm>>
      tpu.wait_dma2 semaphore(%run_scoped3A : memref<!tpu.dma_semaphore, #tpu.memory_space<semaphore_mem>>) src(%arg29 : memref<16xi32, #tpu.memory_space<vmem>>) dst(%dma_wait3A_533 : memref<16xi32, #tpu.memory_space<hbm>>)
      tpu.yield
    }) : () -> ()
    return
  }
}

</mosaic_0001>

<sc_bundles>
// kernel: kernel.3.cloned.1.call-start
scs
__scs_entry_jumppad:
0x0: {  	(pc) =	sbr.rel $0x88, $3  }
0x1: {  	(tag) =	ssettag $0x0;
	lr =	simm.s32 $0x1  }
0x2: {  	[smem:$0x3FA0] =	sst lr;
	_ =	strace $0xD0000000  }
0x3: {  	_ = 	snop  }
0x4: {  	_ = 	snop  }
0x5: {  	_ = 	snop  }
0x6: {  	_ = 	snop  }
0x7: {  	_ = 	snop  }
__scs_overlays_trampoline_lowered:
0x8: {  	[smem:$0x3FAF] =	sst s0  }
0x9: {  	[smem:$0x3FB0] =	sst s1  }
0xa: {  	[smem:$0x3FB1] =	sst s2  }
0xb: {  	[smem:$0x3FB2] =	sst s3  }
0xc: {  	[smem:$0x3FB3] =	sst s4  }
0xd: {  	[smem:$0x3FB4] =	sst s5  }
0xe: {  	[smem:$0x3FB5] =	sst s6  }
0xf: {  	[smem:$0x3FB6] =	sst s7  }
0x10: {  	[smem:$0x3FB7] =	sst s8  }
0x11: {  	[smem:$0x3FB8] =	sst s9;
	s0 =	simm.s32 @!p0 $0x0  }
0x12: {  	s1 =	sld [smem:$0x3F9E];
	s0 =	simm.s32 @p0 $0x1  }
0x13: {  	[smem:$0x3FB9] =	sst s0;
	s0 =	simm.s32 @!p1 $0x0  }
0x14: {  	s2 =	sld [smem:$0x3F9D];
	s0 =	simm.s32 @p1 $0x1  }
0x15: {  	[smem:$0x3FBA] =	sst s0;
	s0 =	simm.s32 @!p2 $0x0  }
0x16: {  	s3 =	sld [smem:$0x3FDB];
	s0 =	simm.s32 @p2 $0x1  }
0x17: {  	s4 =	simm.s32 $0x1BF5;
	[smem:$0x3FBC] =	sst s0  }
0x18: {  	s0 =	sld [smem:$0x3F9F];
	_ =	swait.ge [sflag:s4], $0x0  }
0x19: {  	s7 =	sld [smem:$0x3FA0]  }
0x1a: {  	s8 =	sadd.s32 $0xFFFFE003, lr  }
0x1b: {  	s9 =	sadd.s32 $0xFFFFFEF7, lr;
	s5 =	simm.s32 $0xFFFFFFFF;
	p2 =	slt.u32 s8, $0xFFFFF086  }
0x1c: {  	p1 =	slt.u32 s9, $0xF7A;
	s5 =	simm.s32 @!p2 $0x0  }
0x1d: {  	s5 =	simm.s32 @p1 $0x1;
	p0 =	seq.s32 s7, s2  }
0x1e: {  	s7 =	smul.u32 @!p0 $0xF7A, s2;
	p2 =	seq.s32 @!p0 s5, $0x0  }
0x1f: {  	s9 =	smul.u32 $0xF7A, s1;
	s8 =	simm.s32 @!p0 $0x1BF5;
	p2 =	por !p2, p0  }
0x20: {  	[sflag:s8] =	ssyncset.s32 @!p0 $0xFFFFF086;
	s6 =	sadd.s32 @!p0 s3, s7;
	s7 =	simm.s32 @!p0 $0x108  }
0x21: {  	s3 =	sadd.s32 s3, s9;
	s6 =	sadd.s32 @!p0 $0x88, s6;
	s7 =	simm.s32 @p2 $0x1082  }
0x22: {  	[simem:s7], [sflag:s8] =	dma.local @!p0 [hbm:s6], $0xF7A  }
0x23: {  	s9 =	sor.u32 $0xD0000000, s2;
	s6 =	simm.s32 $0x108;
	_ =	swait.ge @!p0 [sflag:s8], $0x0  }
0x24: {  	s3 =	sadd.s32 $0x88, s3;
	s6 =	simm.s32 @!p1 $0x1082;
	[sflag:s4] =	ssyncset.s32 $0xFFFFF086  }
0x25: {  	[simem:s6], [sflag:s4] =	dma.local [hbm:s3], $0xF7A  }
0x26: {  	[smem:$0x3FA0] =	sst s1;
	(tag) =	ssettag s2;
	_ =	strace s9  }
0x27: {  	s1 =	sld [smem:$0x3FB0]  }
0x28: {  	s2 =	sld [smem:$0x3FB1]  }
0x29: {  	s4 =	sld [smem:$0x3FB3]  }
0x2a: {  	p0 =	seq.s32 s5, $0x0;
	s5 =	sld [smem:$0x3FB4]  }
0x2b: {  	s6 =	sld [smem:$0x3FB5]  }
0x2c: {  	s7 =	sld [smem:$0x3FB6]  }
0x2d: {  	s3 =	simm.s32 $0x108;
	s8 =	sld [smem:$0x3FB7]  }
0x2e: {  	s3 =	simm.s32 @!p0 $0x1082;
	s9 =	sld [smem:$0x3FB8]  }
0x2f: {  	lr =	sadd.s32 s0, s3;
	s0 =	sld [smem:$0x3FAF]  }
0x30: {  	s3 =	sld [smem:$0x3FB2]  }
0x31: {  	[smem:$0x3FBB] =	sst s10  }
0x32: {  	s10 =	sld [smem:$0x3FB9];
	_ =	sdelay $0x3  }
0x33: {  	p0 =	seq.s32 s10, $0x1;
	s10 =	sld [smem:$0x3FBB];
	_ =	sdelay $0x3  }
0x34: {  	[smem:$0x3FBB] =	sst s10  }
0x35: {  	s10 =	sld [smem:$0x3FBA];
	_ =	sdelay $0x3  }
0x36: {  	p1 =	seq.s32 s10, $0x1;
	s10 =	sld [smem:$0x3FBB];
	_ =	sdelay $0x3  }
0x37: {  	[smem:$0x3FBB] =	sst s10  }
0x38: {  	s10 =	sld [smem:$0x3FBC]  }
0x39: {  	_ = 	snop;
	(pc) =	sbr.ind lr, $3  }
0x3a: {  	_ = 	snop  }
0x3b: {  	_ = 	snop  }
0x3c: {  	p2 =	seq.s32 s10, $0x1;
	s10 =	sld [smem:$0x3FBB]  }
0x3d: {  	_ =	shalt  }
0x3e: {  	_ =	shalt  }
0x3f: {  	_ =	shalt  }
0x40: {  	_ =	shalt  }
0x41: {  	_ =	shalt  }
0x42: {  	_ =	shalt  }
0x43: {  	_ =	shalt  }
0x44: {  	_ =	shalt  }
0x45: {  	_ =	shalt  }
0x46: {  	_ =	shalt  }
0x47: {  	_ =	shalt  }
0x48: {  	_ =	shalt  }
0x49: {  	_ =	shalt  }
0x4a: {  	_ =	shalt  }
0x4b: {  	_ =	shalt  }
0x4c: {  	_ =	shalt  }
0x4d: {  	_ =	shalt  }
0x4e: {  	_ =	shalt  }
0x4f: {  	_ =	shalt  }
0x50: {  	_ =	shalt  }
0x51: {  	_ =	shalt  }
0x52: {  	_ =	shalt  }
0x53: {  	_ =	shalt  }
0x54: {  	_ =	shalt  }
0x55: {  	_ =	shalt  }
0x56: {  	_ =	shalt  }
0x57: {  	_ =	shalt  }
0x58: {  	_ =	shalt  }
0x59: {  	_ =	shalt  }
0x5a: {  	_ =	shalt  }
0x5b: {  	_ =	shalt  }
0x5c: {  	_ =	shalt  }
0x5d: {  	_ =	shalt  }
0x5e: {  	_ =	shalt  }
0x5f: {  	_ =	shalt  }
0x60: {  	_ =	shalt  }
0x61: {  	_ =	shalt  }
0x62: {  	_ =	shalt  }
0x63: {  	_ =	shalt  }
0x64: {  	_ =	shalt  }
0x65: {  	_ =	shalt  }
0x66: {  	_ =	shalt  }
0x67: {  	_ =	shalt  }
0x68: {  	_ =	shalt  }
0x69: {  	_ =	shalt  }
0x6a: {  	_ =	shalt  }
0x6b: {  	_ =	shalt  }
0x6c: {  	_ =	shalt  }
0x6d: {  	_ =	shalt  }
0x6e: {  	_ =	shalt  }
0x6f: {  	_ =	shalt  }
0x70: {  	_ =	shalt  }
0x71: {  	_ =	shalt  }
0x72: {  	_ =	shalt  }
0x73: {  	_ =	shalt  }
0x74: {  	_ =	shalt  }
0x75: {  	_ =	shalt  }
0x76: {  	_ =	shalt  }
0x77: {  	_ =	shalt  }
0x78: {  	_ =	shalt  }
0x79: {  	_ =	shalt  }
0x7a: {  	_ =	shalt  }
0x7b: {  	_ =	shalt  }
0x7c: {  	_ =	shalt  }
0x7d: {  	_ =	shalt  }
0x7e: {  	_ =	shalt  }
0x7f: {  	_ =	shalt  }
0x80: {  	_ =	shalt  }
0x81: {  	_ =	shalt  }
0x82: {  	_ =	shalt  }
0x83: {  	_ =	shalt  }
0x84: {  	_ =	shalt  }
0x85: {  	_ =	shalt  }
0x86: {  	_ =	shalt  }
0x87: {  	_ =	shalt  }
.Lfunc_end0:
.L_simem_size_0:
called_computation_lowered:
.L_overlay_start_0:
0x88: {  	s2 =	sld [smem:$0x3FD9]  }
0x89: {  	s3 =	sld [smem:$0x3FFE];
	_ =	sdelay $0x1  }
0x8a: {  	s1 =	srdreg.scid  }
0x8b: {  	s0 =	sand.u32 $0x1, s1  }
0x8c: {  	s14 =	sshll.u32 s0, $0xA;
	s2 =	sadd.s32 s3, s2  }
0x8d: {  	s2 =	sadd.s32 s2, s14  }
0x8e: {  	[smem:$0x3FC7] =	sst s2  }
0x8f: {  	_ = 	snop  }
0x90: {  	s2 =	sld [smem:$0x3FD0];
	_ =	sdelay $0x2  }
0x91: {  	s15 =	simm.s32 $0xA;
	s4 =	simm.s32 $0x10  }
0x92: {  	[smem:s4], [sflag:s15] =	dma.local [hbm:s2], $0x1  }
0x93: {  	_ =	swait.eq [sflag:s15], $0x1  }
0x94: {  	[sflag:s15] =	ssyncset.done $0x0  }
0x95: {  	[sflag:s15] =	ssyncadd.s32 $0xFFFFFFFF  }
0x96: {  	s16 =	sld [smem:$0x10];
	(tm) =	ssettm $0x1  }
0x97: {  	s17 =	sld [smem:$0x3FFB];
	_ =	sdelay $0x3  }
0x98: {  	_ =	strace s17  }
0x99: {  	s3 =	sld [smem:$0x3FFC];
	_ =	sdelay $0x3  }
0x9a: {  	_ =	strace s3  }
0x9b: {  	s3 =	sld [smem:$0x3FFD];
	_ =	sdelay $0x3  }
0x9c: {  	_ =	strace s3  }
0x9d: {  	_ =	strace $0x8FFFFFFF  }
0x9e: {  	s18 =	sld [smem:$0x3FDB];
	_ =	sdelay $0x1  }
0x9f: {  	s19 =	simm.s32 $_scs_section_size  }
0xa0: {  	s5 =	simm.s32 $_size__tile_overlayer_lowered;
	s6 =	simm.s32 $_tile_overlayer_lowered  }
0xa1: {  	s22 =	simm.s32 $0x1BFF;
	s21 =	sshll.u32 s6, $0x1;
	s3 =	sadd.s32 s19, s18  }
0xa2: {  	s7 =	simm.s32 $0x0;
	s20 =	sshll.u32 s5, $0x1;
	s5 =	sadd.s32 s21, s3  }
0xa3: {  	[timem:s7], [sflag:s22] =	dma.local [hbm:s5], s20  }
0xa4: {  	_ =	swait.ge [sflag:s22], s20  }
0xa5: {  	s4 =	ssub.s32 $0x0, s20;
	[sflag:s22] =	ssyncset.done $0x0  }
0xa6: {  	[sflag:s22] =	ssyncadd.s32 s4;
	_ =	sdelay $0x1  }
0xa7: {  	s23 =	simm.s32 $0x1B8B  }
0xa8: {  	_ =	swait.ge [sflag:s23], $0x1  }
0xa9: {  	[sflag:s23] =	ssyncset.done $0x0  }
0xaa: {  	s25 =	simm.s32 $0x1B8E;
	s24 =	sld [smem:$0x3FFE];
	[sflag:s23] =	ssyncadd.s32 $0xFFFFFFFF  }
0xab: {  	s26 =	simm.s32 $execute0_lowered;
	[smem:$0x3FD2] =	sst s25  }
0xac: {  	s5 =	sshll.u32 s26, $0x1;
	_ =	strace $0x80000046;
	[dreg:$0x1] =	wrdreg $0xFFFFFFFF  }
0xad: {  	s28 =	simm.s32 $_size_execute0_lowered;
	s3 =	sadd.s32 s3, s5;
	[dreg:$0x0] =	wrdreg $0x0  }
0xae: {  	s5 =	sshll.u32 s28, $0x1;
	[dreg:$0x2] =	wrdreg s3  }
0xaf: {  	[dreg:$0x3] =	wrdreg s5  }
0xb0: {  	[dreg:$0x4] =	wrdreg $0xC0  }
0xb1: {  	_ =	task [dreg:s7], $0x5FFFF  }
0xb2: {  	[dreg:$0x1] =	wrdreg $0xFFFFFFFF  }
0xb3: {  	[dreg:$0x0] =	wrdreg $0x60  }
0xb4: {  	[dreg:$0x2] =	wrdreg s24  }
0xb5: {  	[dreg:$0x3] =	wrdreg s16  }
0xb6: {  	[dreg:$0x4] =	wrdreg $0x9  }
0xb7: {  	_ =	task.clear_ibuf [dreg:s7], $0x5FFFF;
	_ =	strace $0x90000046  }
0xb8: {  	s29 =	simm.s32 $0x9;
	_ =	strace $0x80000048  }
0xb9: {  	_ =	swait.ge [sflag:s29], $0x1  }
0xba: {  	[sflag:s29] =	ssyncadd.s32 $0xFFFFFFFF  }
0xbb: {  	_ =	strace $0x90000048  }
0xbc: {  	_ =	sfence  }
0xbd: {  	s30 =	sld [smem:$0x0];
	_ =	sdelay $0x2  }
0xbe: {  	s31 =	sshll.u32 s1, $0xD;
	s1 =	sshrl.u32 s1, $0x2  }
0xbf: {  	s3 =	sand.u32 $0x4000, s31;
	s1 =	sadd.s32 s1, s30  }
0xc0: {  	s0 =	sor.u32 s3, s0;
	s1 =	sshll.u32 s1, $0x11  }
0xc1: {  	s0 =	sor.u32 s1, s0  }
0xc2: {  	s0 =	sadd.s32 $0x8F2B, s0  }
0xc3: {  	[sflag:s0] =	ssyncadd.remote.s32 $0x1  }
0xc4: {  	_ =	sfence.sel $0xFFFF  }
0xc5: {  	[dreg:$0x0] =	wrdreg $0xFFFFFFFF;
	(pc) =	sbr.abs _section_cstart, $3  }
0xc6: {  	[dreg:$0x1] =	wrdreg $0xFFFFFFFF  }
0xc7: {  	_ =	task.clear_ibuf [dreg:s7], $0x2FFFF;
	_ =	strace $0x9FFFFFFF  }
0xc8: {  	(tm) =	ssettm $0x7FFFFFFF  }
0xc9: {  	_ =	shalt  }
tec
execute0_lowered:
.L_overlay_start_1:
0x0: {  	(tag) =	ssettag $0x1  }
0x1: {  	s4 =	stileid.u32;
	s1 =	rddreg [dreg:$0x0]  }
0x2: {  	s0 =	srdreg.scid;
	s6 =	rddreg [dreg:$0x1]  }
0x3: {  	s2 =	simm.s32 $0x0;
	s15 =	simm.s32 $0x4000;
	s16 =	simm.s32 $0x5000  }
0x4: {  	s17 =	simm.s32 $0x6000;
	s18 =	simm.s32 $0x7000;
	s19 =	simm.s32 $0x8000  }
0x5: {  	v1 =	vimm.s32 $0xBA98FEDC;
	v2 =	vimm.s32 $0x32107654;
	s20 =	simm.s32 $0x9000;
	s21 =	simm.s32 $0x1;
	s22 =	simm.s32 $0xA000  }
0x6: {  	v7 =	vimm.s32 $0x76543210;
	s23 =	simm.s32 $0xB000;
	s28 =	simm.s32 $0xF000;
	s0 =	sand.u32 $0x1, s0;
	v5 =	vunpack.c.l.s4.s8 v1;
	v6 =	vunpack.c.l.s4.s8 v2  }
0x7: {  	v4 =	vimm.s32 $0x0;
	v8 =	vimm.s32 $0xFEDCBA98;
	v11 =	vimm.s32 $0x67452301;
	s3 =	sshll.u32 s4, $0x1;
	[smem:$0x7FF] =	sst s2;
	s4 =	sshll.u32 s4, $0x8  }
0x8: {  	v8 =	vunpack.c.l.s4.s8 v8;
	s3 =	sor.u32 s0, s3;
	s7 =	sand.u32 $0xE00, s4;
	_ =	strace $0x80000047;
	v5 =	vunpack.c.0.s8.s32 v5;
	v6 =	vunpack.c.0.s8.s32 v6  }
0x9: {  	v9 =	vimm.s32 $0xDCFE98BA;
	vm0 =	vmxor vm0, vm0;
	v11 =	vunpack.c.l.s4.s8 v11;
	s0 =	ssub.s32 $0x2, s0;
	s5 =	sshll.u32 s3, $0x2;
	s9 =	sadd.s32 s7, s1  }
0xa: {  	v7 =	vunpack.c.l.s4.s8 v7;
	s25 =	sshll.u32 s3, $0x5;
	s3 =	sshll.u32 s3, $0x1;
	s26 =	sshrl.u32 s0, $0x1;
	v8 =	vunpack.c.0.s8.s32 v8;
	v10 =	vcombine.low v6, v5  }
0xb: {  	s6 =	sadd.s32 s6, s7;
	s24 =	sand.u32 $0xC, s5;
	s10 =	sadd.s32 s25, s1;
	v5 =	vunpack.c.l.s4.s8 v9;
	v6 =	vimm.s32 $0x54761032;
	v9 =	vimm.s32 $0xEFCDAB89  }
0xc: {  	v11 =	vunpack.c.0.s8.s32 v11;
	s1 =	sadd.s32 s3, s1;
	s0 =	ssub.s32 s0, s26;
	s29 =	sadd.s32 $0xA00, s9;
	v6 =	vunpack.c.l.s4.s8 v6;
	v9 =	vunpack.c.l.s4.s8 v9  }
0xd: {  	v7 =	vunpack.c.0.s8.s32 v7;
	s30 =	sadd.s32 $0x1A00, s9;
	s31 =	sadd.s32 $0x2A00, s9;
	v0 =	vmov s24;
	s5 =	sor.u32 $0x1, s24;
	v8 =	vand.u32 $0xF, v8  }
.Ltmp0:
0xe: {  	s8 =	sor.u32 $0x2, s24;
	[dreg:$0x3] =	wrdreg s29;
	v5 =	vunpack.c.0.s8.s32 v5;
	v6 =	vunpack.c.0.s8.s32 v6;
	v9 =	vunpack.c.0.s8.s32 v9;
	(pc) =	sbr.rel .LBB2_1-.Ltmp0, $4  }
0xf: {  	s25 =	simm.s32 $0xD000;
	s4 =	sor.u32 $0x3, s24;
	[dreg:$0x4] =	wrdreg s30;
	v1 =	vmov s5;
	v2 =	vmov s8;
	v7 =	vcombine.low v8, v7  }
0x10: {  	s26 =	simm.s32 $0xE000;
	[dreg:$0x5] =	wrdreg s31;
	s7 =	sadd.s32 $0x3A00, s10;
	v3 =	vmov s4;
	v12 =	vcombine.low v6, v5;
	v11 =	vcombine.low v11, v9  }
0x11: {  	s9 =	sadd.s32 $0x4200, s10;
	s11 =	smax.u32 s0, $0x1;
	s24 =	simm.s32 $0xC000;
	v8 =	vand.u32 $0xF, v10;
	v5 =	vlaneseq.u32;
	v6 =	vimm.f32 $-1.000000000e+10  }
0x12: {  	s0 =	simm.s32 $0x0;
	s8 =	sadd.s32 $0x3E00, s10;
	s10 =	sadd.s32 $0x4600, s1;
	v9 =	vand.u32 $0xF, v12;
	v10 =	vand.u32 $0xF, v11;
	v11 =	vimm.f32 $0.0e+00  }
.LBB2_23:
0x13: {  	_ =	sdelay $0x3  }
0x14: {  	v18 =	vld.idx.msk [tilespmem:v17+s25+$0x0], $0xffff  }
0x15: {  	v19 =	vld.idx.msk [tilespmem:v17+s26+$0x0], $0xffff  }
0x16: {  	v59 =	vld.idx.msk [tilespmem:v17+s28+$0x0], $0xffff  }
0x17: {  	vm1 =	vgt.s32 v12, $0x3F  }
0x18: {  	v20 =	vsel vm1, $0x3F800000, v11  }
0x19: {  	v18 =	vmul.f32 v18, v20  }
0x1a: {  	v19 =	vmul.f32 v19, v20  }
0x1b: {  	v17 =	vmul.f32 v59, v20;
	[tilespmem:$0x140C0] =	vst v18  }
0x1c: {  	[tilespmem:$0x141C0] =	vst v19  }
0x1d: {  	[tilespmem:$0x142C0] =	vst v17  }
0x1e: {  	v17 =	vld.idx.msk [tilespmem:v16+s25+$0x0], $0xffff  }
0x1f: {  	v18 =	vld.idx.msk [tilespmem:v16+s26+$0x0], $0xffff  }
0x20: {  	v60 =	vld.idx.msk [tilespmem:v16+s28+$0x0], $0xffff;
	_ =	sdelay $0x2  }
0x21: {  	v17 =	vmul.f32 v17, v20  }
0x22: {  	v18 =	vmul.f32 v18, v20  }
0x23: {  	v16 =	vmul.f32 v60, v20;
	[tilespmem:$0x140D0] =	vst v17  }
0x24: {  	[tilespmem:$0x141D0] =	vst v18  }
0x25: {  	[tilespmem:$0x142D0] =	vst v16  }
0x26: {  	v16 =	vld.idx.msk [tilespmem:v15+s25+$0x0], $0xffff  }
0x27: {  	v17 =	vld.idx.msk [tilespmem:v15+s26+$0x0], $0xffff  }
0x28: {  	v61 =	vld.idx.msk [tilespmem:v15+s28+$0x0], $0xffff;
	_ =	sdelay $0x2  }
0x29: {  	v16 =	vmul.f32 v16, v20  }
0x2a: {  	v17 =	vmul.f32 v17, v20  }
0x2b: {  	v15 =	vmul.f32 v61, v20;
	[tilespmem:$0x140E0] =	vst v16  }
0x2c: {  	[tilespmem:$0x141E0] =	vst v17  }
0x2d: {  	[tilespmem:$0x142E0] =	vst v15  }
0x2e: {  	v15 =	vld.idx.msk [tilespmem:v14+s25+$0x0], $0xffff  }
0x2f: {  	v16 =	vld.idx.msk [tilespmem:v14+s26+$0x0], $0xffff  }
0x30: {  	v62 =	vld.idx.msk [tilespmem:v14+s28+$0x0], $0xffff;
	_ =	sdelay $0x2  }
0x31: {  	v15 =	vmul.f32 v15, v20  }
0x32: {  	v16 =	vmul.f32 v16, v20  }
0x33: {  	v14 =	vmul.f32 v62, v20;
	[tilespmem:$0x140F0] =	vst v15  }
0x34: {  	[tilespmem:$0x141F0] =	vst v16  }
0x35: {  	s1 =	simm.s32 $0x14000;
	[tilespmem:$0x142F0] =	vst v14  }
0x36: {  	[hbm4b:s7+s2] =	stream.linear.scatter [tilespmem:s1], [sflag:$0x1], $0x100, $0x38;
	[tilespmem:$0x14380] =	vst v63  }
0x37: {  	_ =	swait.ge [sflag:s21], $0x100  }
0x38: {  	[sflag:s21] =	ssyncset.done $0x0  }
0x39: {  	s29 =	simm.s32 $0x14100;
	[sflag:s21] =	ssyncadd.s32 $0xFFFFFF00  }
0x3a: {  	[hbm4b:s8+s2] =	stream.linear.scatter [tilespmem:s29], [sflag:$0x1], $0x100, $0x38;
	[tilespmem:$0x14380] =	vst v63  }
0x3b: {  	_ =	swait.ge [sflag:s21], $0x100  }
0x3c: {  	[sflag:s21] =	ssyncset.done $0x0  }
0x3d: {  	s30 =	simm.s32 $0x14200;
	[sflag:s21] =	ssyncadd.s32 $0xFFFFFF00  }
0x3e: {  	[hbm4b:s9+s2] =	stream.linear.scatter [tilespmem:s30], [sflag:$0x1], $0x100, $0x38;
	[tilespmem:$0x14380] =	vst v63  }
0x3f: {  	_ =	swait.ge [sflag:s21], $0x100  }
0x40: {  	s0 =	sadd.s32 $0x1, s0;
	vm1 =	vcmask $0xB10;
	[sflag:s21] =	ssyncset.done $0x0  }
0x41: {  	p0 =	sne.s32 s0, s11;
	v63 =	vsel vm1, v13, v12;
	[sflag:s21] =	ssyncadd.s32 $0xFFFFFF00  }
.Ltmp1:
0x42: {  	s31 =	simm.s32 $0x14300;
	[tilespmem:$0x14300] =	vst v63;
	(pc) =	sbr.rel @!p0 .LBB2_24-.Ltmp1, $4  }
0x43: {  	[hbm4b:s10+s2] =	stream.linear.scatter [tilespmem:s31], [sflag:$0x1], $0x10, $0x38;
	[tilespmem:$0x14380] =	vst v63  }
0x44: {  	_ =	swait.ge [sflag:s21], $0x10  }
0x45: {  	[sflag:s21] =	ssyncset.done $0x0  }
0x46: {  	[sflag:s21] =	ssyncadd.s32 $0xFFFFFFF0  }
.LBB2_1:
0x47: {  	s1 =	rddreg [dreg:$0x3]  }
0x48: {  	[tilespmem:s2], [sflag:$0x1] =	stream.linear.gather [hbm4b:s1+s2], $0x1000, $0x38;
	[tilespmem:$0x14380] =	vst v63  }
0x49: {  	_ =	swait.ge [sflag:s21], $0x1000  }
0x4a: {  	[sflag:s21] =	ssyncset.done $0x0  }
0x4b: {  	s3 =	simm.s32 $0x1000;
	s31 =	rddreg [dreg:$0x4];
	[sflag:s21] =	ssyncadd.s32 $0xFFFFF000  }
0x4c: {  	[tilespmem:s3], [sflag:$0x1] =	stream.linear.gather [hbm4b:s31+s2], $0x1000, $0x38;
	[tilespmem:$0x14380] =	vst v63  }
0x4d: {  	_ =	swait.ge [sflag:s21], $0x1000  }
0x4e: {  	[sflag:s21] =	ssyncset.done $0x0  }
0x4f: {  	s4 =	simm.s32 $0x2000;
	s3 =	rddreg [dreg:$0x5];
	[sflag:s21] =	ssyncadd.s32 $0xFFFFF000  }
0x50: {  	[tilespmem:s4], [sflag:$0x1] =	stream.linear.gather [hbm4b:s3+s2], $0x1000, $0x38;
	[tilespmem:$0x14380] =	vst v63  }
0x51: {  	_ =	swait.ge [sflag:s21], $0x1000  }
0x52: {  	[sflag:s21] =	ssyncset.done $0x0  }
0x53: {  	s5 =	simm.s32 $0x3000;
	[sflag:s21] =	ssyncadd.s32 $0xFFFFF000  }
0x54: {  	[tilespmem:s5], [sflag:$0x1] =	stream.linear.gather [hbm4b:s6+s2], $0x1000, $0x38;
	[tilespmem:$0x14380] =	vst v63  }
0x55: {  	_ =	swait.ge [sflag:s21], $0x1000  }
0x56: {  	[sflag:s21] =	ssyncset.done $0x0  }
0x57: {  	s12 =	simm.s32 $0x3010;
	[sflag:s21] =	ssyncadd.s32 $0xFFFFF000  }
0x58: {  	v12 =	vld [tilespmem:s12+$0xFFFFFFF0]  }
0x59: {  	v13 =	vld [tilespmem:s12+$0x0];
	_ =	sdelay $0x3  }
0x5a: {  	vm3 =	veq.s32 v12, v0  }
0x5b: {  	vm1 =	veq.s32 v13, v0;
	v14 =	vsel vm3, $0x1, v4  }
0x5c: {  	v15 =	vsel vm1, $0x1, v4;
	(xrf0) =	vadd.scan.msk.s32 $0xffff, v14  }
0x5d: {  	vm7 =	veq.s32 v13, v1;
	(xrf0) =	vadd.scan.msk.s32 $0xffff, v15  }
0x5e: {  	vm4 =	veq.s32 v13, v2;
	v14 =	vsel vm7, $0x1, v4  }
0x5f: {  	vm2 =	veq.s32 v13, v3;
	v15 =	vsel vm4, $0x1, v4;
	(xrf0) =	vadd.scan.msk.s32 $0xffff, v14  }
0x60: {  	vm5 =	veq.s32 v12, v2;
	vm8 =	veq.s32 v12, v3;
	v14 =	vsel vm2, $0x1, v4;
	(xrf0) =	vadd.scan.msk.s32 $0xffff, v15  }
0x61: {  	s13 =	simm.s32 $0x2010;
	vm6 =	veq.s32 v12, v1;
	v13 =	vmpcnt.ones.xlane vm3;
	v15 =	vsel vm5, $0x1, v4;
	(xrf0) =	vadd.scan.msk.s32 $0xffff, v14  }
0x62: {  	s31 =	simm.s32 $0x3030;
	v23 =	vld [tilespmem:s13+$0x0];
	v17 =	vmpcnt.ones.xlane vm6;
	v19 =	vmpcnt.ones.xlane vm1;
	v14 =	vsel vm8, $0x1, v4;
	(xrf0) =	vadd.scan.msk.s32 $0xffff, v15;
	v16, _, _ =	vpop (xrf0)  }
0x63: {  	s14 =	simm.s32 $0x10;
	v29 =	vld [tilespmem:s31+$0xFFFFFFF0];
	v15 =	vsel vm6, $0x1, v4;
	(xrf0) =	vadd.scan.msk.s32 $0xffff, v14;
	v14 =	vadd.s32 v16, v4;
	v16 =	vadd.s32 v4, v13;
	v18, _, _ =	vpop (xrf0)  }
0x64: {  	v24 =	vmpcnt.ones.xlane vm7;
	v13 =	vld [tilespmem:s14+$0xFFFFFFF0];
	(xrf0) =	vadd.scan.msk.s32 $0xffff, v15;
	v14 =	vadd.s32 $0xFFFFFFFF, v14;
	v15 =	vadd.s32 v18, v16  }
0x65: {  	s12 =	simm.s32 $0x1010;
	vm13 =	vmmov vm7;
	vm7 =	vmmov vm3;
	v18 =	vld [tilespmem:s14+$0x0];
	v15 =	vadd.s32 $0xFFFFFFFF, v15  }
0x66: {  	v19 =	vadd.s32 v16, v19;
	v16 =	vld [tilespmem:s12+$0xFFFFFFF0]  }
0x67: {  	v21 =	vld [tilespmem:s12+$0x0];
	v17 =	vadd.s32 v4, v17;
	v20, _, _ =	vpop (xrf0)  }
0x68: {  	v28 =	vmpcnt.ones.xlane vm5;
	v32 =	vadd.s32 v17, v24;
	v20 =	vadd.s32 v20, v17;
	v22, _, _ =	vpop (xrf0);
	v17 =	vld [tilespmem:s31+$0x0]  }
0x69: {  	v12 =	vld [tilespmem:s13+$0xFFFFFFF0];
	v26 =	vmpcnt.ones.xlane vm4;
	vm14 =	vmmov vm4;
	v25, _, _ =	vpop (xrf0);
	v20 =	vadd.s32 $0xFFFFFFFF, v20;
	[tilespmem:v14+s15+$0x0] =	vst.idx.msk vm3, v13  }
0x6a: {  	vm9 =	vmmov vm6;
	v28 =	vadd.s32 v4, v28;
	vm8 =	vmmov vm8;
	v27, _, _ =	vpop (xrf0);
	[tilespmem:v15+s15+$0x0] =	vst.idx.msk vm1, v18  }
0x6b: {  	v30 =	vmpcnt.ones.xlane vm8;
	vm6 =	veq.s32 v29, v0;
	v22 =	vadd.s32 v22, v28;
	v24, _, _ =	vpop (xrf0);
	[tilespmem:v14+s16+$0x0] =	vst.idx.msk vm7, v16  }
0x6c: {  	v22 =	vadd.s32 $0xFFFFFFFF, v22;
	v33 =	vadd.s32 v27, v4;
	v27, _, _ =	vpop (xrf0);
	vm3 =	veq.s32 v29, v3;
	[tilespmem:v15+s16+$0x0] =	vst.idx.msk vm1, v21  }
0x6d: {  	vm10 =	vmmov vm2;
	v27 =	vadd.s32 v27, v4;
	vm12 =	veq.s32 v17, v0;
	[tilespmem:v15+s17+$0x0] =	vst.idx.msk vm1, v23  }
0x6e: {  	v34 =	vadd.s32 $0xFFFFFFFF, v27;
	v27 =	vsel vm6, $0x1, v4;
	v15 =	vadd.s32 v4, v30;
	[tilespmem:v20+s18+$0x0] =	vst.idx.msk vm13, v18  }
0x6f: {  	v31 =	vsel vm12, $0x1, v4;
	(xrf0) =	vadd.scan.msk.s32 $0xffff, v27;
	v25 =	vadd.s32 v25, v15;
	[tilespmem:v20+s19+$0x0] =	vst.idx.msk vm13, v21  }
0x70: {  	vm11 =	veq.s32 v17, v1;
	(xrf0) =	vadd.scan.msk.s32 $0xffff, v31;
	v25 =	vadd.s32 $0xFFFFFFFF, v25;
	[tilespmem:v20+s20+$0x0] =	vst.idx.msk vm13, v23  }
0x71: {  	vm2 =	veq.s32 v17, v2;
	v20 =	vsel vm11, $0x1, v4;
	[tilespmem:v22+s22+$0x0] =	vst.idx.msk vm4, v18;
	vm4 =	veq.s32 v29, v2  }
0x72: {  	v27 =	vsel vm2, $0x1, v4;
	vm1 =	veq.s32 v17, v3;
	(xrf0) =	vadd.scan.msk.s32 $0xffff, v20;
	v20 =	vsel vm4, $0x1, v4  }
0x73: {  	v17 =	vsel vm1, $0x1, v4;
	vm13 =	veq.s32 v29, v1;
	[tilespmem:v22+s23+$0x0] =	vst.idx.msk vm14, v21;
	(xrf0) =	vadd.scan.msk.s32 $0xffff, v27  }
0x74: {  	v30 =	vmpcnt.ones.xlane vm6;
	v27 =	vmpcnt.ones.xlane vm13;
	[tilespmem:v22+s24+$0x0] =	vst.idx.msk vm14, v23;
	(xrf0) =	vadd.scan.msk.s32 $0xffff, v17  }
0x75: {  	v17 =	vsel vm3, $0x1, v4;
	[tilespmem:v25+s25+$0x0] =	vst.idx.msk vm10, v18;
	(xrf0) =	vadd.scan.msk.s32 $0xffff, v20;
	v18 =	vsel vm13, $0x1, v4;
	v20, _, _ =	vpop (xrf0)  }
0x76: {  	s13 =	simm.s32 $0x30;
	[tilespmem:v25+s26+$0x0] =	vst.idx.msk vm10, v21;
	(xrf0) =	vadd.scan.msk.s32 $0xffff, v17;
	v20 =	vadd.s32 v20, v19;
	v19 =	vadd.s32 v19, v30;
	v21, _, _ =	vpop (xrf0)  }
0x77: {  	[tilespmem:v25+s28+$0x0] =	vst.idx.msk vm10, v23;
	(xrf0) =	vadd.scan.msk.s32 $0xffff, v18;
	v23 =	vld [tilespmem:s13+$0xFFFFFFF0];
	v18 =	vadd.s32 $0xFFFFFFFF, v20;
	v21 =	vadd.s32 v21, v19  }
0x78: {  	s14 =	simm.s32 $0x1030;
	v35 =	vadd.s32 v24, v4;
	[tilespmem:v14+s17+$0x0] =	vst.idx.msk vm7, v12;
	v14 =	vmpcnt.ones.xlane vm10;
	v22 =	vld [tilespmem:s13+$0x0];
	v36 =	vadd.s32 $0xFFFFFFFF, v21  }
0x79: {  	s12 =	simm.s32 $0x2030;
	v24 =	vld [tilespmem:s14+$0x0];
	v38 =	vmpcnt.ones.xlane vm11;
	vm7 =	vmmov vm5;
	[tilespmem:v34+s18+$0x0] =	vst.idx.msk vm9, v13;
	v37 =	vadd.s32 v32, v27;
	v25, _, _ =	vpop (xrf0)  }
0x7a: {  	[tilespmem:v34+s19+$0x0] =	vst.idx.msk vm9, v16;
	vm10 =	vmmov vm11;
	v20 =	vadd.s32 v28, v26;
	v28 =	vadd.s32 v25, v37;
	v25 =	vld [tilespmem:s12+$0x0]  }
0x7b: {  	vm5 =	vmmov vm3;
	[tilespmem:v34+s20+$0x0] =	vst.idx.msk vm9, v12;
	v34 =	vadd.s32 $0xFFFFFFFF, v33;
	v27 =	vld [tilespmem:s14+$0xFFFFFFF0];
	v31, _, _ =	vpop (xrf0);
	v29 =	vadd.s32 $0xFFFFFFFF, v28  }
0x7c: {  	vm9 =	vmmov vm1;
	vm14 =	vmmov vm8;
	v17 =	vld [tilespmem:s12+$0xFFFFFFF0];
	v21 =	vmpcnt.ones.xlane vm12;
	v30, _, _ =	vpop (xrf0);
	[tilespmem:v18+s15+$0x0] =	vst.idx.msk vm6, v23  }
0x7d: {  	vm8 =	vmmov vm13;
	v33 =	vadd.s32 $0xFFFFFFFF, v35;
	v35 =	vmpcnt.ones.xlane vm4;
	v39, _, _ =	vpop (xrf0);
	[tilespmem:v36+s15+$0x0] =	vst.idx.msk vm12, v22  }
0x7e: {  	vm11 =	vmmov vm2;
	v26 =	vadd.s32 v15, v14;
	v15 =	vadd.s32 v19, v21;
	v19, _, _ =	vpop (xrf0);
	[tilespmem:v36+s16+$0x0] =	vst.idx.msk vm12, v24  }
0x7f: {  	v14 =	vadd.s32 v37, v38;
	v28 =	vmpcnt.ones.xlane vm2;
	v21 =	vadd.s32 v39, v20;
	v63, _, _ =	vpop (xrf0);
	[tilespmem:v36+s17+$0x0] =	vst.idx.msk vm12, v25  }
0x80: {  	s29 =	simm.s32 $0x2;
	s30 =	simm.s32 $0x3050;
	vm6 =	vmmov vm6;
	v19 =	vadd.s32 v19, v26;
	v32 =	vadd.s32 v63, v32;
	[tilespmem:v29+s18+$0x0] =	vst.idx.msk vm10, v22  }
.LBB2_2:
0x81: {  	v36 =	vld [tilespmem:s30+$0xFFFFFFF0];
	s29 =	sadd.s32 $0x2, s29;
	[tilespmem:v34+s22+$0x0] =	vst.idx.msk vm7, v13;
	v37 =	vmov v14  }
0x82: {  	v38 =	vld [tilespmem:s30+$0x0];
	p0 =	slt.u32 s29, $0xFE;
	v20 =	vadd.s32 v20, v35;
	v35 =	vmpcnt.ones.xlane vm5;
	[tilespmem:v34+s23+$0x0] =	vst.idx.msk vm7, v16  }
0x83: {  	v31 =	vadd.s32 v31, v20;
	v20 =	vadd.s32 v20, v28;
	v28 =	vmpcnt.ones.xlane vm9;
	[tilespmem:v34+s24+$0x0] =	vst.idx.msk vm7, v12  }
0x84: {  	vm7 =	vmmov vm4;
	v26 =	vadd.s32 v26, v35;
	v31 =	vadd.s32 $0xFFFFFFFF, v31;
	[tilespmem:v33+s25+$0x0] =	vst.idx.msk vm14, v13;
	v13 =	vmovc v23  }
0x85: {  	[tilespmem:v29+s19+$0x0] =	vst.idx.msk vm10, v24;
	v23 =	vadd.s32 v30, v26;
	v26 =	vadd.s32 v26, v28  }
0x86: {  	v32 =	vadd.s32 $0xFFFFFFFF, v32;
	vm13 =	veq.s32 v36, v0;
	v23 =	vadd.s32 $0xFFFFFFFF, v23;
	[tilespmem:v33+s26+$0x0] =	vst.idx.msk vm14, v16;
	v16 =	vmovc v27  }
0x87: {  	v27 =	vsel vm13, $0x1, v4;
	v28 =	vmpcnt.ones.xlane vm13;
	vm12 =	veq.s32 v38, v0;
	[tilespmem:v33+s28+$0x0] =	vst.idx.msk vm14, v12;
	v12 =	vmovc v17  }
0x88: {  	vm2 =	veq.s32 v38, v1;
	v17 =	vsel vm12, $0x1, v4;
	v30 =	vmpcnt.ones.xlane vm12;
	(xrf0) =	vadd.scan.msk.s32 $0xffff, v27  }
0x89: {  	vm15 =	veq.s32 v38, v2;
	v27 =	vsel vm2, $0x1, v4;
	(xrf0) =	vadd.scan.msk.s32 $0xffff, v17;
	[tilespmem:v29+s20+$0x0] =	vst.idx.msk vm10, v25  }
0x8a: {  	vm14 =	veq.s32 v38, v3;
	v17 =	vsel vm15, $0x1, v4;
	(xrf0) =	vadd.scan.msk.s32 $0xffff, v27;
	[tilespmem:v31+s22+$0x0] =	vst.idx.msk vm11, v22  }
0x8b: {  	vm4 =	veq.s32 v36, v2;
	v27 =	vsel vm14, $0x1, v4;
	(xrf0) =	vadd.scan.msk.s32 $0xffff, v17;
	[tilespmem:v31+s23+$0x0] =	vst.idx.msk vm11, v24  }
0x8c: {  	vm1 =	veq.s32 v36, v3;
	v17 =	vsel vm4, $0x1, v4;
	(xrf0) =	vadd.scan.msk.s32 $0xffff, v27;
	[tilespmem:v31+s24+$0x0] =	vst.idx.msk vm11, v25  }
0x8d: {  	vm3 =	veq.s32 v36, v1;
	v27 =	vsel vm1, $0x1, v4;
	(xrf0) =	vadd.scan.msk.s32 $0xffff, v17;
	[tilespmem:v23+s25+$0x0] =	vst.idx.msk vm9, v22  }
0x8e: {  	s12 =	sadd.s32 $0x20, s12;
	v33 =	vsel vm3, $0x1, v4;
	v29 =	vmpcnt.ones.xlane vm3;
	v31, _, _ =	vpop (xrf0);
	(xrf0) =	vadd.scan.msk.s32 $0xffff, v27;
	[tilespmem:v23+s26+$0x0] =	vst.idx.msk vm9, v24  }
0x8f: {  	s13 =	sadd.s32 $0x20, s13;
	v17 =	vld [tilespmem:s12+$0xFFFFFFF0];
	v24 =	vadd.s32 v31, v15;
	v15 =	vadd.s32 v15, v28;
	(xrf0) =	vadd.scan.msk.s32 $0xffff, v33;
	v22, _, _ =	vpop (xrf0);
	[tilespmem:v23+s28+$0x0] =	vst.idx.msk vm9, v25  }
0x90: {  	v14 =	vadd.s32 v14, v29;
	v23 =	vld [tilespmem:s13+$0xFFFFFFF0];
	v33 =	vadd.s32 $0xFFFFFFFF, v24;
	v24 =	vadd.s32 v22, v15;
	v25, _, _ =	vpop (xrf0);
	[tilespmem:v18+s16+$0x0] =	vst.idx.msk vm6, v16  }
0x91: {  	s14 =	sadd.s32 $0x20, s14;
	v27 =	vmpcnt.ones.xlane vm2;
	v22 =	vld [tilespmem:s13+$0x0];
	v35 =	vadd.s32 $0xFFFFFFFF, v24;
	v29 =	vadd.s32 v25, v14;
	v31, _, _ =	vpop (xrf0);
	[tilespmem:v18+s17+$0x0] =	vst.idx.msk vm6, v12  }
0x92: {  	v28 =	vmpcnt.ones.xlane vm15;
	v15 =	vadd.s32 v15, v30;
	v18 =	vmov v33;
	v24 =	vld [tilespmem:s14+$0x0];
	v30, _, _ =	vpop (xrf0);
	[tilespmem:v32+s18+$0x0] =	vst.idx.msk vm8, v13  }
0x93: {  	vm10 =	vmmov vm2;
	v14 =	vadd.s32 v14, v27;
	vm6 =	vmmov vm13;
	v25 =	vld [tilespmem:s12+$0x0];
	v34, _, _ =	vpop (xrf0);
	[tilespmem:v32+s19+$0x0] =	vst.idx.msk vm8, v16  }
0x94: {  	vm11 =	vmmov vm15;
	v29 =	vadd.s32 $0xFFFFFFFF, v29;
	v27 =	vld [tilespmem:s14+$0xFFFFFFF0];
	v36 =	vadd.s32 v34, v20;
	v34, _, _ =	vpop (xrf0);
	[tilespmem:v32+s20+$0x0] =	vst.idx.msk vm8, v12  }
.Ltmp2:
0x95: {  	[tilespmem:v33+s15+$0x0] =	vst.idx.msk vm13, v23;
	v38 =	vadd.s32 v34, v26;
	v32, _, _ =	vpop (xrf0);
	v34 =	vadd.s32 $0xFFFFFFFF, v21;
	v21 =	vmov v36;
	(pc) =	sbr.rel @p0 .LBB2_2-.Ltmp2, $4  }
0x96: {  	vm9 =	vmmov vm14;
	vm14 =	vmmov vm5;
	v32 =	vadd.s32 v32, v37;
	[tilespmem:v35+s15+$0x0] =	vst.idx.msk vm12, v22  }
0x97: {  	vm5 =	vmmov vm1;
	vm8 =	vmmov vm3;
	[tilespmem:v35+s16+$0x0] =	vst.idx.msk vm12, v24  }
0x98: {  	v33 =	vadd.s32 $0xFFFFFFFF, v19;
	v19 =	vmov v38;
	[tilespmem:v35+s17+$0x0] =	vst.idx.msk vm12, v25  }
0x99: {  	s30 =	sadd.s32 $0x20, s30;
	v35 =	vmpcnt.ones.xlane vm4;
	[tilespmem:v29+s18+$0x0] =	vst.idx.msk vm2, v22  }
0x9a: {  	v36 =	vxor.u32 $0x80000000, v15  }
0x9b: {  	(xrf0) =	vmax.scan.msk.u32 $0xffff, v36;
	_ =	sdelay $0x5  }
0x9c: {  	v36, _, _ =	vpop (xrf0)  }
0x9d: {  	(v2sf) =	vpush v36, $0xF;
	_ =	sdelay $0x3  }
0x9e: {  	[tilespmem:v34+s22+$0x0] =	vst.idx.msk vm7, v13  }
0x9f: {  	[tilespmem:v29+s19+$0x0] =	vst.idx.msk vm10, v24  }
0xa0: {  	[tilespmem:v18+s16+$0x0] =	vst.idx.msk vm6, v27;
	v20 =	vadd.s32 v20, v35  }
0xa1: {  	v63 =	vmpcnt.ones.xlane vm5;
	[tilespmem:v34+s23+$0x0] =	vst.idx.msk vm7, v16;
	v31 =	vadd.s32 v31, v20  }
0xa2: {  	[tilespmem:v29+s20+$0x0] =	vst.idx.msk vm10, v25;
	v31 =	vadd.s32 $0xFFFFFFFF, v31  }
0xa3: {  	[tilespmem:v34+s24+$0x0] =	vst.idx.msk vm7, v12;
	v26 =	vadd.s32 v26, v63  }
0xa4: {  	[tilespmem:v33+s25+$0x0] =	vst.idx.msk vm14, v13;
	v13 =	vadd.s32 v30, v26  }
0xa5: {  	[tilespmem:v33+s26+$0x0] =	vst.idx.msk vm14, v16;
	v13 =	vadd.s32 $0xFFFFFFFF, v13  }
0xa6: {  	[tilespmem:v33+s28+$0x0] =	vst.idx.msk vm14, v12  }
0xa7: {  	[tilespmem:v31+s22+$0x0] =	vst.idx.msk vm11, v22  }
0xa8: {  	[tilespmem:v31+s23+$0x0] =	vst.idx.msk vm11, v24  }
0xa9: {  	v12 =	vadd.s32 $0xFFFFFFFF, v32;
	[tilespmem:v31+s24+$0x0] =	vst.idx.msk vm11, v25;
	s1 =	spop (v2sf)  }
0xaa: {  	[tilespmem:v13+s25+$0x0] =	vst.idx.msk vm9, v22;
	s1 =	sadd.s32 $0x8000003F, s1  }
0xab: {  	[tilespmem:v13+s26+$0x0] =	vst.idx.msk vm9, v24;
	s3 =	sand.u32 $0x3F, s1  }
0xac: {  	[tilespmem:v13+s28+$0x0] =	vst.idx.msk vm9, v25;
	v13 =	vadd.s32 $0xFFFFFFFF, v21;
	s31 =	sshra.s32 s1, $0x1F;
	p1 =	slt.s32 s1, $0x1;
	p0 =	sne.s32 s3, $0x0  }
0xad: {  	[tilespmem:v18+s17+$0x0] =	vst.idx.msk vm6, v17;
	s3 =	sshrl.u32 s31, $0x1A;
	p0 =	por !p1, !p0  }
0xae: {  	[tilespmem:v12+s18+$0x0] =	vst.idx.msk vm8, v23;
	s1 =	sadd.s32 s3, s1;
	s3 =	simm.s32 $0x1;
	p0 =	por !p0, !p0  }
0xaf: {  	v16 =	vadd.s32 $0xFFFFFFFF, v19;
	[tilespmem:v12+s19+$0x0] =	vst.idx.msk vm8, v27;
	s1 =	sshra.s32 s1, $0x6;
	s3 =	simm.s32 @!p0 $0x0  }
0xb0: {  	[tilespmem:v12+s20+$0x0] =	vst.idx.msk vm8, v17;
	s1 =	ssub.s32 s1, s3  }
0xb1: {  	[tilespmem:v13+s22+$0x0] =	vst.idx.msk vm4, v23;
	p0 =	sgt.s32 s1, $0x0  }
.Ltmp3:
0xb2: {  	[tilespmem:v13+s23+$0x0] =	vst.idx.msk vm4, v27;
	(pc) =	sbr.rel @!p0 .LBB2_4-.Ltmp3, $4  }
0xb3: {  	[tilespmem:v13+s24+$0x0] =	vst.idx.msk vm4, v17  }
0xb4: {  	v12 =	vmpcnt.ones.xlane vm9;
	[tilespmem:v16+s25+$0x0] =	vst.idx.msk vm5, v23  }
0xb5: {  	vm1 =	vmmov vm4;
	[tilespmem:v16+s26+$0x0] =	vst.idx.msk vm5, v27  }
0xb6: {  	vm2 =	vmmov vm5;
	v12 =	vadd.s32 v26, v12;
	v13 =	vadd.s32 v20, v28;
	[tilespmem:v16+s28+$0x0] =	vst.idx.msk vm5, v17;
	s12 =	sshll.u32 s1, $0x2  }
0xb7: {  	p0 =	sgt.s32 s12, $0x4  }
.Ltmp4:
0xb8: {  	s3 =	simm.s32 $0x0;
	(pc) =	sbr.rel @!p0 .LBB2_27-.Ltmp4, $4  }
0xb9: {  	s13 =	simm.s32 $0x10;
	s14 =	simm.s32 $0x20;
	s29 =	simm.s32 $0x30;
	v16 =	vor.u32 s3, v5  }
0xba: {  	v17 =	vor.u32 s13, v5;
	v18 =	vor.u32 s14, v5;
	v19 =	vor.u32 s29, v5  }
0xbb: {  	vm1 =	vlt.s32 v17, v15;
	vm2 =	vlt.s32 v18, v15;
	vm3 =	vlt.s32 v19, v15  }
0xbc: {  	s13 =	simm.s32 $0x10020;
	s14 =	simm.s32 $0x4;
	s29 =	simm.s32 $0x10020;
	v18 =	vsel vm1, $0x501502F9, v6;
	v17 =	vsel vm2, $0x501502F9, v6;
	v19 =	vsel vm3, $0x501502F9, v6  }
.LBB2_26:
0xbd: {  	s14 =	sadd.s32 $0x4, s14  }
0xbe: {  	vm1 =	vlt.s32 v16, v15;
	[tilespmem:s13+$0x10] =	vst v19;
	s3 =	sadd.s32 $0x40, s3;
	s29 =	sadd.s32 $0x40, s29;
	p0 =	slt.s32 s14, s12  }
.Ltmp5:
0xbf: {  	v19 =	vsel vm1, $0x501502F9, v6;
	[tilespmem:s13+$0xFFFFFFF0] =	vst v18;
	(pc) =	sbr.rel @p0 .LBB2_26-.Ltmp5, $4  }
0xc0: {  	v16 =	vor.u32 s3, v5;
	s30 =	sadd.s32 $0x10, s3;
	s31 =	sadd.s32 $0x20, s3;
	s4 =	sadd.s32 $0x30, s3;
	[tilespmem:s13+$0xFFFFFFE0] =	vst v19  }
0xc1: {  	v18 =	vor.u32 s30, v5;
	v19 =	vor.u32 s31, v5;
	v20 =	vor.u32 s4, v5;
	[tilespmem:s13+$0x0] =	vst v17;
	s13 =	smov.u32 s29  }
0xc2: {  	vm1 =	vlt.s32 v18, v15;
	vm2 =	vlt.s32 v19, v15;
	vm3 =	vlt.s32 v20, v15  }
0xc3: {  	v18 =	vsel vm1, $0x501502F9, v6;
	v17 =	vsel vm2, $0x501502F9, v6;
	v19 =	vsel vm3, $0x501502F9, v6  }
.LBB2_27:
0xc4: {  	[tilespmem:s13+$0x10] =	vst v19  }
0xc5: {  	vm1 =	vlt.s32 v16, v15;
	[tilespmem:s13+$0xFFFFFFF0] =	vst v18  }
0xc6: {  	[tilespmem:s13+$0x0] =	vst v17;
	v16 =	vsel vm1, $0x501502F9, v6  }
0xc7: {  	[tilespmem:s13+$0xFFFFFFE0] =	vst v16  }
.LBB2_4:
.Ltmp6:
0xc8: {  	(pc) =	sbr.rel .LBB2_5-.Ltmp6, $3  }
0xc9: {  	_ =	sdelay $0x1  }
0xca: {  	v16 =	vimm.s32 $0x0;
	v17 =	vimm.s32 $0x0  }
0xcb: {  	s13 =	simm.s32 $0x0;
	p0 =	slt.s32 s1, $0x1;
	v18 =	vimm.s32 $0x0;
	v19 =	vimm.s32 $0x0;
	v20 =	vimm.s32 $0x0  }
.LBB2_6:
0xcc: {  	v21 =	vimm.f32 $-3.000000010e+38;
	v22 =	vimm.s32 $0x0  }
.LBB2_7:
0xcd: {  	v23 =	vperm.xlane v21, v7;
	_ =	sdelay $0x1  }
0xce: {  	v23 =	vmax.f32 v21, v23  }
0xcf: {  	v24 =	vperm.xlane v23, v8;
	_ =	sdelay $0x1  }
0xd0: {  	v23 =	vmax.f32 v23, v24  }
0xd1: {  	v24 =	vperm.xlane v23, v9;
	_ =	sdelay $0x1  }
0xd2: {  	v23 =	vmax.f32 v23, v24  }
0xd3: {  	v24 =	vperm.xlane v23, v10;
	_ =	sdelay $0x1  }
0xd4: {  	v23 =	vmax.f32 v23, v24  }
0xd5: {  	vm1 =	veq.f32 v21, v23  }
0xd6: {  	v21 =	vnsel vm1, $0x40000000, v22  }
0xd7: {  	v22 =	vperm.xlane v21, v7;
	_ =	sdelay $0x1  }
0xd8: {  	vm1 =	vlt.s32 v21, v22  }
0xd9: {  	v21 =	vsel vm1, v21, v22  }
0xda: {  	v22 =	vperm.xlane v21, v8;
	_ =	sdelay $0x1  }
0xdb: {  	vm1 =	vlt.s32 v21, v22  }
0xdc: {  	s1 =	sand.u32 $0xF, s13;
	s3 =	sshrl.u32 s13, $0x4;
	v21 =	vsel vm1, v21, v22  }
0xdd: {  	p1 =	seq.s32 s3, $0x0;
	v23 =	vmov s1;
	vm1 =	vmmov vm0;
	v22 =	vperm.xlane v21, v9  }
0xde: {  	vm4 =	vmmov vm0;
	vm3 =	veq.s32 v23, v5;
	vm1 =	vmneg @p1 vm1;
	p1 =	seq.s32 s3, $0x1  }
0xdf: {  	vm1 =	vmand vm1, vm3;
	vm4 =	vmneg @p1 vm4;
	vm2 =	vlt.s32 v21, v22  }
0xe0: {  	p1 =	seq.s32 s3, $0x2;
	v19 =	vsel vm1, v20, v19;
	v21 =	vsel vm2, v21, v22;
	vm2 =	vmmov vm0  }
0xe1: {  	s13 =	sadd.s32 $0x1, s13;
	vm1 =	vmand vm4, vm3;
	vm4 =	vmmov vm0;
	vm2 =	vmneg @p1 vm2;
	p1 =	seq.s32 s3, $0x3  }
0xe2: {  	v22 =	vperm.xlane v21, v10;
	vm4 =	vmneg @p1 vm4;
	p1 =	seq.s32 s13, $0x40  }
.Ltmp7:
0xe3: {  	_ = 	snop;
	(pc) =	sbr.rel @p1 .LBB2_8-.Ltmp7, $4  }
0xe4: {  	v18 =	vsel vm1, v20, v18;
	vm1 =	vlt.s32 v21, v22  }
0xe5: {  	v21 =	vsel vm1, v21, v22  }
0xe6: {  	vm2 =	vmand vm2, vm3;
	vm3 =	vmand vm4, vm3;
	vm1 =	vgt.s32 v21, $0xFFF  }
0xe7: {  	v17 =	vsel vm2, v20, v17;
	v16 =	vsel vm3, v20, v16;
	v20 =	vsel vm1, $0x0, v21  }
.LBB2_5:
.Ltmp8:
0xe8: {  	(pc) =	sbr.rel @p0 .LBB2_6-.Ltmp8, $1  }
0xe9: {  	_ =	sdelay $0x3  }
0xea: {  	_ =	sdelay $0x3  }
0xeb: {  	v21 =	vld.idx.msk [tilespmem:v20+s15+$0x0], $0xffff  }
0xec: {  	v22 =	vld.idx.msk [tilespmem:v20+s16+$0x0], $0xffff  }
0xed: {  	v23 =	vld.idx.msk [tilespmem:v20+s17+$0x0], $0xffff;
	s1 =	simm.s32 $0x6020  }
0xee: {  	v26 =	vld [tilespmem:s1+$0x10]  }
0xef: {  	s30 =	simm.s32 $0x4020;
	v27 =	vld [tilespmem:s1+$0x0]  }
0xf0: {  	v28 =	vld [tilespmem:s30+$0x10]  }
0xf1: {  	v30 =	vld [tilespmem:s1+$0xFFFFFFF0]  }
0xf2: {  	v32 =	vld [tilespmem:s30+$0x0]  }
0xf3: {  	v33 =	vld [tilespmem:s1+$0xFFFFFFE0]  }
0xf4: {  	s31 =	simm.s32 $0x5020;
	v34 =	vld [tilespmem:s30+$0xFFFFFFE0]  }
0xf5: {  	v35 =	vld [tilespmem:s31+$0xFFFFFFE0]  }
0xf6: {  	v36 =	vld [tilespmem:s30+$0xFFFFFFF0]  }
0xf7: {  	v37 =	vld [tilespmem:s31+$0xFFFFFFF0];
	v38 =	vsub.f32 v27, v23  }
0xf8: {  	v39 =	vld [tilespmem:s31+$0x0];
	v27 =	vsub.f32 v26, v23;
	v29 =	vsub.f32 v28, v21  }
0xf9: {  	v25 =	vimm.f32 $-3.000000010e+38;
	v31 =	vsub.f32 v30, v23;
	v40 =	vsub.f32 v32, v21  }
0xfa: {  	s29 =	simm.s32 $0x0;
	v24 =	vimm.s32 $0x0;
	p1 =	sgt.s32 s12, $0x4;
	v42 =	vld [tilespmem:s31+$0x10];
	v26 =	vsub.f32 v34, v21;
	v30 =	vsub.f32 v35, v22  }
.Ltmp9:
0xfb: {  	s14 =	simm.s32 $0x10020;
	v61 =	vsub.f32 v33, v23;
	v28 =	vor.u32 s29, v5;
	v62 =	vsub.f32 v36, v21;
	(pc) =	sbr.rel @!p1 .LBB2_30-.Ltmp9, $4  }
0xfc: {  	v41 =	vsub.f32 v37, v22;
	v34 =	vld [tilespmem:s14+$0xFFFFFFE0];
	v63 =	vmul.f32 v26, v26;
	v30 =	vmul.f32 v30, v30  }
0xfd: {  	v43 =	vsub.f32 v39, v22;
	v33 =	vld [tilespmem:s14+$0xFFFFFFF0];
	v35 =	vmul.f32 v61, v61;
	v32 =	vmul.f32 v38, v38  }
0xfe: {  	v26 =	vld [tilespmem:s14+$0x10];
	v37 =	vmul.f32 v62, v62;
	v38 =	vmul.f32 v41, v41;
	v36 =	vadd.f32 v30, v63  }
0xff: {  	s3 =	simm.s32 $0x6060;
	s1 =	simm.s32 $0x4;
	v39 =	vmul.f32 v40, v40;
	v41 =	vmul.f32 v43, v43;
	v40 =	vsub.f32 v42, v22;
	v30 =	vld [tilespmem:s14+$0x0]  }
.LBB2_29:
0x100: {  	v42 =	vld [tilespmem:s3+$0x10];
	v35 =	vadd.f32 v35, v36;
	v36 =	vadd.f32 v38, v37;
	v31 =	vmul.f32 v31, v31  }
0x101: {  	v29 =	vmul.f32 v29, v29;
	s30 =	sadd.s32 $0x40, s30;
	v37 =	vld [tilespmem:s3+$0x0];
	v38 =	vadd.f32 v41, v39;
	v39 =	vmul.f32 v40, v40  }
0x102: {  	v27 =	vmul.f32 v27, v27;
	v40 =	vld [tilespmem:s30+$0x10];
	v34 =	vmin.f32 v34, v35;
	v31 =	vadd.f32 v31, v36  }
0x103: {  	v35 =	vld [tilespmem:s3+$0xFFFFFFF0];
	[tilespmem:s14+$0xFFFFFFE0] =	vst v34;
	vm1 =	vgt.f32 v34, v25;
	v32 =	vadd.f32 v32, v38;
	v29 =	vadd.f32 v39, v29  }
0x104: {  	s4 =	sadd.s32 $0x10, s29;
	v36 =	vld [tilespmem:s30+$0x0];
	v25 =	vsel vm1, v34, v25;
	v24 =	vsel vm1, v28, v24;
	v28 =	vmin.f32 v33, v31  }
0x105: {  	v31 =	vor.u32 s4, v5;
	v33 =	vld [tilespmem:s3+$0xFFFFFFE0];
	[tilespmem:s14+$0xFFFFFFF0] =	vst v28;
	vm1 =	vgt.f32 v28, v25;
	v27 =	vadd.f32 v27, v29  }
0x106: {  	s5 =	sadd.s32 $0x30, s29;
	s31 =	sadd.s32 $0x40, s31;
	s4 =	sadd.s32 $0x20, s29;
	v34 =	vld [tilespmem:s30+$0xFFFFFFE0];
	v25 =	vsel vm1, v28, v25;
	v24 =	vsel vm1, v31, v24;
	v28 =	vmin.f32 v30, v32  }
0x107: {  	s1 =	sadd.s32 $0x4, s1;
	v29 =	vor.u32 s4, v5;
	v31 =	vor.u32 s5, v5;
	v30 =	vld [tilespmem:s31+$0xFFFFFFE0];
	[tilespmem:s14+$0x0] =	vst v28;
	vm1 =	vgt.f32 v28, v25  }
0x108: {  	p1 =	slt.s32 s1, s12;
	v26 =	vmin.f32 v26, v27;
	v32 =	vld [tilespmem:s30+$0xFFFFFFF0];
	v25 =	vsel vm1, v28, v25;
	v24 =	vsel vm1, v29, v24  }
0x109: {  	v37 =	vsub.f32 v37, v23;
	v27 =	vsub.f32 v42, v23;
	v38 =	vld [tilespmem:s31+$0xFFFFFFF0];
	[tilespmem:s14+$0x10] =	vst v26;
	vm1 =	vgt.f32 v26, v25  }
0x10a: {  	v29 =	vsub.f32 v40, v21;
	v39 =	vld [tilespmem:s31+$0x0];
	v25 =	vsel vm1, v26, v25;
	v24 =	vsel vm1, v31, v24  }
0x10b: {  	v40 =	vsub.f32 v36, v21;
	v31 =	vsub.f32 v35, v23  }
0x10c: {  	s29 =	sadd.s32 $0x40, s29;
	v26 =	vsub.f32 v34, v21;
	v30 =	vsub.f32 v30, v22;
	v42 =	vld [tilespmem:s31+$0x10]  }
.Ltmp10:
0x10d: {  	v28 =	vor.u32 s29, v5;
	s14 =	sadd.s32 $0x40, s14;
	v33 =	vsub.f32 v33, v23;
	v41 =	vsub.f32 v32, v21;
	(pc) =	sbr.rel @p1 .LBB2_29-.Ltmp10, $4  }
0x10e: {  	v36 =	vmul.f32 v26, v26;
	v30 =	vmul.f32 v30, v30;
	v38 =	vsub.f32 v38, v22;
	v26 =	vld [tilespmem:s14+$0x10]  }
0x10f: {  	v35 =	vmul.f32 v33, v33;
	v32 =	vmul.f32 v37, v37;
	v34 =	vld [tilespmem:s14+$0xFFFFFFE0];
	v43 =	vsub.f32 v39, v22  }
0x110: {  	v37 =	vmul.f32 v41, v41;
	v36 =	vadd.f32 v30, v36;
	v38 =	vmul.f32 v38, v38;
	v30 =	vld [tilespmem:s14+$0x0]  }
0x111: {  	s3 =	sadd.s32 $0x40, s3;
	v39 =	vmul.f32 v40, v40;
	v33 =	vld [tilespmem:s14+$0xFFFFFFF0];
	v41 =	vmul.f32 v43, v43;
	v40 =	vsub.f32 v42, v22  }
.LBB2_30:
0x112: {  	v21 =	vadd.f32 v35, v36;
	v22 =	vadd.f32 v38, v37;
	v23 =	vmul.f32 v31, v31  }
0x113: {  	v29 =	vmul.f32 v29, v29;
	v58 =	vadd.f32 v41, v39  }
0x114: {  	v59 =	vmul.f32 v40, v40;
	v21 =	vmin.f32 v34, v21;
	v22 =	vadd.f32 v23, v22  }
0x115: {  	v23 =	vmul.f32 v27, v27;
	vm1 =	vgt.f32 v21, v25;
	v60 =	vadd.f32 v32, v58  }
0x116: {  	s1 =	sadd.s32 $0x10, s29;
	v29 =	vadd.f32 v59, v29;
	v25 =	vsel vm1, v21, v25;
	v22 =	vmin.f32 v33, v22  }
0x117: {  	v61 =	vor.u32 s1, v5;
	v24 =	vsel vm1, v28, v24;
	vm1 =	vgt.f32 v22, v25  }
.Ltmp11:
0x118: {  	v23 =	vadd.f32 v23, v29;
	v27 =	vmin.f32 v30, v60;
	v25 =	vsel vm1, v22, v25;
	(pc) =	sbr.rel .LBB2_7-.Ltmp11, $4  }
0x119: {  	s31 =	sadd.s32 $0x20, s29;
	[tilespmem:s14+$0xFFFFFFE0] =	vst v21;
	v21 =	vsel vm1, v61, v24;
	vm1 =	vgt.f32 v27, v25  }
0x11a: {  	s3 =	sadd.s32 $0x30, s29;
	[tilespmem:s14+$0xFFFFFFF0] =	vst v22;
	v22 =	vor.u32 s31, v5;
	v23 =	vmin.f32 v26, v23;
	v62 =	vsel vm1, v27, v25  }
0x11b: {  	v63 =	vor.u32 s3, v5;
	[tilespmem:s14+$0x0] =	vst v27;
	v22 =	vsel vm1, v22, v21;
	vm1 =	vgt.f32 v23, v62  }
0x11c: {  	[tilespmem:s14+$0x10] =	vst v23;
	v21 =	vsel vm1, v23, v62;
	v22 =	vsel vm1, v63, v22  }
.LBB2_8:
0x11d: {  	_ =	sdelay $0x3  }
0x11e: {  	v20 =	vld.idx.msk [tilespmem:v19+s15+$0x0], $0xffff  }
0x11f: {  	v21 =	vld.idx.msk [tilespmem:v19+s16+$0x0], $0xffff  }
0x120: {  	v59 =	vld.idx.msk [tilespmem:v19+s17+$0x0], $0xffff  }
0x121: {  	vm1 =	vgt.s32 v15, $0x3F;
	v60 =	vxor.u32 $0x80000000, v14  }
0x122: {  	v22 =	vsel vm1, $0x3F800000, v11;
	(xrf0) =	vmax.scan.msk.u32 $0xffff, v60  }
0x123: {  	v20 =	vmul.f32 v20, v22  }
0x124: {  	v21 =	vmul.f32 v21, v22  }
0x125: {  	v19 =	vmul.f32 v59, v22;
	[tilespmem:$0x14000] =	vst v20  }
0x126: {  	[tilespmem:$0x14100] =	vst v21  }
0x127: {  	[tilespmem:$0x14200] =	vst v19  }
0x128: {  	v63, _, _ =	vpop (xrf0);
	v19 =	vld.idx.msk [tilespmem:v18+s15+$0x0], $0xffff  }
0x129: {  	v61 =	vld.idx.msk [tilespmem:v18+s16+$0x0], $0xffff;
	(v2sf) =	vpush v63, $0xF  }
0x12a: {  	v62 =	vld.idx.msk [tilespmem:v18+s17+$0x0], $0xffff;
	_ =	sdelay $0x2  }
0x12b: {  	v19 =	vmul.f32 v19, v22  }
0x12c: {  	v20 =	vmul.f32 v61, v22  }
0x12d: {  	v18 =	vmul.f32 v62, v22;
	[tilespmem:$0x14010] =	vst v19  }
0x12e: {  	[tilespmem:$0x14110] =	vst v20  }
0x12f: {  	[tilespmem:$0x14210] =	vst v18  }
0x130: {  	v18 =	vld.idx.msk [tilespmem:v17+s15+$0x0], $0xffff  }
0x131: {  	v19 =	vld.idx.msk [tilespmem:v17+s16+$0x0], $0xffff  }
0x132: {  	v17 =	vld.idx.msk [tilespmem:v17+s17+$0x0], $0xffff;
	_ =	sdelay $0x2  }
0x133: {  	v18 =	vmul.f32 v18, v22  }
0x134: {  	v19 =	vmul.f32 v19, v22;
	s1 =	spop (v2sf)  }
0x135: {  	v17 =	vmul.f32 v17, v22;
	[tilespmem:$0x14020] =	vst v18;
	s1 =	sadd.s32 $0x8000003F, s1  }
0x136: {  	[tilespmem:$0x14120] =	vst v19;
	s3 =	sand.u32 $0x3F, s1  }
0x137: {  	[tilespmem:$0x14220] =	vst v17;
	s31 =	sshra.s32 s1, $0x1F;
	p1 =	slt.s32 s1, $0x1;
	p0 =	sne.s32 s3, $0x0  }
0x138: {  	v17 =	vld.idx.msk [tilespmem:v16+s15+$0x0], $0xffff;
	s3 =	sshrl.u32 s31, $0x1A;
	p0 =	por !p1, !p0  }
0x139: {  	v18 =	vld.idx.msk [tilespmem:v16+s16+$0x0], $0xffff;
	s1 =	sadd.s32 s3, s1;
	s3 =	simm.s32 $0x1;
	p0 =	por !p0, !p0  }
0x13a: {  	v16 =	vld.idx.msk [tilespmem:v16+s17+$0x0], $0xffff;
	s1 =	sshra.s32 s1, $0x6;
	s3 =	simm.s32 @!p0 $0x0  }
0x13b: {  	s1 =	ssub.s32 s1, s3  }
0x13c: {  	p0 =	sgt.s32 s1, $0x0  }
.Ltmp12:
0x13d: {  	v17 =	vmul.f32 v17, v22;
	(pc) =	sbr.rel @!p0 .LBB2_9-.Ltmp12, $4  }
0x13e: {  	v18 =	vmul.f32 v18, v22  }
0x13f: {  	v16 =	vmul.f32 v16, v22;
	[tilespmem:$0x14030] =	vst v17  }
0x140: {  	[tilespmem:$0x14130] =	vst v18  }
0x141: {  	[tilespmem:$0x14230] =	vst v16;
	s12 =	sshll.u32 s1, $0x2  }
0x142: {  	p0 =	sgt.s32 s12, $0x4  }
.Ltmp13:
0x143: {  	s3 =	simm.s32 $0x0;
	(pc) =	sbr.rel @!p0 .LBB2_33-.Ltmp13, $4  }
0x144: {  	s4 =	simm.s32 $0x10;
	s5 =	simm.s32 $0x20;
	s13 =	simm.s32 $0x30;
	v16 =	vor.u32 s3, v5  }
0x145: {  	v17 =	vor.u32 s4, v5;
	v18 =	vor.u32 s5, v5;
	v19 =	vor.u32 s13, v5  }
0x146: {  	vm1 =	vlt.s32 v17, v14;
	vm2 =	vlt.s32 v18, v14;
	vm3 =	vlt.s32 v19, v14  }
0x147: {  	s14 =	simm.s32 $0x4;
	s29 =	simm.s32 $0x11020;
	s13 =	simm.s32 $0x11020;
	v18 =	vsel vm1, $0x501502F9, v6;
	v17 =	vsel vm2, $0x501502F9, v6;
	v19 =	vsel vm3, $0x501502F9, v6  }
.LBB2_32:
0x148: {  	s14 =	sadd.s32 $0x4, s14  }
0x149: {  	vm1 =	vlt.s32 v16, v14;
	[tilespmem:s13+$0x10] =	vst v19;
	s3 =	sadd.s32 $0x40, s3;
	s29 =	sadd.s32 $0x40, s29;
	p0 =	slt.s32 s14, s12  }
.Ltmp14:
0x14a: {  	v19 =	vsel vm1, $0x501502F9, v6;
	[tilespmem:s13+$0xFFFFFFF0] =	vst v18;
	(pc) =	sbr.rel @p0 .LBB2_32-.Ltmp14, $4  }
0x14b: {  	v16 =	vor.u32 s3, v5;
	s4 =	sadd.s32 $0x10, s3;
	s5 =	sadd.s32 $0x20, s3;
	s30 =	sadd.s32 $0x30, s3;
	[tilespmem:s13+$0xFFFFFFE0] =	vst v19  }
0x14c: {  	v18 =	vor.u32 s4, v5;
	v19 =	vor.u32 s5, v5;
	v20 =	vor.u32 s30, v5;
	[tilespmem:s13+$0x0] =	vst v17;
	s13 =	smov.u32 s29  }
0x14d: {  	vm1 =	vlt.s32 v18, v14;
	vm2 =	vlt.s32 v19, v14;
	vm3 =	vlt.s32 v20, v14  }
0x14e: {  	v18 =	vsel vm1, $0x501502F9, v6;
	v17 =	vsel vm2, $0x501502F9, v6;
	v19 =	vsel vm3, $0x501502F9, v6  }
.LBB2_33:
0x14f: {  	[tilespmem:s13+$0x10] =	vst v19  }
0x150: {  	vm1 =	vlt.s32 v16, v14;
	[tilespmem:s13+$0xFFFFFFF0] =	vst v18  }
0x151: {  	[tilespmem:s13+$0x0] =	vst v17;
	v16 =	vsel vm1, $0x501502F9, v6  }
0x152: {  	[tilespmem:s13+$0xFFFFFFE0] =	vst v16  }
.LBB2_9:
.Ltmp15:
0x153: {  	(pc) =	sbr.rel .LBB2_10-.Ltmp15, $4  }
0x154: {  	_ = 	snop  }
0x155: {  	vm1 =	vmmov $0x1  }
0x156: {  	v16 =	vimm.s32 $0x0;
	v17 =	vimm.s32 $0x0;
	v18 =	vimm.s32 $0x0  }
0x157: {  	s13 =	simm.s32 $0x0;
	p0 =	slt.s32 s1, $0x1;
	v19 =	vimm.s32 $0x0;
	v20 =	vimm.s32 $0x0;
	v15 =	vnsel vm1, $0x0, v15  }
.LBB2_11:
0x158: {  	v21 =	vimm.f32 $-3.000000010e+38;
	v22 =	vimm.s32 $0x0  }
.LBB2_12:
0x159: {  	v23 =	vperm.xlane v21, v7;
	_ =	sdelay $0x1  }
0x15a: {  	v23 =	vmax.f32 v21, v23  }
0x15b: {  	v24 =	vperm.xlane v23, v8;
	_ =	sdelay $0x1  }
0x15c: {  	v23 =	vmax.f32 v23, v24  }
0x15d: {  	v24 =	vperm.xlane v23, v9;
	_ =	sdelay $0x1  }
0x15e: {  	v23 =	vmax.f32 v23, v24  }
0x15f: {  	v24 =	vperm.xlane v23, v10;
	_ =	sdelay $0x1  }
0x160: {  	v23 =	vmax.f32 v23, v24  }
0x161: {  	vm1 =	veq.f32 v21, v23  }
0x162: {  	v21 =	vnsel vm1, $0x40000000, v22  }
0x163: {  	v22 =	vperm.xlane v21, v7;
	_ =	sdelay $0x1  }
0x164: {  	vm1 =	vlt.s32 v21, v22  }
0x165: {  	v21 =	vsel vm1, v21, v22  }
0x166: {  	v22 =	vperm.xlane v21, v8;
	_ =	sdelay $0x1  }
0x167: {  	vm1 =	vlt.s32 v21, v22  }
0x168: {  	s1 =	sand.u32 $0xF, s13;
	s3 =	sshrl.u32 s13, $0x4;
	v21 =	vsel vm1, v21, v22  }
0x169: {  	p1 =	seq.s32 s3, $0x0;
	v23 =	vmov s1;
	vm1 =	vmmov vm0;
	v22 =	vperm.xlane v21, v9  }
0x16a: {  	vm4 =	vmmov vm0;
	vm3 =	veq.s32 v23, v5;
	vm1 =	vmneg @p1 vm1;
	p1 =	seq.s32 s3, $0x1  }
0x16b: {  	vm1 =	vmand vm1, vm3;
	vm4 =	vmneg @p1 vm4;
	vm2 =	vlt.s32 v21, v22  }
0x16c: {  	p1 =	seq.s32 s3, $0x2;
	v19 =	vsel vm1, v20, v19;
	v21 =	vsel vm2, v21, v22;
	vm2 =	vmmov vm0  }
0x16d: {  	s13 =	sadd.s32 $0x1, s13;
	vm1 =	vmand vm4, vm3;
	vm4 =	vmmov vm0;
	vm2 =	vmneg @p1 vm2;
	p1 =	seq.s32 s3, $0x3  }
0x16e: {  	v22 =	vperm.xlane v21, v10;
	vm4 =	vmneg @p1 vm4;
	p1 =	seq.s32 s13, $0x40  }
.Ltmp16:
0x16f: {  	_ = 	snop;
	(pc) =	sbr.rel @p1 .LBB2_13-.Ltmp16, $4  }
0x170: {  	v18 =	vsel vm1, v20, v18;
	vm1 =	vlt.s32 v21, v22  }
0x171: {  	v21 =	vsel vm1, v21, v22  }
0x172: {  	vm2 =	vmand vm2, vm3;
	vm3 =	vmand vm4, vm3;
	vm1 =	vgt.s32 v21, $0xFFF  }
0x173: {  	v17 =	vsel vm2, v20, v17;
	v16 =	vsel vm3, v20, v16;
	v20 =	vsel vm1, $0x0, v21  }
.LBB2_10:
.Ltmp17:
0x174: {  	(pc) =	sbr.rel @p0 .LBB2_11-.Ltmp17, $1  }
0x175: {  	_ =	sdelay $0x3  }
0x176: {  	_ =	sdelay $0x3  }
0x177: {  	v21 =	vld.idx.msk [tilespmem:v20+s18+$0x0], $0xffff  }
0x178: {  	v22 =	vld.idx.msk [tilespmem:v20+s19+$0x0], $0xffff  }
0x179: {  	v23 =	vld.idx.msk [tilespmem:v20+s20+$0x0], $0xffff;
	s1 =	simm.s32 $0x9020  }
0x17a: {  	v26 =	vld [tilespmem:s1+$0x10]  }
0x17b: {  	s30 =	simm.s32 $0x7020;
	v27 =	vld [tilespmem:s1+$0x0]  }
0x17c: {  	v28 =	vld [tilespmem:s30+$0x10]  }
0x17d: {  	v30 =	vld [tilespmem:s1+$0xFFFFFFF0]  }
0x17e: {  	v32 =	vld [tilespmem:s30+$0x0]  }
0x17f: {  	v33 =	vld [tilespmem:s1+$0xFFFFFFE0]  }
0x180: {  	s31 =	simm.s32 $0x8020;
	v34 =	vld [tilespmem:s30+$0xFFFFFFE0]  }
0x181: {  	v35 =	vld [tilespmem:s31+$0xFFFFFFE0]  }
0x182: {  	v36 =	vld [tilespmem:s30+$0xFFFFFFF0]  }
0x183: {  	v37 =	vld [tilespmem:s31+$0xFFFFFFF0];
	v38 =	vsub.f32 v27, v23  }
0x184: {  	v39 =	vld [tilespmem:s31+$0x0];
	v27 =	vsub.f32 v26, v23;
	v29 =	vsub.f32 v28, v21  }
0x185: {  	v25 =	vimm.f32 $-3.000000010e+38;
	v31 =	vsub.f32 v30, v23;
	v40 =	vsub.f32 v32, v21  }
0x186: {  	s29 =	simm.s32 $0x0;
	v24 =	vimm.s32 $0x0;
	p1 =	sgt.s32 s12, $0x4;
	v42 =	vld [tilespmem:s31+$0x10];
	v26 =	vsub.f32 v34, v21;
	v30 =	vsub.f32 v35, v22  }
.Ltmp18:
0x187: {  	s14 =	simm.s32 $0x11020;
	v61 =	vsub.f32 v33, v23;
	v28 =	vor.u32 s29, v5;
	v62 =	vsub.f32 v36, v21;
	(pc) =	sbr.rel @!p1 .LBB2_36-.Ltmp18, $4  }
0x188: {  	v41 =	vsub.f32 v37, v22;
	v34 =	vld [tilespmem:s14+$0xFFFFFFE0];
	v63 =	vmul.f32 v26, v26;
	v30 =	vmul.f32 v30, v30  }
0x189: {  	v43 =	vsub.f32 v39, v22;
	v33 =	vld [tilespmem:s14+$0xFFFFFFF0];
	v35 =	vmul.f32 v61, v61;
	v32 =	vmul.f32 v38, v38  }
0x18a: {  	v26 =	vld [tilespmem:s14+$0x10];
	v37 =	vmul.f32 v62, v62;
	v38 =	vmul.f32 v41, v41;
	v36 =	vadd.f32 v30, v63  }
0x18b: {  	s3 =	simm.s32 $0x9060;
	s1 =	simm.s32 $0x4;
	v39 =	vmul.f32 v40, v40;
	v41 =	vmul.f32 v43, v43;
	v40 =	vsub.f32 v42, v22;
	v30 =	vld [tilespmem:s14+$0x0]  }
.LBB2_35:
0x18c: {  	v42 =	vld [tilespmem:s3+$0x10];
	v35 =	vadd.f32 v35, v36;
	v36 =	vadd.f32 v38, v37;
	v31 =	vmul.f32 v31, v31  }
0x18d: {  	v29 =	vmul.f32 v29, v29;
	s30 =	sadd.s32 $0x40, s30;
	v37 =	vld [tilespmem:s3+$0x0];
	v38 =	vadd.f32 v41, v39;
	v39 =	vmul.f32 v40, v40  }
0x18e: {  	v27 =	vmul.f32 v27, v27;
	v40 =	vld [tilespmem:s30+$0x10];
	v34 =	vmin.f32 v34, v35;
	v31 =	vadd.f32 v31, v36  }
0x18f: {  	v35 =	vld [tilespmem:s3+$0xFFFFFFF0];
	[tilespmem:s14+$0xFFFFFFE0] =	vst v34;
	vm1 =	vgt.f32 v34, v25;
	v32 =	vadd.f32 v32, v38;
	v29 =	vadd.f32 v39, v29  }
0x190: {  	s4 =	sadd.s32 $0x10, s29;
	v36 =	vld [tilespmem:s30+$0x0];
	v25 =	vsel vm1, v34, v25;
	v24 =	vsel vm1, v28, v24;
	v28 =	vmin.f32 v33, v31  }
0x191: {  	v31 =	vor.u32 s4, v5;
	v33 =	vld [tilespmem:s3+$0xFFFFFFE0];
	[tilespmem:s14+$0xFFFFFFF0] =	vst v28;
	vm1 =	vgt.f32 v28, v25;
	v27 =	vadd.f32 v27, v29  }
0x192: {  	s5 =	sadd.s32 $0x30, s29;
	s31 =	sadd.s32 $0x40, s31;
	s4 =	sadd.s32 $0x20, s29;
	v34 =	vld [tilespmem:s30+$0xFFFFFFE0];
	v25 =	vsel vm1, v28, v25;
	v24 =	vsel vm1, v31, v24;
	v28 =	vmin.f32 v30, v32  }
0x193: {  	s1 =	sadd.s32 $0x4, s1;
	v29 =	vor.u32 s4, v5;
	v31 =	vor.u32 s5, v5;
	v30 =	vld [tilespmem:s31+$0xFFFFFFE0];
	[tilespmem:s14+$0x0] =	vst v28;
	vm1 =	vgt.f32 v28, v25  }
0x194: {  	p1 =	slt.s32 s1, s12;
	v26 =	vmin.f32 v26, v27;
	v32 =	vld [tilespmem:s30+$0xFFFFFFF0];
	v25 =	vsel vm1, v28, v25;
	v24 =	vsel vm1, v29, v24  }
0x195: {  	v37 =	vsub.f32 v37, v23;
	v27 =	vsub.f32 v42, v23;
	v38 =	vld [tilespmem:s31+$0xFFFFFFF0];
	[tilespmem:s14+$0x10] =	vst v26;
	vm1 =	vgt.f32 v26, v25  }
0x196: {  	v29 =	vsub.f32 v40, v21;
	v39 =	vld [tilespmem:s31+$0x0];
	v25 =	vsel vm1, v26, v25;
	v24 =	vsel vm1, v31, v24  }
0x197: {  	v40 =	vsub.f32 v36, v21;
	v31 =	vsub.f32 v35, v23  }
0x198: {  	s29 =	sadd.s32 $0x40, s29;
	v26 =	vsub.f32 v34, v21;
	v30 =	vsub.f32 v30, v22;
	v42 =	vld [tilespmem:s31+$0x10]  }
.Ltmp19:
0x199: {  	v28 =	vor.u32 s29, v5;
	s14 =	sadd.s32 $0x40, s14;
	v33 =	vsub.f32 v33, v23;
	v41 =	vsub.f32 v32, v21;
	(pc) =	sbr.rel @p1 .LBB2_35-.Ltmp19, $4  }
0x19a: {  	v36 =	vmul.f32 v26, v26;
	v30 =	vmul.f32 v30, v30;
	v38 =	vsub.f32 v38, v22;
	v26 =	vld [tilespmem:s14+$0x10]  }
0x19b: {  	v35 =	vmul.f32 v33, v33;
	v32 =	vmul.f32 v37, v37;
	v34 =	vld [tilespmem:s14+$0xFFFFFFE0];
	v43 =	vsub.f32 v39, v22  }
0x19c: {  	v37 =	vmul.f32 v41, v41;
	v36 =	vadd.f32 v30, v36;
	v38 =	vmul.f32 v38, v38;
	v30 =	vld [tilespmem:s14+$0x0]  }
0x19d: {  	s3 =	sadd.s32 $0x40, s3;
	v39 =	vmul.f32 v40, v40;
	v33 =	vld [tilespmem:s14+$0xFFFFFFF0];
	v41 =	vmul.f32 v43, v43;
	v40 =	vsub.f32 v42, v22  }
.LBB2_36:
0x19e: {  	v21 =	vadd.f32 v35, v36;
	v22 =	vadd.f32 v38, v37;
	v23 =	vmul.f32 v31, v31  }
0x19f: {  	v29 =	vmul.f32 v29, v29;
	v58 =	vadd.f32 v41, v39  }
0x1a0: {  	v59 =	vmul.f32 v40, v40;
	v21 =	vmin.f32 v34, v21;
	v22 =	vadd.f32 v23, v22  }
0x1a1: {  	v23 =	vmul.f32 v27, v27;
	vm1 =	vgt.f32 v21, v25;
	v60 =	vadd.f32 v32, v58  }
0x1a2: {  	s1 =	sadd.s32 $0x10, s29;
	v29 =	vadd.f32 v59, v29;
	v25 =	vsel vm1, v21, v25;
	v22 =	vmin.f32 v33, v22  }
0x1a3: {  	v61 =	vor.u32 s1, v5;
	v24 =	vsel vm1, v28, v24;
	vm1 =	vgt.f32 v22, v25  }
.Ltmp20:
0x1a4: {  	v23 =	vadd.f32 v23, v29;
	v27 =	vmin.f32 v30, v60;
	v25 =	vsel vm1, v22, v25;
	(pc) =	sbr.rel .LBB2_12-.Ltmp20, $4  }
0x1a5: {  	s31 =	sadd.s32 $0x20, s29;
	[tilespmem:s14+$0xFFFFFFE0] =	vst v21;
	v21 =	vsel vm1, v61, v24;
	vm1 =	vgt.f32 v27, v25  }
0x1a6: {  	s3 =	sadd.s32 $0x30, s29;
	[tilespmem:s14+$0xFFFFFFF0] =	vst v22;
	v22 =	vor.u32 s31, v5;
	v23 =	vmin.f32 v26, v23;
	v62 =	vsel vm1, v27, v25  }
0x1a7: {  	v63 =	vor.u32 s3, v5;
	[tilespmem:s14+$0x0] =	vst v27;
	v22 =	vsel vm1, v22, v21;
	vm1 =	vgt.f32 v23, v62  }
0x1a8: {  	[tilespmem:s14+$0x10] =	vst v23;
	v21 =	vsel vm1, v23, v62;
	v22 =	vsel vm1, v63, v22  }
.LBB2_13:
0x1a9: {  	_ =	sdelay $0x3  }
0x1aa: {  	v20 =	vld.idx.msk [tilespmem:v19+s18+$0x0], $0xffff  }
0x1ab: {  	v21 =	vld.idx.msk [tilespmem:v19+s19+$0x0], $0xffff  }
0x1ac: {  	v59 =	vld.idx.msk [tilespmem:v19+s20+$0x0], $0xffff  }
0x1ad: {  	vm1 =	vgt.s32 v14, $0x3F;
	v60 =	vxor.u32 $0x80000000, v13  }
0x1ae: {  	v22 =	vsel vm1, $0x3F800000, v11;
	(xrf0) =	vmax.scan.msk.u32 $0xffff, v60  }
0x1af: {  	v20 =	vmul.f32 v20, v22  }
0x1b0: {  	v21 =	vmul.f32 v21, v22  }
0x1b1: {  	v19 =	vmul.f32 v59, v22;
	[tilespmem:$0x14040] =	vst v20  }
0x1b2: {  	[tilespmem:$0x14140] =	vst v21  }
0x1b3: {  	[tilespmem:$0x14240] =	vst v19  }
0x1b4: {  	v63, _, _ =	vpop (xrf0);
	v19 =	vld.idx.msk [tilespmem:v18+s18+$0x0], $0xffff  }
0x1b5: {  	v61 =	vld.idx.msk [tilespmem:v18+s19+$0x0], $0xffff;
	(v2sf) =	vpush v63, $0xF  }
0x1b6: {  	v62 =	vld.idx.msk [tilespmem:v18+s20+$0x0], $0xffff;
	_ =	sdelay $0x2  }
0x1b7: {  	v19 =	vmul.f32 v19, v22  }
0x1b8: {  	v20 =	vmul.f32 v61, v22  }
0x1b9: {  	v18 =	vmul.f32 v62, v22;
	[tilespmem:$0x14050] =	vst v19  }
0x1ba: {  	[tilespmem:$0x14150] =	vst v20  }
0x1bb: {  	[tilespmem:$0x14250] =	vst v18  }
0x1bc: {  	v18 =	vld.idx.msk [tilespmem:v17+s18+$0x0], $0xffff  }
0x1bd: {  	v19 =	vld.idx.msk [tilespmem:v17+s19+$0x0], $0xffff  }
0x1be: {  	v17 =	vld.idx.msk [tilespmem:v17+s20+$0x0], $0xffff;
	_ =	sdelay $0x2  }
0x1bf: {  	v18 =	vmul.f32 v18, v22  }
0x1c0: {  	v19 =	vmul.f32 v19, v22;
	s1 =	spop (v2sf)  }
0x1c1: {  	v17 =	vmul.f32 v17, v22;
	[tilespmem:$0x14060] =	vst v18;
	s1 =	sadd.s32 $0x8000003F, s1  }
0x1c2: {  	[tilespmem:$0x14160] =	vst v19;
	s3 =	sand.u32 $0x3F, s1  }
0x1c3: {  	[tilespmem:$0x14260] =	vst v17;
	s31 =	sshra.s32 s1, $0x1F;
	p1 =	slt.s32 s1, $0x1;
	p0 =	sne.s32 s3, $0x0  }
0x1c4: {  	v17 =	vld.idx.msk [tilespmem:v16+s18+$0x0], $0xffff;
	s3 =	sshrl.u32 s31, $0x1A;
	p0 =	por !p1, !p0  }
0x1c5: {  	v18 =	vld.idx.msk [tilespmem:v16+s19+$0x0], $0xffff;
	s1 =	sadd.s32 s3, s1;
	s3 =	simm.s32 $0x1;
	p0 =	por !p0, !p0  }
0x1c6: {  	v16 =	vld.idx.msk [tilespmem:v16+s20+$0x0], $0xffff;
	s1 =	sshra.s32 s1, $0x6;
	s3 =	simm.s32 @!p0 $0x0  }
0x1c7: {  	s1 =	ssub.s32 s1, s3  }
0x1c8: {  	p0 =	sgt.s32 s1, $0x0  }
.Ltmp21:
0x1c9: {  	v17 =	vmul.f32 v17, v22;
	(pc) =	sbr.rel @!p0 .LBB2_14-.Ltmp21, $4  }
0x1ca: {  	v18 =	vmul.f32 v18, v22  }
0x1cb: {  	v16 =	vmul.f32 v16, v22;
	[tilespmem:$0x14070] =	vst v17  }
0x1cc: {  	[tilespmem:$0x14170] =	vst v18  }
0x1cd: {  	[tilespmem:$0x14270] =	vst v16;
	s12 =	sshll.u32 s1, $0x2  }
0x1ce: {  	p0 =	sgt.s32 s12, $0x4  }
.Ltmp22:
0x1cf: {  	s3 =	simm.s32 $0x0;
	(pc) =	sbr.rel @!p0 .LBB2_39-.Ltmp22, $4  }
0x1d0: {  	s4 =	simm.s32 $0x10;
	s5 =	simm.s32 $0x20;
	s13 =	simm.s32 $0x30;
	v16 =	vor.u32 s3, v5  }
0x1d1: {  	v17 =	vor.u32 s4, v5;
	v18 =	vor.u32 s5, v5;
	v19 =	vor.u32 s13, v5  }
0x1d2: {  	vm1 =	vlt.s32 v17, v13;
	vm2 =	vlt.s32 v18, v13;
	vm3 =	vlt.s32 v19, v13  }
0x1d3: {  	s14 =	simm.s32 $0x4;
	s29 =	simm.s32 $0x12020;
	s13 =	simm.s32 $0x12020;
	v18 =	vsel vm1, $0x501502F9, v6;
	v17 =	vsel vm2, $0x501502F9, v6;
	v19 =	vsel vm3, $0x501502F9, v6  }
.LBB2_38:
0x1d4: {  	s14 =	sadd.s32 $0x4, s14  }
0x1d5: {  	vm1 =	vlt.s32 v16, v13;
	[tilespmem:s13+$0x10] =	vst v19;
	s3 =	sadd.s32 $0x40, s3;
	s29 =	sadd.s32 $0x40, s29;
	p0 =	slt.s32 s14, s12  }
.Ltmp23:
0x1d6: {  	v19 =	vsel vm1, $0x501502F9, v6;
	[tilespmem:s13+$0xFFFFFFF0] =	vst v18;
	(pc) =	sbr.rel @p0 .LBB2_38-.Ltmp23, $4  }
0x1d7: {  	v16 =	vor.u32 s3, v5;
	s4 =	sadd.s32 $0x10, s3;
	s5 =	sadd.s32 $0x20, s3;
	s30 =	sadd.s32 $0x30, s3;
	[tilespmem:s13+$0xFFFFFFE0] =	vst v19  }
0x1d8: {  	v18 =	vor.u32 s4, v5;
	v19 =	vor.u32 s5, v5;
	v20 =	vor.u32 s30, v5;
	[tilespmem:s13+$0x0] =	vst v17;
	s13 =	smov.u32 s29  }
0x1d9: {  	vm1 =	vlt.s32 v18, v13;
	vm2 =	vlt.s32 v19, v13;
	vm3 =	vlt.s32 v20, v13  }
0x1da: {  	v18 =	vsel vm1, $0x501502F9, v6;
	v17 =	vsel vm2, $0x501502F9, v6;
	v19 =	vsel vm3, $0x501502F9, v6  }
.LBB2_39:
0x1db: {  	[tilespmem:s13+$0x10] =	vst v19  }
0x1dc: {  	vm1 =	vlt.s32 v16, v13;
	[tilespmem:s13+$0xFFFFFFF0] =	vst v18  }
0x1dd: {  	[tilespmem:s13+$0x0] =	vst v17;
	v16 =	vsel vm1, $0x501502F9, v6  }
0x1de: {  	[tilespmem:s13+$0xFFFFFFE0] =	vst v16  }
.LBB2_14:
.Ltmp24:
0x1df: {  	(pc) =	sbr.rel .LBB2_15-.Ltmp24, $4  }
0x1e0: {  	_ = 	snop  }
0x1e1: {  	vm1 =	vcmask $0x310  }
0x1e2: {  	v16 =	vimm.s32 $0x0;
	v17 =	vimm.s32 $0x0;
	v18 =	vimm.s32 $0x0  }
0x1e3: {  	s13 =	simm.s32 $0x0;
	p0 =	slt.s32 s1, $0x1;
	v19 =	vimm.s32 $0x0;
	v14 =	vsel vm1, v15, v14;
	v15 =	vimm.s32 $0x0  }
.LBB2_16:
0x1e4: {  	v20 =	vimm.f32 $-3.000000010e+38;
	v21 =	vimm.s32 $0x0  }
.LBB2_17:
0x1e5: {  	v22 =	vperm.xlane v20, v7;
	_ =	sdelay $0x1  }
0x1e6: {  	v22 =	vmax.f32 v20, v22  }
0x1e7: {  	v23 =	vperm.xlane v22, v8;
	_ =	sdelay $0x1  }
0x1e8: {  	v22 =	vmax.f32 v22, v23  }
0x1e9: {  	v23 =	vperm.xlane v22, v9;
	_ =	sdelay $0x1  }
0x1ea: {  	v22 =	vmax.f32 v22, v23  }
0x1eb: {  	v23 =	vperm.xlane v22, v10;
	_ =	sdelay $0x1  }
0x1ec: {  	v22 =	vmax.f32 v22, v23  }
0x1ed: {  	vm1 =	veq.f32 v20, v22  }
0x1ee: {  	v20 =	vnsel vm1, $0x40000000, v21  }
0x1ef: {  	v21 =	vperm.xlane v20, v7;
	_ =	sdelay $0x1  }
0x1f0: {  	vm1 =	vlt.s32 v20, v21  }
0x1f1: {  	v20 =	vsel vm1, v20, v21  }
0x1f2: {  	v21 =	vperm.xlane v20, v8;
	_ =	sdelay $0x1  }
0x1f3: {  	vm1 =	vlt.s32 v20, v21  }
0x1f4: {  	s1 =	sand.u32 $0xF, s13;
	s3 =	sshrl.u32 s13, $0x4;
	v20 =	vsel vm1, v20, v21  }
0x1f5: {  	v63 =	vmov s1;
	p1 =	seq.s32 s3, $0x0;
	vm1 =	vmmov vm0;
	v21 =	vperm.xlane v20, v9  }
0x1f6: {  	vm4 =	vmmov vm0;
	vm3 =	veq.s32 v63, v5;
	vm1 =	vmneg @p1 vm1;
	p1 =	seq.s32 s3, $0x1  }
0x1f7: {  	vm1 =	vmand vm1, vm3;
	vm4 =	vmneg @p1 vm4;
	vm2 =	vlt.s32 v20, v21  }
0x1f8: {  	p1 =	seq.s32 s3, $0x2;
	v18 =	vsel vm1, v19, v18;
	v20 =	vsel vm2, v20, v21;
	vm2 =	vmmov vm0  }
0x1f9: {  	s13 =	sadd.s32 $0x1, s13;
	vm1 =	vmand vm4, vm3;
	vm4 =	vmmov vm0;
	vm2 =	vmneg @p1 vm2;
	p1 =	seq.s32 s3, $0x3  }
0x1fa: {  	v21 =	vperm.xlane v20, v10;
	vm4 =	vmneg @p1 vm4;
	p1 =	seq.s32 s13, $0x40  }
.Ltmp25:
0x1fb: {  	_ = 	snop;
	(pc) =	sbr.rel @p1 .LBB2_18-.Ltmp25, $4  }
0x1fc: {  	v17 =	vsel vm1, v19, v17;
	vm1 =	vlt.s32 v20, v21  }
0x1fd: {  	v20 =	vsel vm1, v20, v21  }
0x1fe: {  	vm2 =	vmand vm2, vm3;
	vm3 =	vmand vm4, vm3;
	vm1 =	vgt.s32 v20, $0xFFF  }
0x1ff: {  	v16 =	vsel vm2, v19, v16;
	v15 =	vsel vm3, v19, v15;
	v19 =	vsel vm1, $0x0, v20  }
.LBB2_15:
.Ltmp26:
0x200: {  	(pc) =	sbr.rel @p0 .LBB2_16-.Ltmp26, $1  }
0x201: {  	_ =	sdelay $0x3  }
0x202: {  	_ =	sdelay $0x3  }
0x203: {  	v20 =	vld.idx.msk [tilespmem:v19+s22+$0x0], $0xffff  }
0x204: {  	v21 =	vld.idx.msk [tilespmem:v19+s23+$0x0], $0xffff  }
0x205: {  	v22 =	vld.idx.msk [tilespmem:v19+s24+$0x0], $0xffff;
	s1 =	simm.s32 $0xC020  }
0x206: {  	v25 =	vld [tilespmem:s1+$0x10]  }
0x207: {  	s30 =	simm.s32 $0xA020;
	v26 =	vld [tilespmem:s1+$0x0]  }
0x208: {  	v27 =	vld [tilespmem:s30+$0x10]  }
0x209: {  	v29 =	vld [tilespmem:s1+$0xFFFFFFF0]  }
0x20a: {  	v31 =	vld [tilespmem:s30+$0x0]  }
0x20b: {  	v32 =	vld [tilespmem:s1+$0xFFFFFFE0]  }
0x20c: {  	s31 =	simm.s32 $0xB020;
	v33 =	vld [tilespmem:s30+$0xFFFFFFE0]  }
0x20d: {  	v34 =	vld [tilespmem:s31+$0xFFFFFFE0]  }
0x20e: {  	v35 =	vld [tilespmem:s30+$0xFFFFFFF0]  }
0x20f: {  	v36 =	vld [tilespmem:s31+$0xFFFFFFF0];
	v37 =	vsub.f32 v26, v22  }
0x210: {  	v38 =	vld [tilespmem:s31+$0x0];
	v26 =	vsub.f32 v25, v22;
	v28 =	vsub.f32 v27, v20  }
0x211: {  	v24 =	vimm.f32 $-3.000000010e+38;
	v30 =	vsub.f32 v29, v22;
	v39 =	vsub.f32 v31, v20  }
0x212: {  	s29 =	simm.s32 $0x0;
	v23 =	vimm.s32 $0x0;
	p1 =	sgt.s32 s12, $0x4;
	v41 =	vld [tilespmem:s31+$0x10];
	v25 =	vsub.f32 v33, v20;
	v29 =	vsub.f32 v34, v21  }
.Ltmp27:
0x213: {  	s14 =	simm.s32 $0x12020;
	v31 =	vsub.f32 v32, v22;
	v27 =	vor.u32 s29, v5;
	v62 =	vsub.f32 v35, v20;
	(pc) =	sbr.rel @!p1 .LBB2_42-.Ltmp27, $4  }
0x214: {  	v40 =	vsub.f32 v36, v21;
	v33 =	vld [tilespmem:s14+$0xFFFFFFE0];
	v63 =	vmul.f32 v25, v25;
	v29 =	vmul.f32 v29, v29  }
0x215: {  	v42 =	vsub.f32 v38, v21;
	v32 =	vld [tilespmem:s14+$0xFFFFFFF0];
	v34 =	vmul.f32 v31, v31;
	v31 =	vmul.f32 v37, v37  }
0x216: {  	v25 =	vld [tilespmem:s14+$0x10];
	v36 =	vmul.f32 v62, v62;
	v37 =	vmul.f32 v40, v40;
	v35 =	vadd.f32 v29, v63  }
0x217: {  	s3 =	simm.s32 $0xC060;
	s1 =	simm.s32 $0x4;
	v38 =	vmul.f32 v39, v39;
	v40 =	vmul.f32 v42, v42;
	v39 =	vsub.f32 v41, v21;
	v29 =	vld [tilespmem:s14+$0x0]  }
.LBB2_41:
0x218: {  	v41 =	vld [tilespmem:s3+$0x10];
	v34 =	vadd.f32 v34, v35;
	v35 =	vadd.f32 v37, v36;
	v30 =	vmul.f32 v30, v30  }
0x219: {  	v28 =	vmul.f32 v28, v28;
	s30 =	sadd.s32 $0x40, s30;
	v36 =	vld [tilespmem:s3+$0x0];
	v37 =	vadd.f32 v40, v38;
	v38 =	vmul.f32 v39, v39  }
0x21a: {  	v26 =	vmul.f32 v26, v26;
	v39 =	vld [tilespmem:s30+$0x10];
	v33 =	vmin.f32 v33, v34;
	v30 =	vadd.f32 v30, v35  }
0x21b: {  	v34 =	vld [tilespmem:s3+$0xFFFFFFF0];
	[tilespmem:s14+$0xFFFFFFE0] =	vst v33;
	vm1 =	vgt.f32 v33, v24;
	v31 =	vadd.f32 v31, v37;
	v28 =	vadd.f32 v38, v28  }
0x21c: {  	s4 =	sadd.s32 $0x10, s29;
	v35 =	vld [tilespmem:s30+$0x0];
	v24 =	vsel vm1, v33, v24;
	v23 =	vsel vm1, v27, v23;
	v27 =	vmin.f32 v32, v30  }
0x21d: {  	v30 =	vor.u32 s4, v5;
	v32 =	vld [tilespmem:s3+$0xFFFFFFE0];
	[tilespmem:s14+$0xFFFFFFF0] =	vst v27;
	vm1 =	vgt.f32 v27, v24;
	v26 =	vadd.f32 v26, v28  }
0x21e: {  	s5 =	sadd.s32 $0x30, s29;
	s31 =	sadd.s32 $0x40, s31;
	s4 =	sadd.s32 $0x20, s29;
	v33 =	vld [tilespmem:s30+$0xFFFFFFE0];
	v24 =	vsel vm1, v27, v24;
	v23 =	vsel vm1, v30, v23;
	v27 =	vmin.f32 v29, v31  }
0x21f: {  	s1 =	sadd.s32 $0x4, s1;
	v28 =	vor.u32 s4, v5;
	v30 =	vor.u32 s5, v5;
	v29 =	vld [tilespmem:s31+$0xFFFFFFE0];
	[tilespmem:s14+$0x0] =	vst v27;
	vm1 =	vgt.f32 v27, v24  }
0x220: {  	p1 =	slt.s32 s1, s12;
	v25 =	vmin.f32 v25, v26;
	v31 =	vld [tilespmem:s30+$0xFFFFFFF0];
	v24 =	vsel vm1, v27, v24;
	v23 =	vsel vm1, v28, v23  }
0x221: {  	v36 =	vsub.f32 v36, v22;
	v26 =	vsub.f32 v41, v22;
	v37 =	vld [tilespmem:s31+$0xFFFFFFF0];
	[tilespmem:s14+$0x10] =	vst v25;
	vm1 =	vgt.f32 v25, v24  }
0x222: {  	v28 =	vsub.f32 v39, v20;
	v38 =	vld [tilespmem:s31+$0x0];
	v24 =	vsel vm1, v25, v24;
	v23 =	vsel vm1, v30, v23  }
0x223: {  	v39 =	vsub.f32 v35, v20;
	v30 =	vsub.f32 v34, v22  }
0x224: {  	s29 =	sadd.s32 $0x40, s29;
	v25 =	vsub.f32 v33, v20;
	v29 =	vsub.f32 v29, v21;
	v41 =	vld [tilespmem:s31+$0x10]  }
.Ltmp28:
0x225: {  	v27 =	vor.u32 s29, v5;
	s14 =	sadd.s32 $0x40, s14;
	v32 =	vsub.f32 v32, v22;
	v40 =	vsub.f32 v31, v20;
	(pc) =	sbr.rel @p1 .LBB2_41-.Ltmp28, $4  }
0x226: {  	v35 =	vmul.f32 v25, v25;
	v29 =	vmul.f32 v29, v29;
	v37 =	vsub.f32 v37, v21;
	v25 =	vld [tilespmem:s14+$0x10]  }
0x227: {  	v34 =	vmul.f32 v32, v32;
	v31 =	vmul.f32 v36, v36;
	v33 =	vld [tilespmem:s14+$0xFFFFFFE0];
	v42 =	vsub.f32 v38, v21  }
0x228: {  	v36 =	vmul.f32 v40, v40;
	v35 =	vadd.f32 v29, v35;
	v37 =	vmul.f32 v37, v37;
	v29 =	vld [tilespmem:s14+$0x0]  }
0x229: {  	s3 =	sadd.s32 $0x40, s3;
	v38 =	vmul.f32 v39, v39;
	v32 =	vld [tilespmem:s14+$0xFFFFFFF0];
	v40 =	vmul.f32 v42, v42;
	v39 =	vsub.f32 v41, v21  }
.LBB2_42:
0x22a: {  	v20 =	vadd.f32 v34, v35;
	v21 =	vadd.f32 v37, v36;
	v22 =	vmul.f32 v30, v30  }
0x22b: {  	v28 =	vmul.f32 v28, v28;
	v59 =	vadd.f32 v40, v38  }
0x22c: {  	v60 =	vmul.f32 v39, v39;
	v20 =	vmin.f32 v33, v20;
	v21 =	vadd.f32 v22, v21  }
0x22d: {  	v22 =	vmul.f32 v26, v26;
	vm1 =	vgt.f32 v20, v24;
	v61 =	vadd.f32 v31, v59  }
0x22e: {  	s1 =	sadd.s32 $0x10, s29;
	v28 =	vadd.f32 v60, v28;
	v24 =	vsel vm1, v20, v24;
	v21 =	vmin.f32 v32, v21  }
0x22f: {  	v62 =	vor.u32 s1, v5;
	v23 =	vsel vm1, v27, v23;
	vm1 =	vgt.f32 v21, v24  }
.Ltmp29:
0x230: {  	v22 =	vadd.f32 v22, v28;
	v26 =	vmin.f32 v29, v61;
	v24 =	vsel vm1, v21, v24;
	(pc) =	sbr.rel .LBB2_17-.Ltmp29, $4  }
0x231: {  	s31 =	sadd.s32 $0x20, s29;
	[tilespmem:s14+$0xFFFFFFE0] =	vst v20;
	v20 =	vsel vm1, v62, v23;
	vm1 =	vgt.f32 v26, v24  }
0x232: {  	s3 =	sadd.s32 $0x30, s29;
	[tilespmem:s14+$0xFFFFFFF0] =	vst v21;
	v21 =	vor.u32 s31, v5;
	v22 =	vmin.f32 v25, v22;
	v23 =	vsel vm1, v26, v24  }
0x233: {  	v63 =	vor.u32 s3, v5;
	[tilespmem:s14+$0x0] =	vst v26;
	v21 =	vsel vm1, v21, v20;
	vm1 =	vgt.f32 v22, v23  }
0x234: {  	[tilespmem:s14+$0x10] =	vst v22;
	v20 =	vsel vm1, v22, v23;
	v21 =	vsel vm1, v63, v21  }
.LBB2_18:
0x235: {  	_ =	sdelay $0x3  }
0x236: {  	v19 =	vld.idx.msk [tilespmem:v18+s22+$0x0], $0xffff  }
0x237: {  	v20 =	vld.idx.msk [tilespmem:v18+s23+$0x0], $0xffff  }
0x238: {  	v58 =	vld.idx.msk [tilespmem:v18+s24+$0x0], $0xffff  }
0x239: {  	vm1 =	vgt.s32 v13, $0x3F;
	v59 =	vxor.u32 $0x80000000, v12  }
0x23a: {  	v21 =	vsel vm1, $0x3F800000, v11;
	(xrf0) =	vmax.scan.msk.u32 $0xffff, v59  }
0x23b: {  	v19 =	vmul.f32 v19, v21  }
0x23c: {  	v20 =	vmul.f32 v20, v21  }
0x23d: {  	v18 =	vmul.f32 v58, v21;
	[tilespmem:$0x14080] =	vst v19  }
0x23e: {  	[tilespmem:$0x14180] =	vst v20  }
0x23f: {  	[tilespmem:$0x14280] =	vst v18  }
0x240: {  	v62, _, _ =	vpop (xrf0);
	v18 =	vld.idx.msk [tilespmem:v17+s22+$0x0], $0xffff  }
0x241: {  	v60 =	vld.idx.msk [tilespmem:v17+s23+$0x0], $0xffff;
	(v2sf) =	vpush v62, $0xF  }
0x242: {  	v61 =	vld.idx.msk [tilespmem:v17+s24+$0x0], $0xffff;
	_ =	sdelay $0x2  }
0x243: {  	v18 =	vmul.f32 v18, v21  }
0x244: {  	v19 =	vmul.f32 v60, v21  }
0x245: {  	v17 =	vmul.f32 v61, v21;
	[tilespmem:$0x14090] =	vst v18  }
0x246: {  	[tilespmem:$0x14190] =	vst v19  }
0x247: {  	[tilespmem:$0x14290] =	vst v17  }
0x248: {  	v17 =	vld.idx.msk [tilespmem:v16+s22+$0x0], $0xffff  }
0x249: {  	v18 =	vld.idx.msk [tilespmem:v16+s23+$0x0], $0xffff  }
0x24a: {  	v63 =	vld.idx.msk [tilespmem:v16+s24+$0x0], $0xffff;
	_ =	sdelay $0x2  }
0x24b: {  	v17 =	vmul.f32 v17, v21  }
0x24c: {  	v18 =	vmul.f32 v18, v21;
	s1 =	spop (v2sf)  }
0x24d: {  	v16 =	vmul.f32 v63, v21;
	[tilespmem:$0x140A0] =	vst v17;
	s1 =	sadd.s32 $0x8000003F, s1  }
0x24e: {  	[tilespmem:$0x141A0] =	vst v18;
	s3 =	sand.u32 $0x3F, s1  }
0x24f: {  	[tilespmem:$0x142A0] =	vst v16;
	s31 =	sshra.s32 s1, $0x1F;
	p1 =	slt.s32 s1, $0x1;
	p0 =	sne.s32 s3, $0x0  }
0x250: {  	v16 =	vld.idx.msk [tilespmem:v15+s22+$0x0], $0xffff;
	s3 =	sshrl.u32 s31, $0x1A;
	p0 =	por !p1, !p0  }
0x251: {  	v17 =	vld.idx.msk [tilespmem:v15+s23+$0x0], $0xffff;
	s1 =	sadd.s32 s3, s1;
	s3 =	simm.s32 $0x1;
	p0 =	por !p0, !p0  }
0x252: {  	v15 =	vld.idx.msk [tilespmem:v15+s24+$0x0], $0xffff;
	s1 =	sshra.s32 s1, $0x6;
	s3 =	simm.s32 @!p0 $0x0  }
0x253: {  	s1 =	ssub.s32 s1, s3  }
0x254: {  	p0 =	sgt.s32 s1, $0x0  }
.Ltmp30:
0x255: {  	v16 =	vmul.f32 v16, v21;
	(pc) =	sbr.rel @!p0 .LBB2_19-.Ltmp30, $4  }
0x256: {  	v17 =	vmul.f32 v17, v21  }
0x257: {  	v15 =	vmul.f32 v15, v21;
	[tilespmem:$0x140B0] =	vst v16  }
0x258: {  	[tilespmem:$0x141B0] =	vst v17  }
0x259: {  	[tilespmem:$0x142B0] =	vst v15;
	s12 =	sshll.u32 s1, $0x2  }
0x25a: {  	p0 =	sgt.s32 s12, $0x4  }
.Ltmp31:
0x25b: {  	s3 =	simm.s32 $0x0;
	(pc) =	sbr.rel @!p0 .LBB2_45-.Ltmp31, $4  }
0x25c: {  	s4 =	simm.s32 $0x10;
	s5 =	simm.s32 $0x20;
	s13 =	simm.s32 $0x30;
	v15 =	vor.u32 s3, v5  }
0x25d: {  	v16 =	vor.u32 s4, v5;
	v17 =	vor.u32 s5, v5;
	v18 =	vor.u32 s13, v5  }
0x25e: {  	vm1 =	vlt.s32 v16, v12;
	vm2 =	vlt.s32 v17, v12;
	vm3 =	vlt.s32 v18, v12  }
0x25f: {  	s14 =	simm.s32 $0x4;
	s29 =	simm.s32 $0x13020;
	s13 =	simm.s32 $0x13020;
	v17 =	vsel vm1, $0x501502F9, v6;
	v16 =	vsel vm2, $0x501502F9, v6;
	v18 =	vsel vm3, $0x501502F9, v6  }
.LBB2_44:
0x260: {  	s14 =	sadd.s32 $0x4, s14  }
0x261: {  	vm1 =	vlt.s32 v15, v12;
	[tilespmem:s13+$0x10] =	vst v18;
	s3 =	sadd.s32 $0x40, s3;
	s29 =	sadd.s32 $0x40, s29;
	p0 =	slt.s32 s14, s12  }
.Ltmp32:
0x262: {  	v18 =	vsel vm1, $0x501502F9, v6;
	[tilespmem:s13+$0xFFFFFFF0] =	vst v17;
	(pc) =	sbr.rel @p0 .LBB2_44-.Ltmp32, $4  }
0x263: {  	v15 =	vor.u32 s3, v5;
	s4 =	sadd.s32 $0x10, s3;
	s5 =	sadd.s32 $0x20, s3;
	s30 =	sadd.s32 $0x30, s3;
	[tilespmem:s13+$0xFFFFFFE0] =	vst v18  }
0x264: {  	v17 =	vor.u32 s4, v5;
	v18 =	vor.u32 s5, v5;
	v19 =	vor.u32 s30, v5;
	[tilespmem:s13+$0x0] =	vst v16;
	s13 =	smov.u32 s29  }
0x265: {  	vm1 =	vlt.s32 v17, v12;
	vm2 =	vlt.s32 v18, v12;
	vm3 =	vlt.s32 v19, v12  }
0x266: {  	v17 =	vsel vm1, $0x501502F9, v6;
	v16 =	vsel vm2, $0x501502F9, v6;
	v18 =	vsel vm3, $0x501502F9, v6  }
.LBB2_45:
0x267: {  	[tilespmem:s13+$0x10] =	vst v18  }
0x268: {  	vm1 =	vlt.s32 v15, v12;
	[tilespmem:s13+$0xFFFFFFF0] =	vst v17  }
0x269: {  	[tilespmem:s13+$0x0] =	vst v16;
	v15 =	vsel vm1, $0x501502F9, v6  }
0x26a: {  	[tilespmem:s13+$0xFFFFFFE0] =	vst v15  }
.LBB2_19:
.Ltmp33:
0x26b: {  	(pc) =	sbr.rel .LBB2_20-.Ltmp33, $4  }
0x26c: {  	_ = 	snop  }
0x26d: {  	vm1 =	vcmask $0x710  }
0x26e: {  	v15 =	vimm.s32 $0x0;
	v16 =	vimm.s32 $0x0;
	v17 =	vimm.s32 $0x0  }
0x26f: {  	s13 =	simm.s32 $0x0;
	p0 =	slt.s32 s1, $0x1;
	v18 =	vimm.s32 $0x0;
	v13 =	vsel vm1, v14, v13;
	v14 =	vimm.s32 $0x0  }
.LBB2_21:
0x270: {  	v19 =	vimm.f32 $-3.000000010e+38;
	v20 =	vimm.s32 $0x0  }
.LBB2_22:
0x271: {  	v21 =	vperm.xlane v19, v7;
	_ =	sdelay $0x1  }
0x272: {  	v21 =	vmax.f32 v19, v21  }
0x273: {  	v22 =	vperm.xlane v21, v8;
	_ =	sdelay $0x1  }
0x274: {  	v21 =	vmax.f32 v21, v22  }
0x275: {  	v22 =	vperm.xlane v21, v9;
	_ =	sdelay $0x1  }
0x276: {  	v21 =	vmax.f32 v21, v22  }
0x277: {  	v22 =	vperm.xlane v21, v10;
	_ =	sdelay $0x1  }
0x278: {  	v21 =	vmax.f32 v21, v22  }
0x279: {  	vm1 =	veq.f32 v19, v21  }
0x27a: {  	v19 =	vnsel vm1, $0x40000000, v20  }
0x27b: {  	v20 =	vperm.xlane v19, v7;
	_ =	sdelay $0x1  }
0x27c: {  	vm1 =	vlt.s32 v19, v20  }
0x27d: {  	v19 =	vsel vm1, v19, v20  }
0x27e: {  	v20 =	vperm.xlane v19, v8;
	_ =	sdelay $0x1  }
0x27f: {  	vm1 =	vlt.s32 v19, v20  }
0x280: {  	s1 =	sand.u32 $0xF, s13;
	s3 =	sshrl.u32 s13, $0x4;
	v19 =	vsel vm1, v19, v20  }
0x281: {  	v63 =	vmov s1;
	p1 =	seq.s32 s3, $0x0;
	vm1 =	vmmov vm0;
	v20 =	vperm.xlane v19, v9  }
0x282: {  	vm4 =	vmmov vm0;
	vm3 =	veq.s32 v63, v5;
	vm1 =	vmneg @p1 vm1;
	p1 =	seq.s32 s3, $0x1  }
0x283: {  	vm1 =	vmand vm1, vm3;
	vm4 =	vmneg @p1 vm4;
	vm2 =	vlt.s32 v19, v20  }
0x284: {  	p1 =	seq.s32 s3, $0x2;
	v17 =	vsel vm1, v18, v17;
	v19 =	vsel vm2, v19, v20;
	vm2 =	vmmov vm0  }
0x285: {  	s13 =	sadd.s32 $0x1, s13;
	vm1 =	vmand vm4, vm3;
	vm4 =	vmmov vm0;
	vm2 =	vmneg @p1 vm2;
	p1 =	seq.s32 s3, $0x3  }
0x286: {  	v20 =	vperm.xlane v19, v10;
	vm4 =	vmneg @p1 vm4;
	p1 =	seq.s32 s13, $0x40  }
.Ltmp34:
0x287: {  	_ = 	snop;
	(pc) =	sbr.rel @p1 .LBB2_23-.Ltmp34, $4  }
0x288: {  	v16 =	vsel vm1, v18, v16;
	vm1 =	vlt.s32 v19, v20  }
0x289: {  	v19 =	vsel vm1, v19, v20  }
0x28a: {  	vm2 =	vmand vm2, vm3;
	vm3 =	vmand vm4, vm3;
	vm1 =	vgt.s32 v19, $0xFFF  }
0x28b: {  	v15 =	vsel vm2, v18, v15;
	v14 =	vsel vm3, v18, v14;
	v18 =	vsel vm1, $0x0, v19  }
.LBB2_20:
.Ltmp35:
0x28c: {  	(pc) =	sbr.rel @p0 .LBB2_21-.Ltmp35, $1  }
0x28d: {  	_ =	sdelay $0x3  }
0x28e: {  	_ =	sdelay $0x3  }
0x28f: {  	v19 =	vld.idx.msk [tilespmem:v18+s25+$0x0], $0xffff  }
0x290: {  	v20 =	vld.idx.msk [tilespmem:v18+s26+$0x0], $0xffff  }
0x291: {  	v21 =	vld.idx.msk [tilespmem:v18+s28+$0x0], $0xffff;
	s1 =	simm.s32 $0xF020  }
0x292: {  	v24 =	vld [tilespmem:s1+$0x10]  }
0x293: {  	s30 =	simm.s32 $0xD020;
	v25 =	vld [tilespmem:s1+$0x0]  }
0x294: {  	v26 =	vld [tilespmem:s30+$0x10]  }
0x295: {  	v28 =	vld [tilespmem:s1+$0xFFFFFFF0]  }
0x296: {  	v30 =	vld [tilespmem:s30+$0x0]  }
0x297: {  	v31 =	vld [tilespmem:s1+$0xFFFFFFE0]  }
0x298: {  	s31 =	simm.s32 $0xE020;
	v32 =	vld [tilespmem:s30+$0xFFFFFFE0]  }
0x299: {  	v33 =	vld [tilespmem:s31+$0xFFFFFFE0]  }
0x29a: {  	v34 =	vld [tilespmem:s30+$0xFFFFFFF0]  }
0x29b: {  	v35 =	vld [tilespmem:s31+$0xFFFFFFF0];
	v36 =	vsub.f32 v25, v21  }
0x29c: {  	v37 =	vld [tilespmem:s31+$0x0];
	v25 =	vsub.f32 v24, v21;
	v27 =	vsub.f32 v26, v19  }
0x29d: {  	v23 =	vimm.f32 $-3.000000010e+38;
	v29 =	vsub.f32 v28, v21;
	v38 =	vsub.f32 v30, v19  }
0x29e: {  	s29 =	simm.s32 $0x0;
	v22 =	vimm.s32 $0x0;
	p1 =	sgt.s32 s12, $0x4;
	v40 =	vld [tilespmem:s31+$0x10];
	v24 =	vsub.f32 v32, v19;
	v28 =	vsub.f32 v33, v20  }
.Ltmp36:
0x29f: {  	s14 =	simm.s32 $0x13020;
	v30 =	vsub.f32 v31, v21;
	v26 =	vor.u32 s29, v5;
	v31 =	vsub.f32 v34, v19;
	(pc) =	sbr.rel @!p1 .LBB2_48-.Ltmp36, $4  }
0x2a0: {  	v39 =	vsub.f32 v35, v20;
	v32 =	vld [tilespmem:s14+$0xFFFFFFE0];
	v63 =	vmul.f32 v24, v24;
	v28 =	vmul.f32 v28, v28  }
0x2a1: {  	v41 =	vsub.f32 v37, v20;
	v24 =	vld [tilespmem:s14+$0x10];
	v33 =	vmul.f32 v30, v30;
	v30 =	vmul.f32 v36, v36  }
0x2a2: {  	v35 =	vmul.f32 v31, v31;
	v36 =	vmul.f32 v39, v39;
	v31 =	vld [tilespmem:s14+$0xFFFFFFF0];
	v34 =	vadd.f32 v28, v63  }
0x2a3: {  	s3 =	simm.s32 $0xF060;
	s1 =	simm.s32 $0x4;
	v37 =	vmul.f32 v38, v38;
	v39 =	vmul.f32 v41, v41;
	v38 =	vsub.f32 v40, v20;
	v28 =	vld [tilespmem:s14+$0x0]  }
.LBB2_47:
0x2a4: {  	v40 =	vld [tilespmem:s3+$0x10];
	v33 =	vadd.f32 v33, v34;
	v34 =	vadd.f32 v36, v35;
	v29 =	vmul.f32 v29, v29  }
0x2a5: {  	v27 =	vmul.f32 v27, v27;
	s30 =	sadd.s32 $0x40, s30;
	v35 =	vld [tilespmem:s3+$0x0];
	v36 =	vadd.f32 v39, v37;
	v37 =	vmul.f32 v38, v38  }
0x2a6: {  	v25 =	vmul.f32 v25, v25;
	v38 =	vld [tilespmem:s30+$0x10];
	v32 =	vmin.f32 v32, v33;
	v29 =	vadd.f32 v29, v34  }
0x2a7: {  	v33 =	vld [tilespmem:s3+$0xFFFFFFF0];
	[tilespmem:s14+$0xFFFFFFE0] =	vst v32;
	vm1 =	vgt.f32 v32, v23;
	v30 =	vadd.f32 v30, v36;
	v27 =	vadd.f32 v37, v27  }
0x2a8: {  	s4 =	sadd.s32 $0x10, s29;
	v34 =	vld [tilespmem:s30+$0x0];
	v23 =	vsel vm1, v32, v23;
	v22 =	vsel vm1, v26, v22;
	v26 =	vmin.f32 v31, v29  }
0x2a9: {  	v29 =	vor.u32 s4, v5;
	v31 =	vld [tilespmem:s3+$0xFFFFFFE0];
	[tilespmem:s14+$0xFFFFFFF0] =	vst v26;
	vm1 =	vgt.f32 v26, v23;
	v25 =	vadd.f32 v25, v27  }
0x2aa: {  	s5 =	sadd.s32 $0x30, s29;
	s31 =	sadd.s32 $0x40, s31;
	s4 =	sadd.s32 $0x20, s29;
	v32 =	vld [tilespmem:s30+$0xFFFFFFE0];
	v23 =	vsel vm1, v26, v23;
	v22 =	vsel vm1, v29, v22;
	v26 =	vmin.f32 v28, v30  }
0x2ab: {  	s1 =	sadd.s32 $0x4, s1;
	v27 =	vor.u32 s4, v5;
	v29 =	vor.u32 s5, v5;
	v28 =	vld [tilespmem:s31+$0xFFFFFFE0];
	[tilespmem:s14+$0x0] =	vst v26;
	vm1 =	vgt.f32 v26, v23  }
0x2ac: {  	p1 =	slt.s32 s1, s12;
	v24 =	vmin.f32 v24, v25;
	v30 =	vld [tilespmem:s30+$0xFFFFFFF0];
	v23 =	vsel vm1, v26, v23;
	v22 =	vsel vm1, v27, v22  }
0x2ad: {  	v35 =	vsub.f32 v35, v21;
	v25 =	vsub.f32 v40, v21;
	v36 =	vld [tilespmem:s31+$0xFFFFFFF0];
	[tilespmem:s14+$0x10] =	vst v24;
	vm1 =	vgt.f32 v24, v23  }
0x2ae: {  	v27 =	vsub.f32 v38, v19;
	v37 =	vld [tilespmem:s31+$0x0];
	v23 =	vsel vm1, v24, v23;
	v22 =	vsel vm1, v29, v22  }
0x2af: {  	v38 =	vsub.f32 v34, v19;
	v29 =	vsub.f32 v33, v21  }
0x2b0: {  	s29 =	sadd.s32 $0x40, s29;
	v24 =	vsub.f32 v32, v19;
	v28 =	vsub.f32 v28, v20;
	v40 =	vld [tilespmem:s31+$0x10]  }
.Ltmp37:
0x2b1: {  	v26 =	vor.u32 s29, v5;
	s14 =	sadd.s32 $0x40, s14;
	v31 =	vsub.f32 v31, v21;
	v39 =	vsub.f32 v30, v19;
	(pc) =	sbr.rel @p1 .LBB2_47-.Ltmp37, $4  }
0x2b2: {  	v34 =	vmul.f32 v24, v24;
	v28 =	vmul.f32 v28, v28;
	v36 =	vsub.f32 v36, v20;
	v24 =	vld [tilespmem:s14+$0x10]  }
0x2b3: {  	v33 =	vmul.f32 v31, v31;
	v30 =	vmul.f32 v35, v35;
	v32 =	vld [tilespmem:s14+$0xFFFFFFE0];
	v41 =	vsub.f32 v37, v20  }
0x2b4: {  	v35 =	vmul.f32 v39, v39;
	v34 =	vadd.f32 v28, v34;
	v36 =	vmul.f32 v36, v36;
	v28 =	vld [tilespmem:s14+$0x0]  }
0x2b5: {  	s3 =	sadd.s32 $0x40, s3;
	v37 =	vmul.f32 v38, v38;
	v31 =	vld [tilespmem:s14+$0xFFFFFFF0];
	v39 =	vmul.f32 v41, v41;
	v38 =	vsub.f32 v40, v20  }
.LBB2_48:
0x2b6: {  	v19 =	vadd.f32 v33, v34;
	v20 =	vadd.f32 v36, v35;
	v21 =	vmul.f32 v29, v29  }
0x2b7: {  	v27 =	vmul.f32 v27, v27;
	v60 =	vadd.f32 v39, v37  }
0x2b8: {  	v61 =	vmul.f32 v38, v38;
	v19 =	vmin.f32 v32, v19;
	v20 =	vadd.f32 v21, v20  }
0x2b9: {  	v21 =	vmul.f32 v25, v25;
	vm1 =	vgt.f32 v19, v23;
	v62 =	vadd.f32 v30, v60  }
0x2ba: {  	s1 =	sadd.s32 $0x10, s29;
	v27 =	vadd.f32 v61, v27;
	v23 =	vsel vm1, v19, v23;
	v20 =	vmin.f32 v31, v20  }
0x2bb: {  	v63 =	vor.u32 s1, v5;
	v22 =	vsel vm1, v26, v22;
	vm1 =	vgt.f32 v20, v23  }
.Ltmp38:
0x2bc: {  	v21 =	vadd.f32 v21, v27;
	v25 =	vmin.f32 v28, v62;
	v23 =	vsel vm1, v20, v23;
	(pc) =	sbr.rel .LBB2_22-.Ltmp38, $4  }
0x2bd: {  	s31 =	sadd.s32 $0x20, s29;
	[tilespmem:s14+$0xFFFFFFE0] =	vst v19;
	v19 =	vsel vm1, v63, v22;
	vm1 =	vgt.f32 v25, v23  }
0x2be: {  	s3 =	sadd.s32 $0x30, s29;
	[tilespmem:s14+$0xFFFFFFF0] =	vst v20;
	v20 =	vor.u32 s31, v5;
	v21 =	vmin.f32 v24, v21;
	v22 =	vsel vm1, v25, v23  }
0x2bf: {  	[tilespmem:s14+$0x0] =	vst v25;
	v23 =	vor.u32 s3, v5;
	v20 =	vsel vm1, v20, v19;
	vm1 =	vgt.f32 v21, v22  }
0x2c0: {  	[tilespmem:s14+$0x10] =	vst v21;
	v19 =	vsel vm1, v21, v22;
	v20 =	vsel vm1, v23, v20  }
.LBB2_24:
0x2c1: {  	_ =	sfence.sel $0x180000  }
0x2c2: {  	[bflag:$0x0] =	sbarrier.arrive $0xFFFF  }
0x2c3: {  	_ =	strace $0x90000047  }
0x2c4: {  	s0 =	stileid.u32;
	[bflag:$0x2] =	sbarrier.arrive $0xFFFF  }
0x2c5: {  	p0 =	sne.s32 s0, $0x0;
	s0 =	rddreg [dreg:$0x2]  }
0x2c6: {  	s0 =	sadd.s32 @!p0 $0x100000, s0  }
0x2c7: {  	[sflag:s0] =	ssyncadd.tile.s32 @!p0 $0x1;
	_ =	shalt  }
.Lfunc_end2:
_tile_overlayer_lowered:
.L_overlay_start_2:
0x2c8: {  	(tag) =	ssettag $0x2  }
0x2c9: {  	s0 =	rddreg [dreg:$0x0];
	s2 =	stileid.u32  }
0x2ca: {  	s1 =	rddreg [dreg:$0x1];
	p0 =	sne.s32 s2, $0x0  }
0x2cb: {  	s3 =	rddreg [dreg:$0x2];
	[bflag:$0x3] =	sbarrier.arrive $0xFFFF;
	s2 =	simm.s32 @!p0 $0x1C01  }
0x2cc: {  	[timem:s3], [sflag:s2] =	dma.local @!p0 [hbm:s0], s1  }
0x2cd: {  	s0 =	simm.s32 @!p0 $0x1  }
0x2ce: {  	_ =	swait.ge @!p0 [sflag:s0], s1  }
0x2cf: {  	s1 =	ssub.s32 @!p0 $0x0, s1;
	[sflag:s0] =	ssyncset.done @!p0 $0x0  }
0x2d0: {  	[sflag:s0] =	ssyncadd.s32 @!p0 s1  }
0x2d1: {  	[bflag:$0x3] =	sbarrier.arrive $0xFFFF  }
0x2d2: {  	_ =	shalt  }

</sc_bundles>
